<compile_context>
chip_gen: v7x
topology: tpu7x:2x2x1
jax: 0.10.2.dev20260603
libtpu: 0.0.44.dev20260713+nightly
codegen_flags: <defaults>
</compile_context>

<pallas_src>
import functools

import jax
import jax.numpy as jnp
from jax import lax
from jax.experimental import pallas as pl
from jax.experimental.pallas import tpu as pltpu
from jax.experimental.pallas import tpu_sc as plsc

N = 10000
E = 160000
F_IN = 256
H = 128
C = 10

NC, NS = 2, 16
NW = NC * NS
K = 128
EPT = ((E + NW * K - 1) // (NW * K)) * K
E_PAD = EPT * NW
NCHUNK = EPT // K
NP = 10112
RPS = NP // NS

BROWS = 5056
GRID = NP // BROWS

_mesh = plsc.VectorSubcoreMesh(core_axis_name="c", subcore_axis_name="s")



NBUF = 2
TOTCH = E_PAD // K
CH_A = 64
CH_B = 16
CH_MAX = max(CH_A, CH_B)
E_TOT = (TOTCH + CH_MAX) * K


@functools.partial(
    pl.kernel,
    out_type=jax.ShapeDtypeStruct((NC, NP, H), jnp.float32),
    mesh=_mesh,
    scratch_types=[
        pltpu.VMEM((NCHUNK, K), jnp.int32),
        pltpu.VMEM((K, H), jnp.float32),
        pltpu.VMEM_SHARED((NP, H), jnp.float32),
    ],
)
def _sc_hist(dst_hbm, ones_hbm, zeros_hbm, out_hbm, dall, ones_v, acc):
    c = lax.axis_index("c")
    s = lax.axis_index("s")
    wid = c * NS + s
    pltpu.sync_copy(zeros_hbm.at[pl.ds(s * RPS, RPS)],
                    acc.at[pl.ds(s * RPS, RPS)])
    pltpu.sync_copy(dst_hbm.at[pl.ds(wid * NCHUNK, NCHUNK)], dall)
    pltpu.sync_copy(ones_hbm, ones_v)
    plsc.subcore_barrier()

    def body(j, carry):
        pltpu.sync_copy(ones_v, acc.at[dall.at[j]], add=True)
        return carry

    lax.fori_loop(0, NCHUNK, body, 0)
    plsc.subcore_barrier()
    pltpu.sync_copy(acc.at[pl.ds(s * RPS, RPS)],
                    out_hbm.at[c, pl.ds(s * RPS, RPS)])


@functools.partial(
    pl.kernel,
    out_type=jax.ShapeDtypeStruct((NC, NP, H), jnp.float32),
    mesh=_mesh,
    scratch_types=[
        pltpu.VMEM((CH_MAX, K), jnp.int32),
        pltpu.VMEM((CH_MAX, K), jnp.int32),
        [pltpu.VMEM((K, H), jnp.float32)] * NBUF,
        pltpu.VMEM_SHARED((NP, H), jnp.float32),
        [pltpu.SemaphoreType.DMA] * NBUF,
    ],
)
def _sc_prop(y_hbm, src_hbm, dst_hbm, zeros_hbm, out_hbm,
             sall, dall, rows, acc, sems):
    c = lax.axis_index("c")
    s = lax.axis_index("s")
    cnt = jnp.where(c == 0, CH_A, CH_B)
    base = jnp.where(c == 0, s * CH_A, NS * CH_A + s * CH_B)
    pltpu.sync_copy(src_hbm.at[pl.ds(base, CH_MAX)], sall)
    pltpu.sync_copy(dst_hbm.at[pl.ds(base, CH_MAX)], dall)
    pltpu.sync_copy(zeros_hbm.at[pl.ds(s * RPS, RPS)],
                    acc.at[pl.ds(s * RPS, RPS)])
    plsc.subcore_barrier()

    for b in range(NBUF):
        pltpu.async_copy(y_hbm.at[sall.at[b]], rows[b], sems[b])

    ngrp = cnt // NBUF

    def grp(g, carry):
        for b in range(NBUF):
            j = g * NBUF + b
            pltpu.make_async_copy(y_hbm.at[sall.at[b]], rows[b],
                                  sems[b]).wait()
            pltpu.sync_copy(rows[b], acc.at[dall.at[j]], add=True)

            @pl.when(g + 1 < ngrp)
            def _():
                pltpu.async_copy(y_hbm.at[sall.at[j + NBUF]], rows[b],
                                 sems[b])
        return carry

    lax.fori_loop(0, ngrp, grp, 0)
    plsc.subcore_barrier()
    pltpu.sync_copy(acc.at[pl.ds(s * RPS, RPS)],
                    out_hbm.at[c, pl.ds(s * RPS, RPS)])



def _mm1_body(x_ref, w_ref, dg0_ref, dg1_ref, y_ref, dinv_ref):
    i = pl.program_id(0)
    d = dg0_ref[0][:, 0:1] + dg1_ref[0][:, 0:1]
    rid = lax.broadcasted_iota(jnp.int32, (BROWS, 1), 0) + i * BROWS
    dv = jnp.where(rid < N, lax.rsqrt(1.0 + d), 0.0)
    y = dv * jnp.dot(x_ref[...], w_ref[...], preferred_element_type=jnp.float32)
    y_ref[...] = y
    dinv_ref[...] = jnp.broadcast_to(dv, (BROWS, H))


def _layer_body(x_ref, w_ref, b_ref, p0_ref, p1_ref, yprev_ref, dinv_ref,
                yout_ref):
    dv = dinv_ref[...]
    h = jnp.maximum(dv * (p0_ref[0] + p1_ref[0] + yprev_ref[...]) + b_ref[...],
                    0.0)
    z = (jnp.dot(x_ref[...], w_ref[0:F_IN, :],
                 preferred_element_type=jnp.float32)
         + jnp.dot(h, w_ref[F_IN:, :], preferred_element_type=jnp.float32))
    yout_ref[...] = dv * z


def _final_body(x_ref, b4_ref, wl1_ref, bl1_ref, wl2_ref, bl2_ref,
                p0_ref, p1_ref, y4_ref, dinv_ref, out_ref):
    dv = dinv_ref[...]
    h4 = jnp.maximum(dv * (p0_ref[0] + p1_ref[0] + y4_ref[...]) + b4_ref[...],
                     0.0)
    h = jnp.maximum(
        jnp.dot(x_ref[...], wl1_ref[0:F_IN, :],
                preferred_element_type=jnp.float32)
        + jnp.dot(h4, wl1_ref[F_IN:, :], preferred_element_type=jnp.float32)
        + bl1_ref[...], 0.0)
    o = (jnp.dot(x_ref[...], wl2_ref[0:F_IN, :],
                 preferred_element_type=jnp.float32)
         + jnp.dot(h, wl2_ref[F_IN:, :], preferred_element_type=jnp.float32)
         + bl2_ref[...])
    col = lax.broadcasted_iota(jnp.int32, (BROWS, H), 1)
    om = jnp.where(col < C, o, -jnp.inf)
    m = jnp.max(om, axis=1, keepdims=True)
    lse = jnp.log(jnp.sum(jnp.exp(om - m), axis=1, keepdims=True))
    out_ref[...] = (om - m - lse)[:, :C]


def _row_spec(cols):
    return pl.BlockSpec((BROWS, cols), lambda i: (i, 0))


def _part_spec(cols, part):
    return pl.BlockSpec((1, BROWS, cols), lambda i, p=part: (p, i, 0))


def _full_spec(shape):
    return pl.BlockSpec(shape, lambda i: tuple(0 for _ in shape))


def _mm1(x_p, w1, deg):
    return pl.pallas_call(
        _mm1_body,
        grid=(GRID,),
        in_specs=[_row_spec(F_IN), _full_spec((F_IN, H)),
                  _part_spec(H, 0), _part_spec(H, 1)],
        out_specs=[_row_spec(H), _row_spec(H)],
        out_shape=[jax.ShapeDtypeStruct((NP, H), jnp.float32),
                   jax.ShapeDtypeStruct((NP, H), jnp.float32)],
    )(x_p, w1, deg, deg)


def _layer(x_p, w, b_prev, p, y_prev, dinv):
    return pl.pallas_call(
        _layer_body,
        grid=(GRID,),
        in_specs=[_row_spec(F_IN), _full_spec((F_IN + H, H)),
                  _full_spec((1, H)), _part_spec(H, 0), _part_spec(H, 1),
                  _row_spec(H), _row_spec(H)],
        out_specs=_row_spec(H),
        out_shape=jax.ShapeDtypeStruct((NP, H), jnp.float32),
    )(x_p, w, b_prev, p, p, y_prev, dinv)


def _final(x_p, b4, wl1, bl1, wl2_p, bl2_p, p, y4, dinv):
    return pl.pallas_call(
        _final_body,
        grid=(GRID,),
        in_specs=[_row_spec(F_IN), _full_spec((1, H)),
                  _full_spec((F_IN + H, H)), _full_spec((1, H)),
                  _full_spec((F_IN + H, H)), _full_spec((1, H)),
                  _part_spec(H, 0), _part_spec(H, 1),
                  _row_spec(H), _row_spec(H)],
        out_specs=_row_spec(C),
        out_shape=jax.ShapeDtypeStruct((NP, C), jnp.float32),
    )(x_p, b4, wl1, bl1, wl2_p, bl2_p, p, p, y4, dinv)



def kernel(x, edge_index, W1, b1, W2, b2, W3, b3, W4, b4, Wl1, bl1, Wl2, bl2):
    src = edge_index[:, 0]
    dst = edge_index[:, 1]
    pad_idx = jnp.full((E_TOT - E,), N, jnp.int32)
    src_p = jnp.concatenate([src, pad_idx]).reshape(TOTCH + CH_MAX, K)
    dst_p = jnp.concatenate([dst, pad_idx]).reshape(TOTCH + CH_MAX, K)

    x_p = jnp.pad(x, ((0, NP - N), (0, 0)))
    zeros_h = jnp.zeros((NP, H), jnp.float32)
    ones_h = jnp.ones((K, H), jnp.float32)
    wl2_p = jnp.pad(Wl2, ((0, 0), (0, H - C)))
    bl2_p = jnp.pad(bl2, (0, H - C)).reshape(1, H)
    b1r, b2r, b3r, b4r = (b.reshape(1, H) for b in (b1, b2, b3, b4))
    bl1r = bl1.reshape(1, H)

    deg = _sc_hist(dst_p, ones_h, zeros_h)
    y1, dinv = _mm1(x_p, W1, deg)
    p1 = _sc_prop(y1, src_p, dst_p, zeros_h)
    y2 = _layer(x_p, W2, b1r, p1, y1, dinv)
    p2 = _sc_prop(y2, src_p, dst_p, zeros_h)
    y3 = _layer(x_p, W3, b2r, p2, y2, dinv)
    p3 = _sc_prop(y3, src_p, dst_p, zeros_h)
    y4 = _layer(x_p, W4, b3r, p3, y3, dinv)
    p4 = _sc_prop(y4, src_p, dst_p, zeros_h)
    out = _final(x_p, b4r, Wl1, bl1r, wl2_p, bl2_p, p4, y4, dinv)
    return out[:N]

# --- scband reference (transcript-rebuilt; emitter-appended) ---
"""Pipeline reference for scband-graph-conv-nn-83854941487715 (READ-ONLY COPY).

The authoritative reference and input builder live on the scoring server;
editing this copy changes nothing except your own understanding.
"""

import jax, jax.numpy as jnp
import numpy as np

N = 10000
E = 160000
F_IN = 256
H = 128
C = 10


def _glorot(k, shape):
    lim = float(np.sqrt(6.0 / (shape[0] + shape[1])))
    return jax.random.uniform(k, shape, jnp.float32, -lim, lim)


def setup_inputs(seed: int = 0) -> dict:
    key = jax.random.key(seed)
    ks = jax.random.split(key, 16)
    x = jax.random.normal(ks[0], (N, F_IN), dtype=jnp.float32)
    edge_index = jax.random.randint(ks[1], (E, 2), 0, N, dtype=jnp.int32)
    return {
        'x': x,
        'edge_index': edge_index,
        'W1': _glorot(ks[2], (F_IN, H)),
        'b1': jnp.zeros((H,), jnp.float32),
        'W2': _glorot(ks[3], (H + F_IN, H)),
        'b2': jnp.zeros((H,), jnp.float32),
        'W3': _glorot(ks[4], (H + F_IN, H)),
        'b3': jnp.zeros((H,), jnp.float32),
        'W4': _glorot(ks[5], (H + F_IN, H)),
        'b4': jnp.zeros((H,), jnp.float32),
        'Wl1': _glorot(ks[6], (H + F_IN, H)),
        'bl1': jnp.zeros((H,), jnp.float32),
        'Wl2': _glorot(ks[7], (H + F_IN, C)),
        'bl2': jnp.zeros((C,), jnp.float32),
    }


def _gcn_conv(x, src, dst, W, b):
    # PyG-style GCNConv: add self-loops, symmetric normalization, gather-scatter
    n = x.shape[0]
    xw = x @ W
    loop = jnp.arange(n, dtype=src.dtype)
    s = jnp.concatenate([src, loop])
    d = jnp.concatenate([dst, loop])
    deg = jnp.zeros((n,), x.dtype).at[d].add(1.0)
    dinv = jnp.where(deg > 0, jax.lax.rsqrt(jnp.maximum(deg, 1e-12)), 0.0)
    norm = dinv[s] * dinv[d]
    msg = xw[s] * norm[:, None]
    out = jax.ops.segment_sum(msg, d, num_segments=n)
    return out + b


def reference(x, edge_index, W1, b1, W2, b2, W3, b3, W4, b4, Wl1, bl1, Wl2, bl2):
    ei = edge_index.T  # data[1].t().contiguous()
    src, dst = ei[0], ei[1]
    x_in = x
    h = jax.nn.relu(_gcn_conv(x, src, dst, W1, b1))
    h = jnp.concatenate([x_in, h], axis=-1)
    h = jax.nn.relu(_gcn_conv(h, src, dst, W2, b2))
    h = jnp.concatenate([x_in, h], axis=-1)
    h = jax.nn.relu(_gcn_conv(h, src, dst, W3, b3))
    h = jnp.concatenate([x_in, h], axis=-1)
    h = jax.nn.relu(_gcn_conv(h, src, dst, W4, b4))
    h = jax.nn.relu(jnp.concatenate([x_in, h], axis=-1) @ Wl1 + bl1)
    out = jnp.concatenate([x_in, h], axis=-1) @ Wl2 + bl2
    return jax.nn.log_softmax(out, axis=1)

if __name__ == "__main__":
    import jax
    _d = setup_inputs()
    print(jax.jit(kernel)(*tuple(_d.values())))

</pallas_src>

<mosaic_0001>
#map = affine_map<(d0, d1) -> (0, 0)>
#map1 = affine_map<(d0, d1) -> (0, 0, 0)>
module attributes {stable_mosaic.version = 14 : i64} {
  func.func @_sc_prop(%arg0: i32, %arg1: i32, %arg2: memref<10112x128xf32, #tpu.memory_space<hbm>>, %arg3: memref<1344x128xi32, #tpu.memory_space<hbm>>, %arg4: memref<1344x128xi32, #tpu.memory_space<hbm>>, %arg5: memref<10112x128xf32, #tpu.memory_space<hbm>>, %arg6: memref<2x10112x128xf32, #tpu.memory_space<hbm>>, %arg7: memref<64x128xi32, #tpu.memory_space<vmem>>, %arg8: memref<64x128xi32, #tpu.memory_space<vmem>>, %arg9: memref<128x128xf32, #tpu.memory_space<vmem>>, %arg10: memref<128x128xf32, #tpu.memory_space<vmem>>, %arg11: memref<10112x128xf32, #tpu.memory_space<vmem_shared>>, %arg12: memref<!tpu.dma_semaphore, #tpu.memory_space<semaphore_mem>>, %arg13: memref<!tpu.dma_semaphore, #tpu.memory_space<semaphore_mem>>) attributes {dimension_semantics = [#tpu.dimension_semantics<core_parallel>, #tpu.dimension_semantics<subcore_parallel>], iteration_bounds = array<i64: 2, 16>, scalar_prefetch = 0 : i64, scratch_operands = 7 : i64, tpu.core_type = #tpu.core_type<sc_vector_subcore>, window_params = [{transform_indices = #map}, {transform_indices = #map}, {transform_indices = #map}, {transform_indices = #map}, {transform_indices = #map1}]} {
    %eq3A = arith.constant 0 : i32
    %eq3A_0 = arith.cmpi eq, %arg0, %eq3A : i32
    %jit3A = arith.constant 64 : i32
    %jit3A_1 = arith.constant 16 : i32
    %select_n3A = arith.select %eq3A_0, %jit3A, %jit3A_1 : i32
    %eq3A_2 = arith.constant 0 : i32
    %eq3A_3 = arith.cmpi eq, %arg0, %eq3A_2 : i32
    %mul3A = arith.constant 64 : i32
    %mul3A_4 = arith.muli %arg1, %mul3A : i32
    %mul3A_5 = arith.constant 16 : i32
    %mul3A_6 = arith.muli %arg1, %mul3A_5 : i32
    %add3A = arith.constant 1024 : i32
    %add3A_7 = arith.addi %add3A, %mul3A_6 : i32
    %select_n3A_8 = arith.select %eq3A_3, %mul3A_4, %add3A_7 : i32
    "tpu.region"() ({
      %run_scoped3A = tpu.sem_alloc : memref<!tpu.dma_semaphore, #tpu.memory_space<semaphore_mem>>
      %dma_start3A_58 = arith.constant 0 : i32
      %dma_start3A_59 = tpu.memref_slice %arg3[%select_n3A_8, %dma_start3A_58] : memref<1344x128xi32, #tpu.memory_space<hbm>> -> memref<64x128xi32, #tpu.memory_space<hbm>>
      %dma_start3A_60 = arith.constant 0 : i32
      %dma_start3A_61 = tpu.memref_slice %arg3[%select_n3A_8, %dma_start3A_60] : memref<1344x128xi32, #tpu.memory_space<hbm>> -> memref<64x128xi32, #tpu.memory_space<hbm>>
      tpu.enqueue_dma source(%dma_start3A_61 : memref<64x128xi32, #tpu.memory_space<hbm>>) target(%arg7 : memref<64x128xi32, #tpu.memory_space<vmem>>) target_semaphore(%run_scoped3A : memref<!tpu.dma_semaphore, #tpu.memory_space<semaphore_mem>>)
      %dma_wait3A = arith.constant 0 : i32
      %dma_wait3A_62 = tpu.memref_slice %arg3[%select_n3A_8, %dma_wait3A] : memref<1344x128xi32, #tpu.memory_space<hbm>> -> memref<64x128xi32, #tpu.memory_space<hbm>>
      %dma_wait3A_63 = arith.constant 0 : i32
      %dma_wait3A_64 = tpu.memref_slice %arg3[%select_n3A_8, %dma_wait3A_63] : memref<1344x128xi32, #tpu.memory_space<hbm>> -> memref<64x128xi32, #tpu.memory_space<hbm>>
      tpu.wait_dma2 semaphore(%run_scoped3A : memref<!tpu.dma_semaphore, #tpu.memory_space<semaphore_mem>>) src(%dma_wait3A_64 : memref<64x128xi32, #tpu.memory_space<hbm>>) dst(%arg7 : memref<64x128xi32, #tpu.memory_space<vmem>>)
      tpu.yield
    }) : () -> ()
    "tpu.region"() ({
      %run_scoped3A = tpu.sem_alloc : memref<!tpu.dma_semaphore, #tpu.memory_space<semaphore_mem>>
      %dma_start3A_58 = arith.constant 0 : i32
      %dma_start3A_59 = tpu.memref_slice %arg4[%select_n3A_8, %dma_start3A_58] : memref<1344x128xi32, #tpu.memory_space<hbm>> -> memref<64x128xi32, #tpu.memory_space<hbm>>
      %dma_start3A_60 = arith.constant 0 : i32
      %dma_start3A_61 = tpu.memref_slice %arg4[%select_n3A_8, %dma_start3A_60] : memref<1344x128xi32, #tpu.memory_space<hbm>> -> memref<64x128xi32, #tpu.memory_space<hbm>>
      tpu.enqueue_dma source(%dma_start3A_61 : memref<64x128xi32, #tpu.memory_space<hbm>>) target(%arg8 : memref<64x128xi32, #tpu.memory_space<vmem>>) target_semaphore(%run_scoped3A : memref<!tpu.dma_semaphore, #tpu.memory_space<semaphore_mem>>)
      %dma_wait3A = arith.constant 0 : i32
      %dma_wait3A_62 = tpu.memref_slice %arg4[%select_n3A_8, %dma_wait3A] : memref<1344x128xi32, #tpu.memory_space<hbm>> -> memref<64x128xi32, #tpu.memory_space<hbm>>
      %dma_wait3A_63 = arith.constant 0 : i32
      %dma_wait3A_64 = tpu.memref_slice %arg4[%select_n3A_8, %dma_wait3A_63] : memref<1344x128xi32, #tpu.memory_space<hbm>> -> memref<64x128xi32, #tpu.memory_space<hbm>>
      tpu.wait_dma2 semaphore(%run_scoped3A : memref<!tpu.dma_semaphore, #tpu.memory_space<semaphore_mem>>) src(%dma_wait3A_64 : memref<64x128xi32, #tpu.memory_space<hbm>>) dst(%arg8 : memref<64x128xi32, #tpu.memory_space<vmem>>)
      tpu.yield
    }) : () -> ()
    %mul3A_9 = arith.constant 632 : i32
    %mul3A_10 = arith.muli %arg1, %mul3A_9 : i32
    %mul3A_11 = arith.constant 632 : i32
    %mul3A_12 = arith.muli %arg1, %mul3A_11 : i32
    "tpu.region"() ({
      %run_scoped3A = tpu.sem_alloc : memref<!tpu.dma_semaphore, #tpu.memory_space<semaphore_mem>>
      %dma_start3A_58 = arith.constant 0 : i32
      %dma_start3A_59 = tpu.memref_slice %arg11[%mul3A_12, %dma_start3A_58] : memref<10112x128xf32, #tpu.memory_space<vmem_shared>> -> memref<632x128xf32, #tpu.memory_space<vmem_shared>>
      %dma_start3A_60 = arith.constant 0 : i32
      %dma_start3A_61 = tpu.memref_slice %arg5[%mul3A_10, %dma_start3A_60] : memref<10112x128xf32, #tpu.memory_space<hbm>> -> memref<632x128xf32, #tpu.memory_space<hbm>>
      tpu.enqueue_dma source(%dma_start3A_61 : memref<632x128xf32, #tpu.memory_space<hbm>>) target(%dma_start3A_59 : memref<632x128xf32, #tpu.memory_space<vmem_shared>>) target_semaphore(%run_scoped3A : memref<!tpu.dma_semaphore, #tpu.memory_space<semaphore_mem>>)
      %dma_wait3A = arith.constant 0 : i32
      %dma_wait3A_62 = tpu.memref_slice %arg11[%mul3A_12, %dma_wait3A] : memref<10112x128xf32, #tpu.memory_space<vmem_shared>> -> memref<632x128xf32, #tpu.memory_space<vmem_shared>>
      %dma_wait3A_63 = arith.constant 0 : i32
      %dma_wait3A_64 = tpu.memref_slice %arg5[%mul3A_10, %dma_wait3A_63] : memref<10112x128xf32, #tpu.memory_space<hbm>> -> memref<632x128xf32, #tpu.memory_space<hbm>>
      tpu.wait_dma2 semaphore(%run_scoped3A : memref<!tpu.dma_semaphore, #tpu.memory_space<semaphore_mem>>) src(%dma_wait3A_64 : memref<632x128xf32, #tpu.memory_space<hbm>>) dst(%dma_wait3A_62 : memref<632x128xf32, #tpu.memory_space<vmem_shared>>)
      tpu.yield
    }) : () -> ()
    %barrier3A = arith.constant 0 : index
    tpu.barrier barrier_id(%barrier3A)
    %dma_start3A = arith.constant 0 : i32
    %dma_start3A_13 = arith.constant 0 : i32
    %dma_start3A_14 = tpu.memref_slice %arg7[%dma_start3A, %dma_start3A_13] : memref<64x128xi32, #tpu.memory_space<vmem>> -> memref<1x128xi32, #tpu.memory_space<vmem>>
    %dma_start3A_15 = tpu.memref_squeeze %dma_start3A_14 : memref<1x128xi32, #tpu.memory_space<vmem>> -> memref<128xi32, #tpu.memory_space<vmem>>
    %dma_start3A_16 = arith.constant 0 : i32
    %dma_start3A_17 = arith.constant 0 : i32
    %dma_start3A_18 = tpu.memref_slice %arg2[%dma_start3A_16, %dma_start3A_17] : memref<10112x128xf32, #tpu.memory_space<hbm>> -> memref<10112x128xf32, #tpu.memory_space<hbm>>
    tpu.enqueue_indirect_dma source(%dma_start3A_18 : memref<10112x128xf32, #tpu.memory_space<hbm>>) target(%arg9 : memref<128x128xf32, #tpu.memory_space<vmem>>) offsets(%dma_start3A_15 : memref<128xi32, #tpu.memory_space<vmem>>) semaphore(%arg12 : memref<!tpu.dma_semaphore, #tpu.memory_space<semaphore_mem>>)
    %dma_start3A_19 = arith.constant 1 : i32
    %dma_start3A_20 = arith.constant 0 : i32
    %dma_start3A_21 = tpu.memref_slice %arg7[%dma_start3A_19, %dma_start3A_20] : memref<64x128xi32, #tpu.memory_space<vmem>> -> memref<1x128xi32, #tpu.memory_space<vmem>>
    %dma_start3A_22 = tpu.memref_squeeze %dma_start3A_21 : memref<1x128xi32, #tpu.memory_space<vmem>> -> memref<128xi32, #tpu.memory_space<vmem>>
    %dma_start3A_23 = arith.constant 0 : i32
    %dma_start3A_24 = arith.constant 0 : i32
    %dma_start3A_25 = tpu.memref_slice %arg2[%dma_start3A_23, %dma_start3A_24] : memref<10112x128xf32, #tpu.memory_space<hbm>> -> memref<10112x128xf32, #tpu.memory_space<hbm>>
    tpu.enqueue_indirect_dma source(%dma_start3A_25 : memref<10112x128xf32, #tpu.memory_space<hbm>>) target(%arg10 : memref<128x128xf32, #tpu.memory_space<vmem>>) offsets(%dma_start3A_22 : memref<128xi32, #tpu.memory_space<vmem>>) semaphore(%arg13 : memref<!tpu.dma_semaphore, #tpu.memory_space<semaphore_mem>>)
    %jit3A_26 = arith.constant 2 : i32
    %div3A = arith.divsi %select_n3A, %jit3A_26 : i32
    %sign3A = arith.constant 0 : i32
    %sign3A_27 = arith.cmpi sgt, %select_n3A, %sign3A : i32
    %sign3A_28 = arith.extui %sign3A_27 : i1 to i32
    %sign3A_29 = arith.constant 0 : i32
    %sign3A_30 = arith.cmpi slt, %select_n3A, %sign3A_29 : i32
    %sign3A_31 = arith.extui %sign3A_30 : i1 to i32
    %sign3A_32 = arith.subi %sign3A_28, %sign3A_31 : i32
    %sign3A_33 = arith.constant 0 : i32
    %sign3A_34 = arith.cmpi sgt, %jit3A_26, %sign3A_33 : i32
    %sign3A_35 = arith.extui %sign3A_34 : i1 to i32
    %sign3A_36 = arith.constant 0 : i32
    %sign3A_37 = arith.cmpi slt, %jit3A_26, %sign3A_36 : i32
    %sign3A_38 = arith.extui %sign3A_37 : i1 to i32
    %sign3A_39 = arith.subi %sign3A_35, %sign3A_38 : i32
    %ne3A = arith.cmpi ne, %sign3A_32, %sign3A_39 : i32
    %rem3A = arith.remsi %select_n3A, %jit3A_26 : i32
    %ne3A_40 = arith.constant 0 : i32
    %ne3A_41 = arith.cmpi ne, %rem3A, %ne3A_40 : i32
    %and3A = arith.andi %ne3A, %ne3A_41 : i1
    %sub3A = arith.constant 1 : i32
    %sub3A_42 = arith.subi %div3A, %sub3A : i32
    %select_n3A_43 = arith.select %and3A, %sub3A_42, %div3A : i32
    %while3A = arith.constant 0 : i32
    %while3A_44 = arith.constant 0 : i32
    %while3A_45 = arith.subi %select_n3A_43, %while3A_44 : i32
    %while3A_46 = arith.addi %while3A_44, %while3A_45 : i32
    %while3A_47 = arith.constant 1 : i32
    %while3A_48 = arith.divsi %while3A_45, %while3A_47 : i32
    %while3A_49 = arith.muli %while3A_48, %while3A_47 : i32
    %while3A_50 = arith.addi %while3A_44, %while3A_49 : i32
    %while3A_51 = arith.constant 1 : i32
    scf.for %while3A_58 = %while3A_44 to %while3A_50 step %while3A_51  : i32 {
      %mul3A_59 = arith.constant 2 : i32
      %mul3A_60 = arith.muli %while3A_58, %mul3A_59 : i32
      %add3A_61 = arith.constant 0 : i32
      %add3A_62 = arith.addi %mul3A_60, %add3A_61 : i32
      %dma_wait3A = arith.constant 0 : i32
      %dma_wait3A_63 = arith.constant 0 : i32
      %dma_wait3A_64 = tpu.memref_slice %arg7[%dma_wait3A, %dma_wait3A_63] : memref<64x128xi32, #tpu.memory_space<vmem>> -> memref<1x128xi32, #tpu.memory_space<vmem>>
      %dma_wait3A_65 = tpu.memref_squeeze %dma_wait3A_64 : memref<1x128xi32, #tpu.memory_space<vmem>> -> memref<128xi32, #tpu.memory_space<vmem>>
      %dma_wait3A_66 = arith.constant 0 : i32
      %dma_wait3A_67 = arith.constant 0 : i32
      %dma_wait3A_68 = tpu.memref_slice %arg2[%dma_wait3A_66, %dma_wait3A_67] : memref<10112x128xf32, #tpu.memory_space<hbm>> -> memref<10112x128xf32, #tpu.memory_space<hbm>>
      tpu.wait_indirect_dma semaphore(%arg12 : memref<!tpu.dma_semaphore, #tpu.memory_space<semaphore_mem>>) src(%dma_wait3A_68 : memref<10112x128xf32, #tpu.memory_space<hbm>>) dst(%arg9 : memref<128x128xf32, #tpu.memory_space<vmem>>)
      "tpu.region"() ({
        %run_scoped3A = tpu.sem_alloc : memref<!tpu.dma_semaphore, #tpu.memory_space<semaphore_mem>>
        %dma_start3A_89 = arith.constant 0 : i32
        %dma_start3A_90 = tpu.memref_slice %arg8[%add3A_62, %dma_start3A_89] : memref<64x128xi32, #tpu.memory_space<vmem>> -> memref<1x128xi32, #tpu.memory_space<vmem>>
        %dma_start3A_91 = tpu.memref_squeeze %dma_start3A_90 : memref<1x128xi32, #tpu.memory_space<vmem>> -> memref<128xi32, #tpu.memory_space<vmem>>
        %dma_start3A_92 = arith.constant 0 : i32
        %dma_start3A_93 = arith.constant 0 : i32
        %dma_start3A_94 = tpu.memref_slice %arg11[%dma_start3A_92, %dma_start3A_93] : memref<10112x128xf32, #tpu.memory_space<vmem_shared>> -> memref<10112x128xf32, #tpu.memory_space<vmem_shared>>
        tpu.enqueue_indirect_dma source(%arg9 : memref<128x128xf32, #tpu.memory_space<vmem>>) target(%dma_start3A_94 : memref<10112x128xf32, #tpu.memory_space<vmem_shared>>) offsets(%dma_start3A_91 : memref<128xi32, #tpu.memory_space<vmem>>) semaphore(%run_scoped3A : memref<!tpu.dma_semaphore, #tpu.memory_space<semaphore_mem>>) {add = true}
        %dma_wait3A_95 = arith.constant 0 : i32
        %dma_wait3A_96 = tpu.memref_slice %arg8[%add3A_62, %dma_wait3A_95] : memref<64x128xi32, #tpu.memory_space<vmem>> -> memref<1x128xi32, #tpu.memory_space<vmem>>
        %dma_wait3A_97 = tpu.memref_squeeze %dma_wait3A_96 : memref<1x128xi32, #tpu.memory_space<vmem>> -> memref<128xi32, #tpu.memory_space<vmem>>
        %dma_wait3A_98 = arith.constant 0 : i32
        %dma_wait3A_99 = arith.constant 0 : i32
        %dma_wait3A_100 = tpu.memref_slice %arg11[%dma_wait3A_98, %dma_wait3A_99] : memref<10112x128xf32, #tpu.memory_space<vmem_shared>> -> memref<10112x128xf32, #tpu.memory_space<vmem_shared>>
        tpu.wait_indirect_dma semaphore(%run_scoped3A : memref<!tpu.dma_semaphore, #tpu.memory_space<semaphore_mem>>) src(%arg9 : memref<128x128xf32, #tpu.memory_space<vmem>>) dst(%dma_wait3A_100 : memref<10112x128xf32, #tpu.memory_space<vmem_shared>>)
        tpu.yield
      }) : () -> ()
      %add3A_69 = arith.constant 1 : i32
      %add3A_70 = arith.addi %while3A_58, %add3A_69 : i32
      %lt3A = arith.cmpi slt, %add3A_70, %select_n3A_43 : i32
      %convert_element_type3A = arith.extui %lt3A : i1 to i32
      %cond3A = arith.constant 0 : i32
      %cond3A_71 = arith.cmpi ne, %convert_element_type3A, %cond3A : i32
      scf.if %cond3A_71 {
        %add3A_89 = arith.constant 2 : i32
        %add3A_90 = arith.addi %add3A_62, %add3A_89 : i32
        %dma_start3A_91 = arith.constant 0 : i32
        %dma_start3A_92 = tpu.memref_slice %arg7[%add3A_90, %dma_start3A_91] : memref<64x128xi32, #tpu.memory_space<vmem>> -> memref<1x128xi32, #tpu.memory_space<vmem>>
        %dma_start3A_93 = tpu.memref_squeeze %dma_start3A_92 : memref<1x128xi32, #tpu.memory_space<vmem>> -> memref<128xi32, #tpu.memory_space<vmem>>
        %dma_start3A_94 = arith.constant 0 : i32
        %dma_start3A_95 = arith.constant 0 : i32
        %dma_start3A_96 = tpu.memref_slice %arg2[%dma_start3A_94, %dma_start3A_95] : memref<10112x128xf32, #tpu.memory_space<hbm>> -> memref<10112x128xf32, #tpu.memory_space<hbm>>
        tpu.enqueue_indirect_dma source(%dma_start3A_96 : memref<10112x128xf32, #tpu.memory_space<hbm>>) target(%arg9 : memref<128x128xf32, #tpu.memory_space<vmem>>) offsets(%dma_start3A_93 : memref<128xi32, #tpu.memory_space<vmem>>) semaphore(%arg12 : memref<!tpu.dma_semaphore, #tpu.memory_space<semaphore_mem>>)
      } else {
      }
      %mul3A_72 = arith.constant 2 : i32
      %mul3A_73 = arith.muli %while3A_58, %mul3A_72 : i32
      %add3A_74 = arith.constant 1 : i32
      %add3A_75 = arith.addi %mul3A_73, %add3A_74 : i32
      %dma_wait3A_76 = arith.constant 1 : i32
      %dma_wait3A_77 = arith.constant 0 : i32
      %dma_wait3A_78 = tpu.memref_slice %arg7[%dma_wait3A_76, %dma_wait3A_77] : memref<64x128xi32, #tpu.memory_space<vmem>> -> memref<1x128xi32, #tpu.memory_space<vmem>>
      %dma_wait3A_79 = tpu.memref_squeeze %dma_wait3A_78 : memref<1x128xi32, #tpu.memory_space<vmem>> -> memref<128xi32, #tpu.memory_space<vmem>>
      %dma_wait3A_80 = arith.constant 0 : i32
      %dma_wait3A_81 = arith.constant 0 : i32
      %dma_wait3A_82 = tpu.memref_slice %arg2[%dma_wait3A_80, %dma_wait3A_81] : memref<10112x128xf32, #tpu.memory_space<hbm>> -> memref<10112x128xf32, #tpu.memory_space<hbm>>
      tpu.wait_indirect_dma semaphore(%arg13 : memref<!tpu.dma_semaphore, #tpu.memory_space<semaphore_mem>>) src(%dma_wait3A_82 : memref<10112x128xf32, #tpu.memory_space<hbm>>) dst(%arg10 : memref<128x128xf32, #tpu.memory_space<vmem>>)
      "tpu.region"() ({
        %run_scoped3A = tpu.sem_alloc : memref<!tpu.dma_semaphore, #tpu.memory_space<semaphore_mem>>
        %dma_start3A_89 = arith.constant 0 : i32
        %dma_start3A_90 = tpu.memref_slice %arg8[%add3A_75, %dma_start3A_89] : memref<64x128xi32, #tpu.memory_space<vmem>> -> memref<1x128xi32, #tpu.memory_space<vmem>>
        %dma_start3A_91 = tpu.memref_squeeze %dma_start3A_90 : memref<1x128xi32, #tpu.memory_space<vmem>> -> memref<128xi32, #tpu.memory_space<vmem>>
        %dma_start3A_92 = arith.constant 0 : i32
        %dma_start3A_93 = arith.constant 0 : i32
        %dma_start3A_94 = tpu.memref_slice %arg11[%dma_start3A_92, %dma_start3A_93] : memref<10112x128xf32, #tpu.memory_space<vmem_shared>> -> memref<10112x128xf32, #tpu.memory_space<vmem_shared>>
        tpu.enqueue_indirect_dma source(%arg10 : memref<128x128xf32, #tpu.memory_space<vmem>>) target(%dma_start3A_94 : memref<10112x128xf32, #tpu.memory_space<vmem_shared>>) offsets(%dma_start3A_91 : memref<128xi32, #tpu.memory_space<vmem>>) semaphore(%run_scoped3A : memref<!tpu.dma_semaphore, #tpu.memory_space<semaphore_mem>>) {add = true}
        %dma_wait3A_95 = arith.constant 0 : i32
        %dma_wait3A_96 = tpu.memref_slice %arg8[%add3A_75, %dma_wait3A_95] : memref<64x128xi32, #tpu.memory_space<vmem>> -> memref<1x128xi32, #tpu.memory_space<vmem>>
        %dma_wait3A_97 = tpu.memref_squeeze %dma_wait3A_96 : memref<1x128xi32, #tpu.memory_space<vmem>> -> memref<128xi32, #tpu.memory_space<vmem>>
        %dma_wait3A_98 = arith.constant 0 : i32
        %dma_wait3A_99 = arith.constant 0 : i32
        %dma_wait3A_100 = tpu.memref_slice %arg11[%dma_wait3A_98, %dma_wait3A_99] : memref<10112x128xf32, #tpu.memory_space<vmem_shared>> -> memref<10112x128xf32, #tpu.memory_space<vmem_shared>>
        tpu.wait_indirect_dma semaphore(%run_scoped3A : memref<!tpu.dma_semaphore, #tpu.memory_space<semaphore_mem>>) src(%arg10 : memref<128x128xf32, #tpu.memory_space<vmem>>) dst(%dma_wait3A_100 : memref<10112x128xf32, #tpu.memory_space<vmem_shared>>)
        tpu.yield
      }) : () -> ()
      %add3A_83 = arith.constant 1 : i32
      %add3A_84 = arith.addi %while3A_58, %add3A_83 : i32
      %lt3A_85 = arith.cmpi slt, %add3A_84, %select_n3A_43 : i32
      %convert_element_type3A_86 = arith.extui %lt3A_85 : i1 to i32
      %cond3A_87 = arith.constant 0 : i32
      %cond3A_88 = arith.cmpi ne, %convert_element_type3A_86, %cond3A_87 : i32
      scf.if %cond3A_88 {
        %add3A_89 = arith.constant 2 : i32
        %add3A_90 = arith.addi %add3A_75, %add3A_89 : i32
        %dma_start3A_91 = arith.constant 0 : i32
        %dma_start3A_92 = tpu.memref_slice %arg7[%add3A_90, %dma_start3A_91] : memref<64x128xi32, #tpu.memory_space<vmem>> -> memref<1x128xi32, #tpu.memory_space<vmem>>
        %dma_start3A_93 = tpu.memref_squeeze %dma_start3A_92 : memref<1x128xi32, #tpu.memory_space<vmem>> -> memref<128xi32, #tpu.memory_space<vmem>>
        %dma_start3A_94 = arith.constant 0 : i32
        %dma_start3A_95 = arith.constant 0 : i32
        %dma_start3A_96 = tpu.memref_slice %arg2[%dma_start3A_94, %dma_start3A_95] : memref<10112x128xf32, #tpu.memory_space<hbm>> -> memref<10112x128xf32, #tpu.memory_space<hbm>>
        tpu.enqueue_indirect_dma source(%dma_start3A_96 : memref<10112x128xf32, #tpu.memory_space<hbm>>) target(%arg10 : memref<128x128xf32, #tpu.memory_space<vmem>>) offsets(%dma_start3A_93 : memref<128xi32, #tpu.memory_space<vmem>>) semaphore(%arg13 : memref<!tpu.dma_semaphore, #tpu.memory_space<semaphore_mem>>)
      } else {
      }
    }
    %while3A_52 = arith.constant 1 : i32
    scf.for %while3A_58 = %while3A_50 to %while3A_46 step %while3A_52  : i32 {
      %mul3A_59 = arith.constant 2 : i32
      %mul3A_60 = arith.muli %while3A_58, %mul3A_59 : i32
      %add3A_61 = arith.constant 0 : i32
      %add3A_62 = arith.addi %mul3A_60, %add3A_61 : i32
      %dma_wait3A = arith.constant 0 : i32
      %dma_wait3A_63 = arith.constant 0 : i32
      %dma_wait3A_64 = tpu.memref_slice %arg7[%dma_wait3A, %dma_wait3A_63] : memref<64x128xi32, #tpu.memory_space<vmem>> -> memref<1x128xi32, #tpu.memory_space<vmem>>
      %dma_wait3A_65 = tpu.memref_squeeze %dma_wait3A_64 : memref<1x128xi32, #tpu.memory_space<vmem>> -> memref<128xi32, #tpu.memory_space<vmem>>
      %dma_wait3A_66 = arith.constant 0 : i32
      %dma_wait3A_67 = arith.constant 0 : i32
      %dma_wait3A_68 = tpu.memref_slice %arg2[%dma_wait3A_66, %dma_wait3A_67] : memref<10112x128xf32, #tpu.memory_space<hbm>> -> memref<10112x128xf32, #tpu.memory_space<hbm>>
      tpu.wait_indirect_dma semaphore(%arg12 : memref<!tpu.dma_semaphore, #tpu.memory_space<semaphore_mem>>) src(%dma_wait3A_68 : memref<10112x128xf32, #tpu.memory_space<hbm>>) dst(%arg9 : memref<128x128xf32, #tpu.memory_space<vmem>>)
      "tpu.region"() ({
        %run_scoped3A = tpu.sem_alloc : memref<!tpu.dma_semaphore, #tpu.memory_space<semaphore_mem>>
        %dma_start3A_89 = arith.constant 0 : i32
        %dma_start3A_90 = tpu.memref_slice %arg8[%add3A_62, %dma_start3A_89] : memref<64x128xi32, #tpu.memory_space<vmem>> -> memref<1x128xi32, #tpu.memory_space<vmem>>
        %dma_start3A_91 = tpu.memref_squeeze %dma_start3A_90 : memref<1x128xi32, #tpu.memory_space<vmem>> -> memref<128xi32, #tpu.memory_space<vmem>>
        %dma_start3A_92 = arith.constant 0 : i32
        %dma_start3A_93 = arith.constant 0 : i32
        %dma_start3A_94 = tpu.memref_slice %arg11[%dma_start3A_92, %dma_start3A_93] : memref<10112x128xf32, #tpu.memory_space<vmem_shared>> -> memref<10112x128xf32, #tpu.memory_space<vmem_shared>>
        tpu.enqueue_indirect_dma source(%arg9 : memref<128x128xf32, #tpu.memory_space<vmem>>) target(%dma_start3A_94 : memref<10112x128xf32, #tpu.memory_space<vmem_shared>>) offsets(%dma_start3A_91 : memref<128xi32, #tpu.memory_space<vmem>>) semaphore(%run_scoped3A : memref<!tpu.dma_semaphore, #tpu.memory_space<semaphore_mem>>) {add = true}
        %dma_wait3A_95 = arith.constant 0 : i32
        %dma_wait3A_96 = tpu.memref_slice %arg8[%add3A_62, %dma_wait3A_95] : memref<64x128xi32, #tpu.memory_space<vmem>> -> memref<1x128xi32, #tpu.memory_space<vmem>>
        %dma_wait3A_97 = tpu.memref_squeeze %dma_wait3A_96 : memref<1x128xi32, #tpu.memory_space<vmem>> -> memref<128xi32, #tpu.memory_space<vmem>>
        %dma_wait3A_98 = arith.constant 0 : i32
        %dma_wait3A_99 = arith.constant 0 : i32
        %dma_wait3A_100 = tpu.memref_slice %arg11[%dma_wait3A_98, %dma_wait3A_99] : memref<10112x128xf32, #tpu.memory_space<vmem_shared>> -> memref<10112x128xf32, #tpu.memory_space<vmem_shared>>
        tpu.wait_indirect_dma semaphore(%run_scoped3A : memref<!tpu.dma_semaphore, #tpu.memory_space<semaphore_mem>>) src(%arg9 : memref<128x128xf32, #tpu.memory_space<vmem>>) dst(%dma_wait3A_100 : memref<10112x128xf32, #tpu.memory_space<vmem_shared>>)
        tpu.yield
      }) : () -> ()
      %add3A_69 = arith.constant 1 : i32
      %add3A_70 = arith.addi %while3A_58, %add3A_69 : i32
      %lt3A = arith.cmpi slt, %add3A_70, %select_n3A_43 : i32
      %convert_element_type3A = arith.extui %lt3A : i1 to i32
      %cond3A = arith.constant 0 : i32
      %cond3A_71 = arith.cmpi ne, %convert_element_type3A, %cond3A : i32
      scf.if %cond3A_71 {
        %add3A_89 = arith.constant 2 : i32
        %add3A_90 = arith.addi %add3A_62, %add3A_89 : i32
        %dma_start3A_91 = arith.constant 0 : i32
        %dma_start3A_92 = tpu.memref_slice %arg7[%add3A_90, %dma_start3A_91] : memref<64x128xi32, #tpu.memory_space<vmem>> -> memref<1x128xi32, #tpu.memory_space<vmem>>
        %dma_start3A_93 = tpu.memref_squeeze %dma_start3A_92 : memref<1x128xi32, #tpu.memory_space<vmem>> -> memref<128xi32, #tpu.memory_space<vmem>>
        %dma_start3A_94 = arith.constant 0 : i32
        %dma_start3A_95 = arith.constant 0 : i32
        %dma_start3A_96 = tpu.memref_slice %arg2[%dma_start3A_94, %dma_start3A_95] : memref<10112x128xf32, #tpu.memory_space<hbm>> -> memref<10112x128xf32, #tpu.memory_space<hbm>>
        tpu.enqueue_indirect_dma source(%dma_start3A_96 : memref<10112x128xf32, #tpu.memory_space<hbm>>) target(%arg9 : memref<128x128xf32, #tpu.memory_space<vmem>>) offsets(%dma_start3A_93 : memref<128xi32, #tpu.memory_space<vmem>>) semaphore(%arg12 : memref<!tpu.dma_semaphore, #tpu.memory_space<semaphore_mem>>)
      } else {
      }
      %mul3A_72 = arith.constant 2 : i32
      %mul3A_73 = arith.muli %while3A_58, %mul3A_72 : i32
      %add3A_74 = arith.constant 1 : i32
      %add3A_75 = arith.addi %mul3A_73, %add3A_74 : i32
      %dma_wait3A_76 = arith.constant 1 : i32
      %dma_wait3A_77 = arith.constant 0 : i32
      %dma_wait3A_78 = tpu.memref_slice %arg7[%dma_wait3A_76, %dma_wait3A_77] : memref<64x128xi32, #tpu.memory_space<vmem>> -> memref<1x128xi32, #tpu.memory_space<vmem>>
      %dma_wait3A_79 = tpu.memref_squeeze %dma_wait3A_78 : memref<1x128xi32, #tpu.memory_space<vmem>> -> memref<128xi32, #tpu.memory_space<vmem>>
      %dma_wait3A_80 = arith.constant 0 : i32
      %dma_wait3A_81 = arith.constant 0 : i32
      %dma_wait3A_82 = tpu.memref_slice %arg2[%dma_wait3A_80, %dma_wait3A_81] : memref<10112x128xf32, #tpu.memory_space<hbm>> -> memref<10112x128xf32, #tpu.memory_space<hbm>>
      tpu.wait_indirect_dma semaphore(%arg13 : memref<!tpu.dma_semaphore, #tpu.memory_space<semaphore_mem>>) src(%dma_wait3A_82 : memref<10112x128xf32, #tpu.memory_space<hbm>>) dst(%arg10 : memref<128x128xf32, #tpu.memory_space<vmem>>)
      "tpu.region"() ({
        %run_scoped3A = tpu.sem_alloc : memref<!tpu.dma_semaphore, #tpu.memory_space<semaphore_mem>>
        %dma_start3A_89 = arith.constant 0 : i32
        %dma_start3A_90 = tpu.memref_slice %arg8[%add3A_75, %dma_start3A_89] : memref<64x128xi32, #tpu.memory_space<vmem>> -> memref<1x128xi32, #tpu.memory_space<vmem>>
        %dma_start3A_91 = tpu.memref_squeeze %dma_start3A_90 : memref<1x128xi32, #tpu.memory_space<vmem>> -> memref<128xi32, #tpu.memory_space<vmem>>
        %dma_start3A_92 = arith.constant 0 : i32
        %dma_start3A_93 = arith.constant 0 : i32
        %dma_start3A_94 = tpu.memref_slice %arg11[%dma_start3A_92, %dma_start3A_93] : memref<10112x128xf32, #tpu.memory_space<vmem_shared>> -> memref<10112x128xf32, #tpu.memory_space<vmem_shared>>
        tpu.enqueue_indirect_dma source(%arg10 : memref<128x128xf32, #tpu.memory_space<vmem>>) target(%dma_start3A_94 : memref<10112x128xf32, #tpu.memory_space<vmem_shared>>) offsets(%dma_start3A_91 : memref<128xi32, #tpu.memory_space<vmem>>) semaphore(%run_scoped3A : memref<!tpu.dma_semaphore, #tpu.memory_space<semaphore_mem>>) {add = true}
        %dma_wait3A_95 = arith.constant 0 : i32
        %dma_wait3A_96 = tpu.memref_slice %arg8[%add3A_75, %dma_wait3A_95] : memref<64x128xi32, #tpu.memory_space<vmem>> -> memref<1x128xi32, #tpu.memory_space<vmem>>
        %dma_wait3A_97 = tpu.memref_squeeze %dma_wait3A_96 : memref<1x128xi32, #tpu.memory_space<vmem>> -> memref<128xi32, #tpu.memory_space<vmem>>
        %dma_wait3A_98 = arith.constant 0 : i32
        %dma_wait3A_99 = arith.constant 0 : i32
        %dma_wait3A_100 = tpu.memref_slice %arg11[%dma_wait3A_98, %dma_wait3A_99] : memref<10112x128xf32, #tpu.memory_space<vmem_shared>> -> memref<10112x128xf32, #tpu.memory_space<vmem_shared>>
        tpu.wait_indirect_dma semaphore(%run_scoped3A : memref<!tpu.dma_semaphore, #tpu.memory_space<semaphore_mem>>) src(%arg10 : memref<128x128xf32, #tpu.memory_space<vmem>>) dst(%dma_wait3A_100 : memref<10112x128xf32, #tpu.memory_space<vmem_shared>>)
        tpu.yield
      }) : () -> ()
      %add3A_83 = arith.constant 1 : i32
      %add3A_84 = arith.addi %while3A_58, %add3A_83 : i32
      %lt3A_85 = arith.cmpi slt, %add3A_84, %select_n3A_43 : i32
      %convert_element_type3A_86 = arith.extui %lt3A_85 : i1 to i32
      %cond3A_87 = arith.constant 0 : i32
      %cond3A_88 = arith.cmpi ne, %convert_element_type3A_86, %cond3A_87 : i32
      scf.if %cond3A_88 {
        %add3A_89 = arith.constant 2 : i32
        %add3A_90 = arith.addi %add3A_75, %add3A_89 : i32
        %dma_start3A_91 = arith.constant 0 : i32
        %dma_start3A_92 = tpu.memref_slice %arg7[%add3A_90, %dma_start3A_91] : memref<64x128xi32, #tpu.memory_space<vmem>> -> memref<1x128xi32, #tpu.memory_space<vmem>>
        %dma_start3A_93 = tpu.memref_squeeze %dma_start3A_92 : memref<1x128xi32, #tpu.memory_space<vmem>> -> memref<128xi32, #tpu.memory_space<vmem>>
        %dma_start3A_94 = arith.constant 0 : i32
        %dma_start3A_95 = arith.constant 0 : i32
        %dma_start3A_96 = tpu.memref_slice %arg2[%dma_start3A_94, %dma_start3A_95] : memref<10112x128xf32, #tpu.memory_space<hbm>> -> memref<10112x128xf32, #tpu.memory_space<hbm>>
        tpu.enqueue_indirect_dma source(%dma_start3A_96 : memref<10112x128xf32, #tpu.memory_space<hbm>>) target(%arg10 : memref<128x128xf32, #tpu.memory_space<vmem>>) offsets(%dma_start3A_93 : memref<128xi32, #tpu.memory_space<vmem>>) semaphore(%arg13 : memref<!tpu.dma_semaphore, #tpu.memory_space<semaphore_mem>>)
      } else {
      }
    }
    %barrier3A_53 = arith.constant 0 : index
    tpu.barrier barrier_id(%barrier3A_53)
    %mul3A_54 = arith.constant 632 : i32
    %mul3A_55 = arith.muli %arg1, %mul3A_54 : i32
    %mul3A_56 = arith.constant 632 : i32
    %mul3A_57 = arith.muli %arg1, %mul3A_56 : i32
    "tpu.region"() ({
      %run_scoped3A = tpu.sem_alloc : memref<!tpu.dma_semaphore, #tpu.memory_space<semaphore_mem>>
      %dma_start3A_58 = arith.constant 0 : i32
      %dma_start3A_59 = tpu.memref_slice %arg6[%arg0, %mul3A_57, %dma_start3A_58] : memref<2x10112x128xf32, #tpu.memory_space<hbm>> -> memref<1x632x128xf32, #tpu.memory_space<hbm>>
      %dma_start3A_60 = tpu.memref_squeeze %dma_start3A_59 : memref<1x632x128xf32, #tpu.memory_space<hbm>> -> memref<632x128xf32, #tpu.memory_space<hbm>>
      %dma_start3A_61 = arith.constant 0 : i32
      %dma_start3A_62 = tpu.memref_slice %arg11[%mul3A_55, %dma_start3A_61] : memref<10112x128xf32, #tpu.memory_space<vmem_shared>> -> memref<632x128xf32, #tpu.memory_space<vmem_shared>>
      tpu.enqueue_dma source(%dma_start3A_62 : memref<632x128xf32, #tpu.memory_space<vmem_shared>>) target(%dma_start3A_60 : memref<632x128xf32, #tpu.memory_space<hbm>>) target_semaphore(%run_scoped3A : memref<!tpu.dma_semaphore, #tpu.memory_space<semaphore_mem>>)
      %dma_wait3A = arith.constant 0 : i32
      %dma_wait3A_63 = tpu.memref_slice %arg6[%arg0, %mul3A_57, %dma_wait3A] : memref<2x10112x128xf32, #tpu.memory_space<hbm>> -> memref<1x632x128xf32, #tpu.memory_space<hbm>>
      %dma_wait3A_64 = tpu.memref_squeeze %dma_wait3A_63 : memref<1x632x128xf32, #tpu.memory_space<hbm>> -> memref<632x128xf32, #tpu.memory_space<hbm>>
      %dma_wait3A_65 = arith.constant 0 : i32
      %dma_wait3A_66 = tpu.memref_slice %arg11[%mul3A_55, %dma_wait3A_65] : memref<10112x128xf32, #tpu.memory_space<vmem_shared>> -> memref<632x128xf32, #tpu.memory_space<vmem_shared>>
      tpu.wait_dma2 semaphore(%run_scoped3A : memref<!tpu.dma_semaphore, #tpu.memory_space<semaphore_mem>>) src(%dma_wait3A_66 : memref<632x128xf32, #tpu.memory_space<vmem_shared>>) dst(%dma_wait3A_64 : memref<632x128xf32, #tpu.memory_space<hbm>>)
      tpu.yield
    }) : () -> ()
    return
  }
}

#map = affine_map<(d0, d1) -> (0, 0)>
#map1 = affine_map<(d0, d1) -> (0, 0, 0)>
module attributes {stable_mosaic.version = 14 : i64} {
  func.func @_sc_hist(%arg0: i32, %arg1: i32, %arg2: memref<1344x128xi32, #tpu.memory_space<hbm>>, %arg3: memref<128x128xf32, #tpu.memory_space<hbm>>, %arg4: memref<10112x128xf32, #tpu.memory_space<hbm>>, %arg5: memref<2x10112x128xf32, #tpu.memory_space<hbm>>, %arg6: memref<40x128xi32, #tpu.memory_space<vmem>>, %arg7: memref<128x128xf32, #tpu.memory_space<vmem>>, %arg8: memref<10112x128xf32, #tpu.memory_space<vmem_shared>>) attributes {dimension_semantics = [#tpu.dimension_semantics<core_parallel>, #tpu.dimension_semantics<subcore_parallel>], iteration_bounds = array<i64: 2, 16>, scalar_prefetch = 0 : i64, scratch_operands = 3 : i64, tpu.core_type = #tpu.core_type<sc_vector_subcore>, window_params = [{transform_indices = #map}, {transform_indices = #map}, {transform_indices = #map}, {transform_indices = #map1}]} {
    %mul3A = arith.constant 16 : i32
    %mul3A_0 = arith.muli %arg0, %mul3A : i32
    %add3A = arith.addi %mul3A_0, %arg1 : i32
    %mul3A_1 = arith.constant 632 : i32
    %mul3A_2 = arith.muli %arg1, %mul3A_1 : i32
    %mul3A_3 = arith.constant 632 : i32
    %mul3A_4 = arith.muli %arg1, %mul3A_3 : i32
    "tpu.region"() ({
      %run_scoped3A = tpu.sem_alloc : memref<!tpu.dma_semaphore, #tpu.memory_space<semaphore_mem>>
      %dma_start3A = arith.constant 0 : i32
      %dma_start3A_17 = tpu.memref_slice %arg8[%mul3A_4, %dma_start3A] : memref<10112x128xf32, #tpu.memory_space<vmem_shared>> -> memref<632x128xf32, #tpu.memory_space<vmem_shared>>
      %dma_start3A_18 = arith.constant 0 : i32
      %dma_start3A_19 = tpu.memref_slice %arg4[%mul3A_2, %dma_start3A_18] : memref<10112x128xf32, #tpu.memory_space<hbm>> -> memref<632x128xf32, #tpu.memory_space<hbm>>
      tpu.enqueue_dma source(%dma_start3A_19 : memref<632x128xf32, #tpu.memory_space<hbm>>) target(%dma_start3A_17 : memref<632x128xf32, #tpu.memory_space<vmem_shared>>) target_semaphore(%run_scoped3A : memref<!tpu.dma_semaphore, #tpu.memory_space<semaphore_mem>>)
      %dma_wait3A = arith.constant 0 : i32
      %dma_wait3A_20 = tpu.memref_slice %arg8[%mul3A_4, %dma_wait3A] : memref<10112x128xf32, #tpu.memory_space<vmem_shared>> -> memref<632x128xf32, #tpu.memory_space<vmem_shared>>
      %dma_wait3A_21 = arith.constant 0 : i32
      %dma_wait3A_22 = tpu.memref_slice %arg4[%mul3A_2, %dma_wait3A_21] : memref<10112x128xf32, #tpu.memory_space<hbm>> -> memref<632x128xf32, #tpu.memory_space<hbm>>
      tpu.wait_dma2 semaphore(%run_scoped3A : memref<!tpu.dma_semaphore, #tpu.memory_space<semaphore_mem>>) src(%dma_wait3A_22 : memref<632x128xf32, #tpu.memory_space<hbm>>) dst(%dma_wait3A_20 : memref<632x128xf32, #tpu.memory_space<vmem_shared>>)
      tpu.yield
    }) : () -> ()
    %mul3A_5 = arith.constant 40 : i32
    %mul3A_6 = arith.muli %add3A, %mul3A_5 : i32
    "tpu.region"() ({
      %run_scoped3A = tpu.sem_alloc : memref<!tpu.dma_semaphore, #tpu.memory_space<semaphore_mem>>
      %dma_start3A = arith.constant 0 : i32
      %dma_start3A_17 = tpu.memref_slice %arg2[%mul3A_6, %dma_start3A] : memref<1344x128xi32, #tpu.memory_space<hbm>> -> memref<40x128xi32, #tpu.memory_space<hbm>>
      %dma_start3A_18 = arith.constant 0 : i32
      %dma_start3A_19 = tpu.memref_slice %arg2[%mul3A_6, %dma_start3A_18] : memref<1344x128xi32, #tpu.memory_space<hbm>> -> memref<40x128xi32, #tpu.memory_space<hbm>>
      tpu.enqueue_dma source(%dma_start3A_19 : memref<40x128xi32, #tpu.memory_space<hbm>>) target(%arg6 : memref<40x128xi32, #tpu.memory_space<vmem>>) target_semaphore(%run_scoped3A : memref<!tpu.dma_semaphore, #tpu.memory_space<semaphore_mem>>)
      %dma_wait3A = arith.constant 0 : i32
      %dma_wait3A_20 = tpu.memref_slice %arg2[%mul3A_6, %dma_wait3A] : memref<1344x128xi32, #tpu.memory_space<hbm>> -> memref<40x128xi32, #tpu.memory_space<hbm>>
      %dma_wait3A_21 = arith.constant 0 : i32
      %dma_wait3A_22 = tpu.memref_slice %arg2[%mul3A_6, %dma_wait3A_21] : memref<1344x128xi32, #tpu.memory_space<hbm>> -> memref<40x128xi32, #tpu.memory_space<hbm>>
      tpu.wait_dma2 semaphore(%run_scoped3A : memref<!tpu.dma_semaphore, #tpu.memory_space<semaphore_mem>>) src(%dma_wait3A_22 : memref<40x128xi32, #tpu.memory_space<hbm>>) dst(%arg6 : memref<40x128xi32, #tpu.memory_space<vmem>>)
      tpu.yield
    }) : () -> ()
    "tpu.region"() ({
      %run_scoped3A = tpu.sem_alloc : memref<!tpu.dma_semaphore, #tpu.memory_space<semaphore_mem>>
      tpu.enqueue_dma source(%arg3 : memref<128x128xf32, #tpu.memory_space<hbm>>) target(%arg7 : memref<128x128xf32, #tpu.memory_space<vmem>>) target_semaphore(%run_scoped3A : memref<!tpu.dma_semaphore, #tpu.memory_space<semaphore_mem>>)
      tpu.wait_dma2 semaphore(%run_scoped3A : memref<!tpu.dma_semaphore, #tpu.memory_space<semaphore_mem>>) src(%arg3 : memref<128x128xf32, #tpu.memory_space<hbm>>) dst(%arg7 : memref<128x128xf32, #tpu.memory_space<vmem>>)
      tpu.yield
    }) : () -> ()
    %barrier3A = arith.constant 0 : index
    tpu.barrier barrier_id(%barrier3A)
    %scan3A = arith.constant 0 : i32
    %scan3A_7 = arith.constant 0 : i32
    %scan3A_8 = arith.constant 40 : i32
    %scan3A_9 = arith.addi %scan3A_7, %scan3A_8 : i32
    %scan3A_10 = arith.constant 1 : i32
    scf.for %scan3A_17 = %scan3A_7 to %scan3A_9 step %scan3A_10  : i32 {
      "tpu.region"() ({
        %run_scoped3A = tpu.sem_alloc : memref<!tpu.dma_semaphore, #tpu.memory_space<semaphore_mem>>
        %dma_start3A = arith.constant 0 : i32
        %dma_start3A_18 = tpu.memref_slice %arg6[%scan3A_17, %dma_start3A] : memref<40x128xi32, #tpu.memory_space<vmem>> -> memref<1x128xi32, #tpu.memory_space<vmem>>
        %dma_start3A_19 = tpu.memref_squeeze %dma_start3A_18 : memref<1x128xi32, #tpu.memory_space<vmem>> -> memref<128xi32, #tpu.memory_space<vmem>>
        %dma_start3A_20 = arith.constant 0 : i32
        %dma_start3A_21 = arith.constant 0 : i32
        %dma_start3A_22 = tpu.memref_slice %arg8[%dma_start3A_20, %dma_start3A_21] : memref<10112x128xf32, #tpu.memory_space<vmem_shared>> -> memref<10112x128xf32, #tpu.memory_space<vmem_shared>>
        tpu.enqueue_indirect_dma source(%arg7 : memref<128x128xf32, #tpu.memory_space<vmem>>) target(%dma_start3A_22 : memref<10112x128xf32, #tpu.memory_space<vmem_shared>>) offsets(%dma_start3A_19 : memref<128xi32, #tpu.memory_space<vmem>>) semaphore(%run_scoped3A : memref<!tpu.dma_semaphore, #tpu.memory_space<semaphore_mem>>) {add = true}
        %dma_wait3A = arith.constant 0 : i32
        %dma_wait3A_23 = tpu.memref_slice %arg6[%scan3A_17, %dma_wait3A] : memref<40x128xi32, #tpu.memory_space<vmem>> -> memref<1x128xi32, #tpu.memory_space<vmem>>
        %dma_wait3A_24 = tpu.memref_squeeze %dma_wait3A_23 : memref<1x128xi32, #tpu.memory_space<vmem>> -> memref<128xi32, #tpu.memory_space<vmem>>
        %dma_wait3A_25 = arith.constant 0 : i32
        %dma_wait3A_26 = arith.constant 0 : i32
        %dma_wait3A_27 = tpu.memref_slice %arg8[%dma_wait3A_25, %dma_wait3A_26] : memref<10112x128xf32, #tpu.memory_space<vmem_shared>> -> memref<10112x128xf32, #tpu.memory_space<vmem_shared>>
        tpu.wait_indirect_dma semaphore(%run_scoped3A : memref<!tpu.dma_semaphore, #tpu.memory_space<semaphore_mem>>) src(%arg7 : memref<128x128xf32, #tpu.memory_space<vmem>>) dst(%dma_wait3A_27 : memref<10112x128xf32, #tpu.memory_space<vmem_shared>>)
        tpu.yield
      }) : () -> ()
    }
    %scan3A_11 = arith.constant 40 : i32
    %barrier3A_12 = arith.constant 0 : index
    tpu.barrier barrier_id(%barrier3A_12)
    %mul3A_13 = arith.constant 632 : i32
    %mul3A_14 = arith.muli %arg1, %mul3A_13 : i32
    %mul3A_15 = arith.constant 632 : i32
    %mul3A_16 = arith.muli %arg1, %mul3A_15 : i32
    "tpu.region"() ({
      %run_scoped3A = tpu.sem_alloc : memref<!tpu.dma_semaphore, #tpu.memory_space<semaphore_mem>>
      %dma_start3A = arith.constant 0 : i32
      %dma_start3A_17 = tpu.memref_slice %arg5[%arg0, %mul3A_16, %dma_start3A] : memref<2x10112x128xf32, #tpu.memory_space<hbm>> -> memref<1x632x128xf32, #tpu.memory_space<hbm>>
      %dma_start3A_18 = tpu.memref_squeeze %dma_start3A_17 : memref<1x632x128xf32, #tpu.memory_space<hbm>> -> memref<632x128xf32, #tpu.memory_space<hbm>>
      %dma_start3A_19 = arith.constant 0 : i32
      %dma_start3A_20 = tpu.memref_slice %arg8[%mul3A_14, %dma_start3A_19] : memref<10112x128xf32, #tpu.memory_space<vmem_shared>> -> memref<632x128xf32, #tpu.memory_space<vmem_shared>>
      tpu.enqueue_dma source(%dma_start3A_20 : memref<632x128xf32, #tpu.memory_space<vmem_shared>>) target(%dma_start3A_18 : memref<632x128xf32, #tpu.memory_space<hbm>>) target_semaphore(%run_scoped3A : memref<!tpu.dma_semaphore, #tpu.memory_space<semaphore_mem>>)
      %dma_wait3A = arith.constant 0 : i32
      %dma_wait3A_21 = tpu.memref_slice %arg5[%arg0, %mul3A_16, %dma_wait3A] : memref<2x10112x128xf32, #tpu.memory_space<hbm>> -> memref<1x632x128xf32, #tpu.memory_space<hbm>>
      %dma_wait3A_22 = tpu.memref_squeeze %dma_wait3A_21 : memref<1x632x128xf32, #tpu.memory_space<hbm>> -> memref<632x128xf32, #tpu.memory_space<hbm>>
      %dma_wait3A_23 = arith.constant 0 : i32
      %dma_wait3A_24 = tpu.memref_slice %arg8[%mul3A_14, %dma_wait3A_23] : memref<10112x128xf32, #tpu.memory_space<vmem_shared>> -> memref<632x128xf32, #tpu.memory_space<vmem_shared>>
      tpu.wait_dma2 semaphore(%run_scoped3A : memref<!tpu.dma_semaphore, #tpu.memory_space<semaphore_mem>>) src(%dma_wait3A_24 : memref<632x128xf32, #tpu.memory_space<vmem_shared>>) dst(%dma_wait3A_22 : memref<632x128xf32, #tpu.memory_space<hbm>>)
      tpu.yield
    }) : () -> ()
    return
  }
}

#map = affine_map<(d0, d1) -> (0, 0)>
#map1 = affine_map<(d0, d1) -> (0, 0, 0)>
module attributes {stable_mosaic.version = 14 : i64} {
  func.func @_sc_prop(%arg0: i32, %arg1: i32, %arg2: memref<10112x128xf32, #tpu.memory_space<hbm>>, %arg3: memref<1344x128xi32, #tpu.memory_space<hbm>>, %arg4: memref<1344x128xi32, #tpu.memory_space<hbm>>, %arg5: memref<10112x128xf32, #tpu.memory_space<hbm>>, %arg6: memref<2x10112x128xf32, #tpu.memory_space<hbm>>, %arg7: memref<64x128xi32, #tpu.memory_space<vmem>>, %arg8: memref<64x128xi32, #tpu.memory_space<vmem>>, %arg9: memref<128x128xf32, #tpu.memory_space<vmem>>, %arg10: memref<128x128xf32, #tpu.memory_space<vmem>>, %arg11: memref<10112x128xf32, #tpu.memory_space<vmem_shared>>, %arg12: memref<!tpu.dma_semaphore, #tpu.memory_space<semaphore_mem>>, %arg13: memref<!tpu.dma_semaphore, #tpu.memory_space<semaphore_mem>>) attributes {dimension_semantics = [#tpu.dimension_semantics<core_parallel>, #tpu.dimension_semantics<subcore_parallel>], iteration_bounds = array<i64: 2, 16>, scalar_prefetch = 0 : i64, scratch_operands = 7 : i64, tpu.core_type = #tpu.core_type<sc_vector_subcore>, window_params = [{transform_indices = #map}, {transform_indices = #map}, {transform_indices = #map}, {transform_indices = #map}, {transform_indices = #map1}]} {
    %eq3A = arith.constant 0 : i32
    %eq3A_0 = arith.cmpi eq, %arg0, %eq3A : i32
    %jit3A = arith.constant 64 : i32
    %jit3A_1 = arith.constant 16 : i32
    %select_n3A = arith.select %eq3A_0, %jit3A, %jit3A_1 : i32
    %eq3A_2 = arith.constant 0 : i32
    %eq3A_3 = arith.cmpi eq, %arg0, %eq3A_2 : i32
    %mul3A = arith.constant 64 : i32
    %mul3A_4 = arith.muli %arg1, %mul3A : i32
    %mul3A_5 = arith.constant 16 : i32
    %mul3A_6 = arith.muli %arg1, %mul3A_5 : i32
    %add3A = arith.constant 1024 : i32
    %add3A_7 = arith.addi %add3A, %mul3A_6 : i32
    %select_n3A_8 = arith.select %eq3A_3, %mul3A_4, %add3A_7 : i32
    "tpu.region"() ({
      %run_scoped3A = tpu.sem_alloc : memref<!tpu.dma_semaphore, #tpu.memory_space<semaphore_mem>>
      %dma_start3A_58 = arith.constant 0 : i32
      %dma_start3A_59 = tpu.memref_slice %arg3[%select_n3A_8, %dma_start3A_58] : memref<1344x128xi32, #tpu.memory_space<hbm>> -> memref<64x128xi32, #tpu.memory_space<hbm>>
      %dma_start3A_60 = arith.constant 0 : i32
      %dma_start3A_61 = tpu.memref_slice %arg3[%select_n3A_8, %dma_start3A_60] : memref<1344x128xi32, #tpu.memory_space<hbm>> -> memref<64x128xi32, #tpu.memory_space<hbm>>
      tpu.enqueue_dma source(%dma_start3A_61 : memref<64x128xi32, #tpu.memory_space<hbm>>) target(%arg7 : memref<64x128xi32, #tpu.memory_space<vmem>>) target_semaphore(%run_scoped3A : memref<!tpu.dma_semaphore, #tpu.memory_space<semaphore_mem>>)
      %dma_wait3A = arith.constant 0 : i32
      %dma_wait3A_62 = tpu.memref_slice %arg3[%select_n3A_8, %dma_wait3A] : memref<1344x128xi32, #tpu.memory_space<hbm>> -> memref<64x128xi32, #tpu.memory_space<hbm>>
      %dma_wait3A_63 = arith.constant 0 : i32
      %dma_wait3A_64 = tpu.memref_slice %arg3[%select_n3A_8, %dma_wait3A_63] : memref<1344x128xi32, #tpu.memory_space<hbm>> -> memref<64x128xi32, #tpu.memory_space<hbm>>
      tpu.wait_dma2 semaphore(%run_scoped3A : memref<!tpu.dma_semaphore, #tpu.memory_space<semaphore_mem>>) src(%dma_wait3A_64 : memref<64x128xi32, #tpu.memory_space<hbm>>) dst(%arg7 : memref<64x128xi32, #tpu.memory_space<vmem>>)
      tpu.yield
    }) : () -> ()
    "tpu.region"() ({
      %run_scoped3A = tpu.sem_alloc : memref<!tpu.dma_semaphore, #tpu.memory_space<semaphore_mem>>
      %dma_start3A_58 = arith.constant 0 : i32
      %dma_start3A_59 = tpu.memref_slice %arg4[%select_n3A_8, %dma_start3A_58] : memref<1344x128xi32, #tpu.memory_space<hbm>> -> memref<64x128xi32, #tpu.memory_space<hbm>>
      %dma_start3A_60 = arith.constant 0 : i32
      %dma_start3A_61 = tpu.memref_slice %arg4[%select_n3A_8, %dma_start3A_60] : memref<1344x128xi32, #tpu.memory_space<hbm>> -> memref<64x128xi32, #tpu.memory_space<hbm>>
      tpu.enqueue_dma source(%dma_start3A_61 : memref<64x128xi32, #tpu.memory_space<hbm>>) target(%arg8 : memref<64x128xi32, #tpu.memory_space<vmem>>) target_semaphore(%run_scoped3A : memref<!tpu.dma_semaphore, #tpu.memory_space<semaphore_mem>>)
      %dma_wait3A = arith.constant 0 : i32
      %dma_wait3A_62 = tpu.memref_slice %arg4[%select_n3A_8, %dma_wait3A] : memref<1344x128xi32, #tpu.memory_space<hbm>> -> memref<64x128xi32, #tpu.memory_space<hbm>>
      %dma_wait3A_63 = arith.constant 0 : i32
      %dma_wait3A_64 = tpu.memref_slice %arg4[%select_n3A_8, %dma_wait3A_63] : memref<1344x128xi32, #tpu.memory_space<hbm>> -> memref<64x128xi32, #tpu.memory_space<hbm>>
      tpu.wait_dma2 semaphore(%run_scoped3A : memref<!tpu.dma_semaphore, #tpu.memory_space<semaphore_mem>>) src(%dma_wait3A_64 : memref<64x128xi32, #tpu.memory_space<hbm>>) dst(%arg8 : memref<64x128xi32, #tpu.memory_space<vmem>>)
      tpu.yield
    }) : () -> ()
    %mul3A_9 = arith.constant 632 : i32
    %mul3A_10 = arith.muli %arg1, %mul3A_9 : i32
    %mul3A_11 = arith.constant 632 : i32
    %mul3A_12 = arith.muli %arg1, %mul3A_11 : i32
    "tpu.region"() ({
      %run_scoped3A = tpu.sem_alloc : memref<!tpu.dma_semaphore, #tpu.memory_space<semaphore_mem>>
      %dma_start3A_58 = arith.constant 0 : i32
      %dma_start3A_59 = tpu.memref_slice %arg11[%mul3A_12, %dma_start3A_58] : memref<10112x128xf32, #tpu.memory_space<vmem_shared>> -> memref<632x128xf32, #tpu.memory_space<vmem_shared>>
      %dma_start3A_60 = arith.constant 0 : i32
      %dma_start3A_61 = tpu.memref_slice %arg5[%mul3A_10, %dma_start3A_60] : memref<10112x128xf32, #tpu.memory_space<hbm>> -> memref<632x128xf32, #tpu.memory_space<hbm>>
      tpu.enqueue_dma source(%dma_start3A_61 : memref<632x128xf32, #tpu.memory_space<hbm>>) target(%dma_start3A_59 : memref<632x128xf32, #tpu.memory_space<vmem_shared>>) target_semaphore(%run_scoped3A : memref<!tpu.dma_semaphore, #tpu.memory_space<semaphore_mem>>)
      %dma_wait3A = arith.constant 0 : i32
      %dma_wait3A_62 = tpu.memref_slice %arg11[%mul3A_12, %dma_wait3A] : memref<10112x128xf32, #tpu.memory_space<vmem_shared>> -> memref<632x128xf32, #tpu.memory_space<vmem_shared>>
      %dma_wait3A_63 = arith.constant 0 : i32
      %dma_wait3A_64 = tpu.memref_slice %arg5[%mul3A_10, %dma_wait3A_63] : memref<10112x128xf32, #tpu.memory_space<hbm>> -> memref<632x128xf32, #tpu.memory_space<hbm>>
      tpu.wait_dma2 semaphore(%run_scoped3A : memref<!tpu.dma_semaphore, #tpu.memory_space<semaphore_mem>>) src(%dma_wait3A_64 : memref<632x128xf32, #tpu.memory_space<hbm>>) dst(%dma_wait3A_62 : memref<632x128xf32, #tpu.memory_space<vmem_shared>>)
      tpu.yield
    }) : () -> ()
    %barrier3A = arith.constant 0 : index
    tpu.barrier barrier_id(%barrier3A)
    %dma_start3A = arith.constant 0 : i32
    %dma_start3A_13 = arith.constant 0 : i32
    %dma_start3A_14 = tpu.memref_slice %arg7[%dma_start3A, %dma_start3A_13] : memref<64x128xi32, #tpu.memory_space<vmem>> -> memref<1x128xi32, #tpu.memory_space<vmem>>
    %dma_start3A_15 = tpu.memref_squeeze %dma_start3A_14 : memref<1x128xi32, #tpu.memory_space<vmem>> -> memref<128xi32, #tpu.memory_space<vmem>>
    %dma_start3A_16 = arith.constant 0 : i32
    %dma_start3A_17 = arith.constant 0 : i32
    %dma_start3A_18 = tpu.memref_slice %arg2[%dma_start3A_16, %dma_start3A_17] : memref<10112x128xf32, #tpu.memory_space<hbm>> -> memref<10112x128xf32, #tpu.memory_space<hbm>>
    tpu.enqueue_indirect_dma source(%dma_start3A_18 : memref<10112x128xf32, #tpu.memory_space<hbm>>) target(%arg9 : memref<128x128xf32, #tpu.memory_space<vmem>>) offsets(%dma_start3A_15 : memref<128xi32, #tpu.memory_space<vmem>>) semaphore(%arg12 : memref<!tpu.dma_semaphore, #tpu.memory_space<semaphore_mem>>)
    %dma_start3A_19 = arith.constant 1 : i32
    %dma_start3A_20 = arith.constant 0 : i32
    %dma_start3A_21 = tpu.memref_slice %arg7[%dma_start3A_19, %dma_start3A_20] : memref<64x128xi32, #tpu.memory_space<vmem>> -> memref<1x128xi32, #tpu.memory_space<vmem>>
    %dma_start3A_22 = tpu.memref_squeeze %dma_start3A_21 : memref<1x128xi32, #tpu.memory_space<vmem>> -> memref<128xi32, #tpu.memory_space<vmem>>
    %dma_start3A_23 = arith.constant 0 : i32
    %dma_start3A_24 = arith.constant 0 : i32
    %dma_start3A_25 = tpu.memref_slice %arg2[%dma_start3A_23, %dma_start3A_24] : memref<10112x128xf32, #tpu.memory_space<hbm>> -> memref<10112x128xf32, #tpu.memory_space<hbm>>
    tpu.enqueue_indirect_dma source(%dma_start3A_25 : memref<10112x128xf32, #tpu.memory_space<hbm>>) target(%arg10 : memref<128x128xf32, #tpu.memory_space<vmem>>) offsets(%dma_start3A_22 : memref<128xi32, #tpu.memory_space<vmem>>) semaphore(%arg13 : memref<!tpu.dma_semaphore, #tpu.memory_space<semaphore_mem>>)
    %jit3A_26 = arith.constant 2 : i32
    %div3A = arith.divsi %select_n3A, %jit3A_26 : i32
    %sign3A = arith.constant 0 : i32
    %sign3A_27 = arith.cmpi sgt, %select_n3A, %sign3A : i32
    %sign3A_28 = arith.extui %sign3A_27 : i1 to i32
    %sign3A_29 = arith.constant 0 : i32
    %sign3A_30 = arith.cmpi slt, %select_n3A, %sign3A_29 : i32
    %sign3A_31 = arith.extui %sign3A_30 : i1 to i32
    %sign3A_32 = arith.subi %sign3A_28, %sign3A_31 : i32
    %sign3A_33 = arith.constant 0 : i32
    %sign3A_34 = arith.cmpi sgt, %jit3A_26, %sign3A_33 : i32
    %sign3A_35 = arith.extui %sign3A_34 : i1 to i32
    %sign3A_36 = arith.constant 0 : i32
    %sign3A_37 = arith.cmpi slt, %jit3A_26, %sign3A_36 : i32
    %sign3A_38 = arith.extui %sign3A_37 : i1 to i32
    %sign3A_39 = arith.subi %sign3A_35, %sign3A_38 : i32
    %ne3A = arith.cmpi ne, %sign3A_32, %sign3A_39 : i32
    %rem3A = arith.remsi %select_n3A, %jit3A_26 : i32
    %ne3A_40 = arith.constant 0 : i32
    %ne3A_41 = arith.cmpi ne, %rem3A, %ne3A_40 : i32
    %and3A = arith.andi %ne3A, %ne3A_41 : i1
    %sub3A = arith.constant 1 : i32
    %sub3A_42 = arith.subi %div3A, %sub3A : i32
    %select_n3A_43 = arith.select %and3A, %sub3A_42, %div3A : i32
    %while3A = arith.constant 0 : i32
    %while3A_44 = arith.constant 0 : i32
    %while3A_45 = arith.subi %select_n3A_43, %while3A_44 : i32
    %while3A_46 = arith.addi %while3A_44, %while3A_45 : i32
    %while3A_47 = arith.constant 1 : i32
    %while3A_48 = arith.divsi %while3A_45, %while3A_47 : i32
    %while3A_49 = arith.muli %while3A_48, %while3A_47 : i32
    %while3A_50 = arith.addi %while3A_44, %while3A_49 : i32
    %while3A_51 = arith.constant 1 : i32
    scf.for %while3A_58 = %while3A_44 to %while3A_50 step %while3A_51  : i32 {
      %mul3A_59 = arith.constant 2 : i32
      %mul3A_60 = arith.muli %while3A_58, %mul3A_59 : i32
      %add3A_61 = arith.constant 0 : i32
      %add3A_62 = arith.addi %mul3A_60, %add3A_61 : i32
      %dma_wait3A = arith.constant 0 : i32
      %dma_wait3A_63 = arith.constant 0 : i32
      %dma_wait3A_64 = tpu.memref_slice %arg7[%dma_wait3A, %dma_wait3A_63] : memref<64x128xi32, #tpu.memory_space<vmem>> -> memref<1x128xi32, #tpu.memory_space<vmem>>
      %dma_wait3A_65 = tpu.memref_squeeze %dma_wait3A_64 : memref<1x128xi32, #tpu.memory_space<vmem>> -> memref<128xi32, #tpu.memory_space<vmem>>
      %dma_wait3A_66 = arith.constant 0 : i32
      %dma_wait3A_67 = arith.constant 0 : i32
      %dma_wait3A_68 = tpu.memref_slice %arg2[%dma_wait3A_66, %dma_wait3A_67] : memref<10112x128xf32, #tpu.memory_space<hbm>> -> memref<10112x128xf32, #tpu.memory_space<hbm>>
      tpu.wait_indirect_dma semaphore(%arg12 : memref<!tpu.dma_semaphore, #tpu.memory_space<semaphore_mem>>) src(%dma_wait3A_68 : memref<10112x128xf32, #tpu.memory_space<hbm>>) dst(%arg9 : memref<128x128xf32, #tpu.memory_space<vmem>>)
      "tpu.region"() ({
        %run_scoped3A = tpu.sem_alloc : memref<!tpu.dma_semaphore, #tpu.memory_space<semaphore_mem>>
        %dma_start3A_89 = arith.constant 0 : i32
        %dma_start3A_90 = tpu.memref_slice %arg8[%add3A_62, %dma_start3A_89] : memref<64x128xi32, #tpu.memory_space<vmem>> -> memref<1x128xi32, #tpu.memory_space<vmem>>
        %dma_start3A_91 = tpu.memref_squeeze %dma_start3A_90 : memref<1x128xi32, #tpu.memory_space<vmem>> -> memref<128xi32, #tpu.memory_space<vmem>>
        %dma_start3A_92 = arith.constant 0 : i32
        %dma_start3A_93 = arith.constant 0 : i32
        %dma_start3A_94 = tpu.memref_slice %arg11[%dma_start3A_92, %dma_start3A_93] : memref<10112x128xf32, #tpu.memory_space<vmem_shared>> -> memref<10112x128xf32, #tpu.memory_space<vmem_shared>>
        tpu.enqueue_indirect_dma source(%arg9 : memref<128x128xf32, #tpu.memory_space<vmem>>) target(%dma_start3A_94 : memref<10112x128xf32, #tpu.memory_space<vmem_shared>>) offsets(%dma_start3A_91 : memref<128xi32, #tpu.memory_space<vmem>>) semaphore(%run_scoped3A : memref<!tpu.dma_semaphore, #tpu.memory_space<semaphore_mem>>) {add = true}
        %dma_wait3A_95 = arith.constant 0 : i32
        %dma_wait3A_96 = tpu.memref_slice %arg8[%add3A_62, %dma_wait3A_95] : memref<64x128xi32, #tpu.memory_space<vmem>> -> memref<1x128xi32, #tpu.memory_space<vmem>>
        %dma_wait3A_97 = tpu.memref_squeeze %dma_wait3A_96 : memref<1x128xi32, #tpu.memory_space<vmem>> -> memref<128xi32, #tpu.memory_space<vmem>>
        %dma_wait3A_98 = arith.constant 0 : i32
        %dma_wait3A_99 = arith.constant 0 : i32
        %dma_wait3A_100 = tpu.memref_slice %arg11[%dma_wait3A_98, %dma_wait3A_99] : memref<10112x128xf32, #tpu.memory_space<vmem_shared>> -> memref<10112x128xf32, #tpu.memory_space<vmem_shared>>
        tpu.wait_indirect_dma semaphore(%run_scoped3A : memref<!tpu.dma_semaphore, #tpu.memory_space<semaphore_mem>>) src(%arg9 : memref<128x128xf32, #tpu.memory_space<vmem>>) dst(%dma_wait3A_100 : memref<10112x128xf32, #tpu.memory_space<vmem_shared>>)
        tpu.yield
      }) : () -> ()
      %add3A_69 = arith.constant 1 : i32
      %add3A_70 = arith.addi %while3A_58, %add3A_69 : i32
      %lt3A = arith.cmpi slt, %add3A_70, %select_n3A_43 : i32
      %convert_element_type3A = arith.extui %lt3A : i1 to i32
      %cond3A = arith.constant 0 : i32
      %cond3A_71 = arith.cmpi ne, %convert_element_type3A, %cond3A : i32
      scf.if %cond3A_71 {
        %add3A_89 = arith.constant 2 : i32
        %add3A_90 = arith.addi %add3A_62, %add3A_89 : i32
        %dma_start3A_91 = arith.constant 0 : i32
        %dma_start3A_92 = tpu.memref_slice %arg7[%add3A_90, %dma_start3A_91] : memref<64x128xi32, #tpu.memory_space<vmem>> -> memref<1x128xi32, #tpu.memory_space<vmem>>
        %dma_start3A_93 = tpu.memref_squeeze %dma_start3A_92 : memref<1x128xi32, #tpu.memory_space<vmem>> -> memref<128xi32, #tpu.memory_space<vmem>>
        %dma_start3A_94 = arith.constant 0 : i32
        %dma_start3A_95 = arith.constant 0 : i32
        %dma_start3A_96 = tpu.memref_slice %arg2[%dma_start3A_94, %dma_start3A_95] : memref<10112x128xf32, #tpu.memory_space<hbm>> -> memref<10112x128xf32, #tpu.memory_space<hbm>>
        tpu.enqueue_indirect_dma source(%dma_start3A_96 : memref<10112x128xf32, #tpu.memory_space<hbm>>) target(%arg9 : memref<128x128xf32, #tpu.memory_space<vmem>>) offsets(%dma_start3A_93 : memref<128xi32, #tpu.memory_space<vmem>>) semaphore(%arg12 : memref<!tpu.dma_semaphore, #tpu.memory_space<semaphore_mem>>)
      } else {
      }
      %mul3A_72 = arith.constant 2 : i32
      %mul3A_73 = arith.muli %while3A_58, %mul3A_72 : i32
      %add3A_74 = arith.constant 1 : i32
      %add3A_75 = arith.addi %mul3A_73, %add3A_74 : i32
      %dma_wait3A_76 = arith.constant 1 : i32
      %dma_wait3A_77 = arith.constant 0 : i32
      %dma_wait3A_78 = tpu.memref_slice %arg7[%dma_wait3A_76, %dma_wait3A_77] : memref<64x128xi32, #tpu.memory_space<vmem>> -> memref<1x128xi32, #tpu.memory_space<vmem>>
      %dma_wait3A_79 = tpu.memref_squeeze %dma_wait3A_78 : memref<1x128xi32, #tpu.memory_space<vmem>> -> memref<128xi32, #tpu.memory_space<vmem>>
      %dma_wait3A_80 = arith.constant 0 : i32
      %dma_wait3A_81 = arith.constant 0 : i32
      %dma_wait3A_82 = tpu.memref_slice %arg2[%dma_wait3A_80, %dma_wait3A_81] : memref<10112x128xf32, #tpu.memory_space<hbm>> -> memref<10112x128xf32, #tpu.memory_space<hbm>>
      tpu.wait_indirect_dma semaphore(%arg13 : memref<!tpu.dma_semaphore, #tpu.memory_space<semaphore_mem>>) src(%dma_wait3A_82 : memref<10112x128xf32, #tpu.memory_space<hbm>>) dst(%arg10 : memref<128x128xf32, #tpu.memory_space<vmem>>)
      "tpu.region"() ({
        %run_scoped3A = tpu.sem_alloc : memref<!tpu.dma_semaphore, #tpu.memory_space<semaphore_mem>>
        %dma_start3A_89 = arith.constant 0 : i32
        %dma_start3A_90 = tpu.memref_slice %arg8[%add3A_75, %dma_start3A_89] : memref<64x128xi32, #tpu.memory_space<vmem>> -> memref<1x128xi32, #tpu.memory_space<vmem>>
        %dma_start3A_91 = tpu.memref_squeeze %dma_start3A_90 : memref<1x128xi32, #tpu.memory_space<vmem>> -> memref<128xi32, #tpu.memory_space<vmem>>
        %dma_start3A_92 = arith.constant 0 : i32
        %dma_start3A_93 = arith.constant 0 : i32
        %dma_start3A_94 = tpu.memref_slice %arg11[%dma_start3A_92, %dma_start3A_93] : memref<10112x128xf32, #tpu.memory_space<vmem_shared>> -> memref<10112x128xf32, #tpu.memory_space<vmem_shared>>
        tpu.enqueue_indirect_dma source(%arg10 : memref<128x128xf32, #tpu.memory_space<vmem>>) target(%dma_start3A_94 : memref<10112x128xf32, #tpu.memory_space<vmem_shared>>) offsets(%dma_start3A_91 : memref<128xi32, #tpu.memory_space<vmem>>) semaphore(%run_scoped3A : memref<!tpu.dma_semaphore, #tpu.memory_space<semaphore_mem>>) {add = true}
        %dma_wait3A_95 = arith.constant 0 : i32
        %dma_wait3A_96 = tpu.memref_slice %arg8[%add3A_75, %dma_wait3A_95] : memref<64x128xi32, #tpu.memory_space<vmem>> -> memref<1x128xi32, #tpu.memory_space<vmem>>
        %dma_wait3A_97 = tpu.memref_squeeze %dma_wait3A_96 : memref<1x128xi32, #tpu.memory_space<vmem>> -> memref<128xi32, #tpu.memory_space<vmem>>
        %dma_wait3A_98 = arith.constant 0 : i32
        %dma_wait3A_99 = arith.constant 0 : i32
        %dma_wait3A_100 = tpu.memref_slice %arg11[%dma_wait3A_98, %dma_wait3A_99] : memref<10112x128xf32, #tpu.memory_space<vmem_shared>> -> memref<10112x128xf32, #tpu.memory_space<vmem_shared>>
        tpu.wait_indirect_dma semaphore(%run_scoped3A : memref<!tpu.dma_semaphore, #tpu.memory_space<semaphore_mem>>) src(%arg10 : memref<128x128xf32, #tpu.memory_space<vmem>>) dst(%dma_wait3A_100 : memref<10112x128xf32, #tpu.memory_space<vmem_shared>>)
        tpu.yield
      }) : () -> ()
      %add3A_83 = arith.constant 1 : i32
      %add3A_84 = arith.addi %while3A_58, %add3A_83 : i32
      %lt3A_85 = arith.cmpi slt, %add3A_84, %select_n3A_43 : i32
      %convert_element_type3A_86 = arith.extui %lt3A_85 : i1 to i32
      %cond3A_87 = arith.constant 0 : i32
      %cond3A_88 = arith.cmpi ne, %convert_element_type3A_86, %cond3A_87 : i32
      scf.if %cond3A_88 {
        %add3A_89 = arith.constant 2 : i32
        %add3A_90 = arith.addi %add3A_75, %add3A_89 : i32
        %dma_start3A_91 = arith.constant 0 : i32
        %dma_start3A_92 = tpu.memref_slice %arg7[%add3A_90, %dma_start3A_91] : memref<64x128xi32, #tpu.memory_space<vmem>> -> memref<1x128xi32, #tpu.memory_space<vmem>>
        %dma_start3A_93 = tpu.memref_squeeze %dma_start3A_92 : memref<1x128xi32, #tpu.memory_space<vmem>> -> memref<128xi32, #tpu.memory_space<vmem>>
        %dma_start3A_94 = arith.constant 0 : i32
        %dma_start3A_95 = arith.constant 0 : i32
        %dma_start3A_96 = tpu.memref_slice %arg2[%dma_start3A_94, %dma_start3A_95] : memref<10112x128xf32, #tpu.memory_space<hbm>> -> memref<10112x128xf32, #tpu.memory_space<hbm>>
        tpu.enqueue_indirect_dma source(%dma_start3A_96 : memref<10112x128xf32, #tpu.memory_space<hbm>>) target(%arg10 : memref<128x128xf32, #tpu.memory_space<vmem>>) offsets(%dma_start3A_93 : memref<128xi32, #tpu.memory_space<vmem>>) semaphore(%arg13 : memref<!tpu.dma_semaphore, #tpu.memory_space<semaphore_mem>>)
      } else {
      }
    }
    %while3A_52 = arith.constant 1 : i32
    scf.for %while3A_58 = %while3A_50 to %while3A_46 step %while3A_52  : i32 {
      %mul3A_59 = arith.constant 2 : i32
      %mul3A_60 = arith.muli %while3A_58, %mul3A_59 : i32
      %add3A_61 = arith.constant 0 : i32
      %add3A_62 = arith.addi %mul3A_60, %add3A_61 : i32
      %dma_wait3A = arith.constant 0 : i32
      %dma_wait3A_63 = arith.constant 0 : i32
      %dma_wait3A_64 = tpu.memref_slice %arg7[%dma_wait3A, %dma_wait3A_63] : memref<64x128xi32, #tpu.memory_space<vmem>> -> memref<1x128xi32, #tpu.memory_space<vmem>>
      %dma_wait3A_65 = tpu.memref_squeeze %dma_wait3A_64 : memref<1x128xi32, #tpu.memory_space<vmem>> -> memref<128xi32, #tpu.memory_space<vmem>>
      %dma_wait3A_66 = arith.constant 0 : i32
      %dma_wait3A_67 = arith.constant 0 : i32
      %dma_wait3A_68 = tpu.memref_slice %arg2[%dma_wait3A_66, %dma_wait3A_67] : memref<10112x128xf32, #tpu.memory_space<hbm>> -> memref<10112x128xf32, #tpu.memory_space<hbm>>
      tpu.wait_indirect_dma semaphore(%arg12 : memref<!tpu.dma_semaphore, #tpu.memory_space<semaphore_mem>>) src(%dma_wait3A_68 : memref<10112x128xf32, #tpu.memory_space<hbm>>) dst(%arg9 : memref<128x128xf32, #tpu.memory_space<vmem>>)
      "tpu.region"() ({
        %run_scoped3A = tpu.sem_alloc : memref<!tpu.dma_semaphore, #tpu.memory_space<semaphore_mem>>
        %dma_start3A_89 = arith.constant 0 : i32
        %dma_start3A_90 = tpu.memref_slice %arg8[%add3A_62, %dma_start3A_89] : memref<64x128xi32, #tpu.memory_space<vmem>> -> memref<1x128xi32, #tpu.memory_space<vmem>>
        %dma_start3A_91 = tpu.memref_squeeze %dma_start3A_90 : memref<1x128xi32, #tpu.memory_space<vmem>> -> memref<128xi32, #tpu.memory_space<vmem>>
        %dma_start3A_92 = arith.constant 0 : i32
        %dma_start3A_93 = arith.constant 0 : i32
        %dma_start3A_94 = tpu.memref_slice %arg11[%dma_start3A_92, %dma_start3A_93] : memref<10112x128xf32, #tpu.memory_space<vmem_shared>> -> memref<10112x128xf32, #tpu.memory_space<vmem_shared>>
        tpu.enqueue_indirect_dma source(%arg9 : memref<128x128xf32, #tpu.memory_space<vmem>>) target(%dma_start3A_94 : memref<10112x128xf32, #tpu.memory_space<vmem_shared>>) offsets(%dma_start3A_91 : memref<128xi32, #tpu.memory_space<vmem>>) semaphore(%run_scoped3A : memref<!tpu.dma_semaphore, #tpu.memory_space<semaphore_mem>>) {add = true}
        %dma_wait3A_95 = arith.constant 0 : i32
        %dma_wait3A_96 = tpu.memref_slice %arg8[%add3A_62, %dma_wait3A_95] : memref<64x128xi32, #tpu.memory_space<vmem>> -> memref<1x128xi32, #tpu.memory_space<vmem>>
        %dma_wait3A_97 = tpu.memref_squeeze %dma_wait3A_96 : memref<1x128xi32, #tpu.memory_space<vmem>> -> memref<128xi32, #tpu.memory_space<vmem>>
        %dma_wait3A_98 = arith.constant 0 : i32
        %dma_wait3A_99 = arith.constant 0 : i32
        %dma_wait3A_100 = tpu.memref_slice %arg11[%dma_wait3A_98, %dma_wait3A_99] : memref<10112x128xf32, #tpu.memory_space<vmem_shared>> -> memref<10112x128xf32, #tpu.memory_space<vmem_shared>>
        tpu.wait_indirect_dma semaphore(%run_scoped3A : memref<!tpu.dma_semaphore, #tpu.memory_space<semaphore_mem>>) src(%arg9 : memref<128x128xf32, #tpu.memory_space<vmem>>) dst(%dma_wait3A_100 : memref<10112x128xf32, #tpu.memory_space<vmem_shared>>)
        tpu.yield
      }) : () -> ()
      %add3A_69 = arith.constant 1 : i32
      %add3A_70 = arith.addi %while3A_58, %add3A_69 : i32
      %lt3A = arith.cmpi slt, %add3A_70, %select_n3A_43 : i32
      %convert_element_type3A = arith.extui %lt3A : i1 to i32
      %cond3A = arith.constant 0 : i32
      %cond3A_71 = arith.cmpi ne, %convert_element_type3A, %cond3A : i32
      scf.if %cond3A_71 {
        %add3A_89 = arith.constant 2 : i32
        %add3A_90 = arith.addi %add3A_62, %add3A_89 : i32
        %dma_start3A_91 = arith.constant 0 : i32
        %dma_start3A_92 = tpu.memref_slice %arg7[%add3A_90, %dma_start3A_91] : memref<64x128xi32, #tpu.memory_space<vmem>> -> memref<1x128xi32, #tpu.memory_space<vmem>>
        %dma_start3A_93 = tpu.memref_squeeze %dma_start3A_92 : memref<1x128xi32, #tpu.memory_space<vmem>> -> memref<128xi32, #tpu.memory_space<vmem>>
        %dma_start3A_94 = arith.constant 0 : i32
        %dma_start3A_95 = arith.constant 0 : i32
        %dma_start3A_96 = tpu.memref_slice %arg2[%dma_start3A_94, %dma_start3A_95] : memref<10112x128xf32, #tpu.memory_space<hbm>> -> memref<10112x128xf32, #tpu.memory_space<hbm>>
        tpu.enqueue_indirect_dma source(%dma_start3A_96 : memref<10112x128xf32, #tpu.memory_space<hbm>>) target(%arg9 : memref<128x128xf32, #tpu.memory_space<vmem>>) offsets(%dma_start3A_93 : memref<128xi32, #tpu.memory_space<vmem>>) semaphore(%arg12 : memref<!tpu.dma_semaphore, #tpu.memory_space<semaphore_mem>>)
      } else {
      }
      %mul3A_72 = arith.constant 2 : i32
      %mul3A_73 = arith.muli %while3A_58, %mul3A_72 : i32
      %add3A_74 = arith.constant 1 : i32
      %add3A_75 = arith.addi %mul3A_73, %add3A_74 : i32
      %dma_wait3A_76 = arith.constant 1 : i32
      %dma_wait3A_77 = arith.constant 0 : i32
      %dma_wait3A_78 = tpu.memref_slice %arg7[%dma_wait3A_76, %dma_wait3A_77] : memref<64x128xi32, #tpu.memory_space<vmem>> -> memref<1x128xi32, #tpu.memory_space<vmem>>
      %dma_wait3A_79 = tpu.memref_squeeze %dma_wait3A_78 : memref<1x128xi32, #tpu.memory_space<vmem>> -> memref<128xi32, #tpu.memory_space<vmem>>
      %dma_wait3A_80 = arith.constant 0 : i32
      %dma_wait3A_81 = arith.constant 0 : i32
      %dma_wait3A_82 = tpu.memref_slice %arg2[%dma_wait3A_80, %dma_wait3A_81] : memref<10112x128xf32, #tpu.memory_space<hbm>> -> memref<10112x128xf32, #tpu.memory_space<hbm>>
      tpu.wait_indirect_dma semaphore(%arg13 : memref<!tpu.dma_semaphore, #tpu.memory_space<semaphore_mem>>) src(%dma_wait3A_82 : memref<10112x128xf32, #tpu.memory_space<hbm>>) dst(%arg10 : memref<128x128xf32, #tpu.memory_space<vmem>>)
      "tpu.region"() ({
        %run_scoped3A = tpu.sem_alloc : memref<!tpu.dma_semaphore, #tpu.memory_space<semaphore_mem>>
        %dma_start3A_89 = arith.constant 0 : i32
        %dma_start3A_90 = tpu.memref_slice %arg8[%add3A_75, %dma_start3A_89] : memref<64x128xi32, #tpu.memory_space<vmem>> -> memref<1x128xi32, #tpu.memory_space<vmem>>
        %dma_start3A_91 = tpu.memref_squeeze %dma_start3A_90 : memref<1x128xi32, #tpu.memory_space<vmem>> -> memref<128xi32, #tpu.memory_space<vmem>>
        %dma_start3A_92 = arith.constant 0 : i32
        %dma_start3A_93 = arith.constant 0 : i32
        %dma_start3A_94 = tpu.memref_slice %arg11[%dma_start3A_92, %dma_start3A_93] : memref<10112x128xf32, #tpu.memory_space<vmem_shared>> -> memref<10112x128xf32, #tpu.memory_space<vmem_shared>>
        tpu.enqueue_indirect_dma source(%arg10 : memref<128x128xf32, #tpu.memory_space<vmem>>) target(%dma_start3A_94 : memref<10112x128xf32, #tpu.memory_space<vmem_shared>>) offsets(%dma_start3A_91 : memref<128xi32, #tpu.memory_space<vmem>>) semaphore(%run_scoped3A : memref<!tpu.dma_semaphore, #tpu.memory_space<semaphore_mem>>) {add = true}
        %dma_wait3A_95 = arith.constant 0 : i32
        %dma_wait3A_96 = tpu.memref_slice %arg8[%add3A_75, %dma_wait3A_95] : memref<64x128xi32, #tpu.memory_space<vmem>> -> memref<1x128xi32, #tpu.memory_space<vmem>>
        %dma_wait3A_97 = tpu.memref_squeeze %dma_wait3A_96 : memref<1x128xi32, #tpu.memory_space<vmem>> -> memref<128xi32, #tpu.memory_space<vmem>>
        %dma_wait3A_98 = arith.constant 0 : i32
        %dma_wait3A_99 = arith.constant 0 : i32
        %dma_wait3A_100 = tpu.memref_slice %arg11[%dma_wait3A_98, %dma_wait3A_99] : memref<10112x128xf32, #tpu.memory_space<vmem_shared>> -> memref<10112x128xf32, #tpu.memory_space<vmem_shared>>
        tpu.wait_indirect_dma semaphore(%run_scoped3A : memref<!tpu.dma_semaphore, #tpu.memory_space<semaphore_mem>>) src(%arg10 : memref<128x128xf32, #tpu.memory_space<vmem>>) dst(%dma_wait3A_100 : memref<10112x128xf32, #tpu.memory_space<vmem_shared>>)
        tpu.yield
      }) : () -> ()
      %add3A_83 = arith.constant 1 : i32
      %add3A_84 = arith.addi %while3A_58, %add3A_83 : i32
      %lt3A_85 = arith.cmpi slt, %add3A_84, %select_n3A_43 : i32
      %convert_element_type3A_86 = arith.extui %lt3A_85 : i1 to i32
      %cond3A_87 = arith.constant 0 : i32
      %cond3A_88 = arith.cmpi ne, %convert_element_type3A_86, %cond3A_87 : i32
      scf.if %cond3A_88 {
        %add3A_89 = arith.constant 2 : i32
        %add3A_90 = arith.addi %add3A_75, %add3A_89 : i32
        %dma_start3A_91 = arith.constant 0 : i32
        %dma_start3A_92 = tpu.memref_slice %arg7[%add3A_90, %dma_start3A_91] : memref<64x128xi32, #tpu.memory_space<vmem>> -> memref<1x128xi32, #tpu.memory_space<vmem>>
        %dma_start3A_93 = tpu.memref_squeeze %dma_start3A_92 : memref<1x128xi32, #tpu.memory_space<vmem>> -> memref<128xi32, #tpu.memory_space<vmem>>
        %dma_start3A_94 = arith.constant 0 : i32
        %dma_start3A_95 = arith.constant 0 : i32
        %dma_start3A_96 = tpu.memref_slice %arg2[%dma_start3A_94, %dma_start3A_95] : memref<10112x128xf32, #tpu.memory_space<hbm>> -> memref<10112x128xf32, #tpu.memory_space<hbm>>
        tpu.enqueue_indirect_dma source(%dma_start3A_96 : memref<10112x128xf32, #tpu.memory_space<hbm>>) target(%arg10 : memref<128x128xf32, #tpu.memory_space<vmem>>) offsets(%dma_start3A_93 : memref<128xi32, #tpu.memory_space<vmem>>) semaphore(%arg13 : memref<!tpu.dma_semaphore, #tpu.memory_space<semaphore_mem>>)
      } else {
      }
    }
    %barrier3A_53 = arith.constant 0 : index
    tpu.barrier barrier_id(%barrier3A_53)
    %mul3A_54 = arith.constant 632 : i32
    %mul3A_55 = arith.muli %arg1, %mul3A_54 : i32
    %mul3A_56 = arith.constant 632 : i32
    %mul3A_57 = arith.muli %arg1, %mul3A_56 : i32
    "tpu.region"() ({
      %run_scoped3A = tpu.sem_alloc : memref<!tpu.dma_semaphore, #tpu.memory_space<semaphore_mem>>
      %dma_start3A_58 = arith.constant 0 : i32
      %dma_start3A_59 = tpu.memref_slice %arg6[%arg0, %mul3A_57, %dma_start3A_58] : memref<2x10112x128xf32, #tpu.memory_space<hbm>> -> memref<1x632x128xf32, #tpu.memory_space<hbm>>
      %dma_start3A_60 = tpu.memref_squeeze %dma_start3A_59 : memref<1x632x128xf32, #tpu.memory_space<hbm>> -> memref<632x128xf32, #tpu.memory_space<hbm>>
      %dma_start3A_61 = arith.constant 0 : i32
      %dma_start3A_62 = tpu.memref_slice %arg11[%mul3A_55, %dma_start3A_61] : memref<10112x128xf32, #tpu.memory_space<vmem_shared>> -> memref<632x128xf32, #tpu.memory_space<vmem_shared>>
      tpu.enqueue_dma source(%dma_start3A_62 : memref<632x128xf32, #tpu.memory_space<vmem_shared>>) target(%dma_start3A_60 : memref<632x128xf32, #tpu.memory_space<hbm>>) target_semaphore(%run_scoped3A : memref<!tpu.dma_semaphore, #tpu.memory_space<semaphore_mem>>)
      %dma_wait3A = arith.constant 0 : i32
      %dma_wait3A_63 = tpu.memref_slice %arg6[%arg0, %mul3A_57, %dma_wait3A] : memref<2x10112x128xf32, #tpu.memory_space<hbm>> -> memref<1x632x128xf32, #tpu.memory_space<hbm>>
      %dma_wait3A_64 = tpu.memref_squeeze %dma_wait3A_63 : memref<1x632x128xf32, #tpu.memory_space<hbm>> -> memref<632x128xf32, #tpu.memory_space<hbm>>
      %dma_wait3A_65 = arith.constant 0 : i32
      %dma_wait3A_66 = tpu.memref_slice %arg11[%mul3A_55, %dma_wait3A_65] : memref<10112x128xf32, #tpu.memory_space<vmem_shared>> -> memref<632x128xf32, #tpu.memory_space<vmem_shared>>
      tpu.wait_dma2 semaphore(%run_scoped3A : memref<!tpu.dma_semaphore, #tpu.memory_space<semaphore_mem>>) src(%dma_wait3A_66 : memref<632x128xf32, #tpu.memory_space<vmem_shared>>) dst(%dma_wait3A_64 : memref<632x128xf32, #tpu.memory_space<hbm>>)
      tpu.yield
    }) : () -> ()
    return
  }
}

#map = affine_map<(d0, d1) -> (0, 0)>
#map1 = affine_map<(d0, d1) -> (0, 0, 0)>
module attributes {stable_mosaic.version = 14 : i64} {
  func.func @_sc_prop(%arg0: i32, %arg1: i32, %arg2: memref<10112x128xf32, #tpu.memory_space<hbm>>, %arg3: memref<1344x128xi32, #tpu.memory_space<hbm>>, %arg4: memref<1344x128xi32, #tpu.memory_space<hbm>>, %arg5: memref<10112x128xf32, #tpu.memory_space<hbm>>, %arg6: memref<2x10112x128xf32, #tpu.memory_space<hbm>>, %arg7: memref<64x128xi32, #tpu.memory_space<vmem>>, %arg8: memref<64x128xi32, #tpu.memory_space<vmem>>, %arg9: memref<128x128xf32, #tpu.memory_space<vmem>>, %arg10: memref<128x128xf32, #tpu.memory_space<vmem>>, %arg11: memref<10112x128xf32, #tpu.memory_space<vmem_shared>>, %arg12: memref<!tpu.dma_semaphore, #tpu.memory_space<semaphore_mem>>, %arg13: memref<!tpu.dma_semaphore, #tpu.memory_space<semaphore_mem>>) attributes {dimension_semantics = [#tpu.dimension_semantics<core_parallel>, #tpu.dimension_semantics<subcore_parallel>], iteration_bounds = array<i64: 2, 16>, scalar_prefetch = 0 : i64, scratch_operands = 7 : i64, tpu.core_type = #tpu.core_type<sc_vector_subcore>, window_params = [{transform_indices = #map}, {transform_indices = #map}, {transform_indices = #map}, {transform_indices = #map}, {transform_indices = #map1}]} {
    %eq3A = arith.constant 0 : i32
    %eq3A_0 = arith.cmpi eq, %arg0, %eq3A : i32
    %jit3A = arith.constant 64 : i32
    %jit3A_1 = arith.constant 16 : i32
    %select_n3A = arith.select %eq3A_0, %jit3A, %jit3A_1 : i32
    %eq3A_2 = arith.constant 0 : i32
    %eq3A_3 = arith.cmpi eq, %arg0, %eq3A_2 : i32
    %mul3A = arith.constant 64 : i32
    %mul3A_4 = arith.muli %arg1, %mul3A : i32
    %mul3A_5 = arith.constant 16 : i32
    %mul3A_6 = arith.muli %arg1, %mul3A_5 : i32
    %add3A = arith.constant 1024 : i32
    %add3A_7 = arith.addi %add3A, %mul3A_6 : i32
    %select_n3A_8 = arith.select %eq3A_3, %mul3A_4, %add3A_7 : i32
    "tpu.region"() ({
      %run_scoped3A = tpu.sem_alloc : memref<!tpu.dma_semaphore, #tpu.memory_space<semaphore_mem>>
      %dma_start3A_58 = arith.constant 0 : i32
      %dma_start3A_59 = tpu.memref_slice %arg3[%select_n3A_8, %dma_start3A_58] : memref<1344x128xi32, #tpu.memory_space<hbm>> -> memref<64x128xi32, #tpu.memory_space<hbm>>
      %dma_start3A_60 = arith.constant 0 : i32
      %dma_start3A_61 = tpu.memref_slice %arg3[%select_n3A_8, %dma_start3A_60] : memref<1344x128xi32, #tpu.memory_space<hbm>> -> memref<64x128xi32, #tpu.memory_space<hbm>>
      tpu.enqueue_dma source(%dma_start3A_61 : memref<64x128xi32, #tpu.memory_space<hbm>>) target(%arg7 : memref<64x128xi32, #tpu.memory_space<vmem>>) target_semaphore(%run_scoped3A : memref<!tpu.dma_semaphore, #tpu.memory_space<semaphore_mem>>)
      %dma_wait3A = arith.constant 0 : i32
      %dma_wait3A_62 = tpu.memref_slice %arg3[%select_n3A_8, %dma_wait3A] : memref<1344x128xi32, #tpu.memory_space<hbm>> -> memref<64x128xi32, #tpu.memory_space<hbm>>
      %dma_wait3A_63 = arith.constant 0 : i32
      %dma_wait3A_64 = tpu.memref_slice %arg3[%select_n3A_8, %dma_wait3A_63] : memref<1344x128xi32, #tpu.memory_space<hbm>> -> memref<64x128xi32, #tpu.memory_space<hbm>>
      tpu.wait_dma2 semaphore(%run_scoped3A : memref<!tpu.dma_semaphore, #tpu.memory_space<semaphore_mem>>) src(%dma_wait3A_64 : memref<64x128xi32, #tpu.memory_space<hbm>>) dst(%arg7 : memref<64x128xi32, #tpu.memory_space<vmem>>)
      tpu.yield
    }) : () -> ()
    "tpu.region"() ({
      %run_scoped3A = tpu.sem_alloc : memref<!tpu.dma_semaphore, #tpu.memory_space<semaphore_mem>>
      %dma_start3A_58 = arith.constant 0 : i32
      %dma_start3A_59 = tpu.memref_slice %arg4[%select_n3A_8, %dma_start3A_58] : memref<1344x128xi32, #tpu.memory_space<hbm>> -> memref<64x128xi32, #tpu.memory_space<hbm>>
      %dma_start3A_60 = arith.constant 0 : i32
      %dma_start3A_61 = tpu.memref_slice %arg4[%select_n3A_8, %dma_start3A_60] : memref<1344x128xi32, #tpu.memory_space<hbm>> -> memref<64x128xi32, #tpu.memory_space<hbm>>
      tpu.enqueue_dma source(%dma_start3A_61 : memref<64x128xi32, #tpu.memory_space<hbm>>) target(%arg8 : memref<64x128xi32, #tpu.memory_space<vmem>>) target_semaphore(%run_scoped3A : memref<!tpu.dma_semaphore, #tpu.memory_space<semaphore_mem>>)
      %dma_wait3A = arith.constant 0 : i32
      %dma_wait3A_62 = tpu.memref_slice %arg4[%select_n3A_8, %dma_wait3A] : memref<1344x128xi32, #tpu.memory_space<hbm>> -> memref<64x128xi32, #tpu.memory_space<hbm>>
      %dma_wait3A_63 = arith.constant 0 : i32
      %dma_wait3A_64 = tpu.memref_slice %arg4[%select_n3A_8, %dma_wait3A_63] : memref<1344x128xi32, #tpu.memory_space<hbm>> -> memref<64x128xi32, #tpu.memory_space<hbm>>
      tpu.wait_dma2 semaphore(%run_scoped3A : memref<!tpu.dma_semaphore, #tpu.memory_space<semaphore_mem>>) src(%dma_wait3A_64 : memref<64x128xi32, #tpu.memory_space<hbm>>) dst(%arg8 : memref<64x128xi32, #tpu.memory_space<vmem>>)
      tpu.yield
    }) : () -> ()
    %mul3A_9 = arith.constant 632 : i32
    %mul3A_10 = arith.muli %arg1, %mul3A_9 : i32
    %mul3A_11 = arith.constant 632 : i32
    %mul3A_12 = arith.muli %arg1, %mul3A_11 : i32
    "tpu.region"() ({
      %run_scoped3A = tpu.sem_alloc : memref<!tpu.dma_semaphore, #tpu.memory_space<semaphore_mem>>
      %dma_start3A_58 = arith.constant 0 : i32
      %dma_start3A_59 = tpu.memref_slice %arg11[%mul3A_12, %dma_start3A_58] : memref<10112x128xf32, #tpu.memory_space<vmem_shared>> -> memref<632x128xf32, #tpu.memory_space<vmem_shared>>
      %dma_start3A_60 = arith.constant 0 : i32
      %dma_start3A_61 = tpu.memref_slice %arg5[%mul3A_10, %dma_start3A_60] : memref<10112x128xf32, #tpu.memory_space<hbm>> -> memref<632x128xf32, #tpu.memory_space<hbm>>
      tpu.enqueue_dma source(%dma_start3A_61 : memref<632x128xf32, #tpu.memory_space<hbm>>) target(%dma_start3A_59 : memref<632x128xf32, #tpu.memory_space<vmem_shared>>) target_semaphore(%run_scoped3A : memref<!tpu.dma_semaphore, #tpu.memory_space<semaphore_mem>>)
      %dma_wait3A = arith.constant 0 : i32
      %dma_wait3A_62 = tpu.memref_slice %arg11[%mul3A_12, %dma_wait3A] : memref<10112x128xf32, #tpu.memory_space<vmem_shared>> -> memref<632x128xf32, #tpu.memory_space<vmem_shared>>
      %dma_wait3A_63 = arith.constant 0 : i32
      %dma_wait3A_64 = tpu.memref_slice %arg5[%mul3A_10, %dma_wait3A_63] : memref<10112x128xf32, #tpu.memory_space<hbm>> -> memref<632x128xf32, #tpu.memory_space<hbm>>
      tpu.wait_dma2 semaphore(%run_scoped3A : memref<!tpu.dma_semaphore, #tpu.memory_space<semaphore_mem>>) src(%dma_wait3A_64 : memref<632x128xf32, #tpu.memory_space<hbm>>) dst(%dma_wait3A_62 : memref<632x128xf32, #tpu.memory_space<vmem_shared>>)
      tpu.yield
    }) : () -> ()
    %barrier3A = arith.constant 0 : index
    tpu.barrier barrier_id(%barrier3A)
    %dma_start3A = arith.constant 0 : i32
    %dma_start3A_13 = arith.constant 0 : i32
    %dma_start3A_14 = tpu.memref_slice %arg7[%dma_start3A, %dma_start3A_13] : memref<64x128xi32, #tpu.memory_space<vmem>> -> memref<1x128xi32, #tpu.memory_space<vmem>>
    %dma_start3A_15 = tpu.memref_squeeze %dma_start3A_14 : memref<1x128xi32, #tpu.memory_space<vmem>> -> memref<128xi32, #tpu.memory_space<vmem>>
    %dma_start3A_16 = arith.constant 0 : i32
    %dma_start3A_17 = arith.constant 0 : i32
    %dma_start3A_18 = tpu.memref_slice %arg2[%dma_start3A_16, %dma_start3A_17] : memref<10112x128xf32, #tpu.memory_space<hbm>> -> memref<10112x128xf32, #tpu.memory_space<hbm>>
    tpu.enqueue_indirect_dma source(%dma_start3A_18 : memref<10112x128xf32, #tpu.memory_space<hbm>>) target(%arg9 : memref<128x128xf32, #tpu.memory_space<vmem>>) offsets(%dma_start3A_15 : memref<128xi32, #tpu.memory_space<vmem>>) semaphore(%arg12 : memref<!tpu.dma_semaphore, #tpu.memory_space<semaphore_mem>>)
    %dma_start3A_19 = arith.constant 1 : i32
    %dma_start3A_20 = arith.constant 0 : i32
    %dma_start3A_21 = tpu.memref_slice %arg7[%dma_start3A_19, %dma_start3A_20] : memref<64x128xi32, #tpu.memory_space<vmem>> -> memref<1x128xi32, #tpu.memory_space<vmem>>
    %dma_start3A_22 = tpu.memref_squeeze %dma_start3A_21 : memref<1x128xi32, #tpu.memory_space<vmem>> -> memref<128xi32, #tpu.memory_space<vmem>>
    %dma_start3A_23 = arith.constant 0 : i32
    %dma_start3A_24 = arith.constant 0 : i32
    %dma_start3A_25 = tpu.memref_slice %arg2[%dma_start3A_23, %dma_start3A_24] : memref<10112x128xf32, #tpu.memory_space<hbm>> -> memref<10112x128xf32, #tpu.memory_space<hbm>>
    tpu.enqueue_indirect_dma source(%dma_start3A_25 : memref<10112x128xf32, #tpu.memory_space<hbm>>) target(%arg10 : memref<128x128xf32, #tpu.memory_space<vmem>>) offsets(%dma_start3A_22 : memref<128xi32, #tpu.memory_space<vmem>>) semaphore(%arg13 : memref<!tpu.dma_semaphore, #tpu.memory_space<semaphore_mem>>)
    %jit3A_26 = arith.constant 2 : i32
    %div3A = arith.divsi %select_n3A, %jit3A_26 : i32
    %sign3A = arith.constant 0 : i32
    %sign3A_27 = arith.cmpi sgt, %select_n3A, %sign3A : i32
    %sign3A_28 = arith.extui %sign3A_27 : i1 to i32
    %sign3A_29 = arith.constant 0 : i32
    %sign3A_30 = arith.cmpi slt, %select_n3A, %sign3A_29 : i32
    %sign3A_31 = arith.extui %sign3A_30 : i1 to i32
    %sign3A_32 = arith.subi %sign3A_28, %sign3A_31 : i32
    %sign3A_33 = arith.constant 0 : i32
    %sign3A_34 = arith.cmpi sgt, %jit3A_26, %sign3A_33 : i32
    %sign3A_35 = arith.extui %sign3A_34 : i1 to i32
    %sign3A_36 = arith.constant 0 : i32
    %sign3A_37 = arith.cmpi slt, %jit3A_26, %sign3A_36 : i32
    %sign3A_38 = arith.extui %sign3A_37 : i1 to i32
    %sign3A_39 = arith.subi %sign3A_35, %sign3A_38 : i32
    %ne3A = arith.cmpi ne, %sign3A_32, %sign3A_39 : i32
    %rem3A = arith.remsi %select_n3A, %jit3A_26 : i32
    %ne3A_40 = arith.constant 0 : i32
    %ne3A_41 = arith.cmpi ne, %rem3A, %ne3A_40 : i32
    %and3A = arith.andi %ne3A, %ne3A_41 : i1
    %sub3A = arith.constant 1 : i32
    %sub3A_42 = arith.subi %div3A, %sub3A : i32
    %select_n3A_43 = arith.select %and3A, %sub3A_42, %div3A : i32
    %while3A = arith.constant 0 : i32
    %while3A_44 = arith.constant 0 : i32
    %while3A_45 = arith.subi %select_n3A_43, %while3A_44 : i32
    %while3A_46 = arith.addi %while3A_44, %while3A_45 : i32
    %while3A_47 = arith.constant 1 : i32
    %while3A_48 = arith.divsi %while3A_45, %while3A_47 : i32
    %while3A_49 = arith.muli %while3A_48, %while3A_47 : i32
    %while3A_50 = arith.addi %while3A_44, %while3A_49 : i32
    %while3A_51 = arith.constant 1 : i32
    scf.for %while3A_58 = %while3A_44 to %while3A_50 step %while3A_51  : i32 {
      %mul3A_59 = arith.constant 2 : i32
      %mul3A_60 = arith.muli %while3A_58, %mul3A_59 : i32
      %add3A_61 = arith.constant 0 : i32
      %add3A_62 = arith.addi %mul3A_60, %add3A_61 : i32
      %dma_wait3A = arith.constant 0 : i32
      %dma_wait3A_63 = arith.constant 0 : i32
      %dma_wait3A_64 = tpu.memref_slice %arg7[%dma_wait3A, %dma_wait3A_63] : memref<64x128xi32, #tpu.memory_space<vmem>> -> memref<1x128xi32, #tpu.memory_space<vmem>>
      %dma_wait3A_65 = tpu.memref_squeeze %dma_wait3A_64 : memref<1x128xi32, #tpu.memory_space<vmem>> -> memref<128xi32, #tpu.memory_space<vmem>>
      %dma_wait3A_66 = arith.constant 0 : i32
      %dma_wait3A_67 = arith.constant 0 : i32
      %dma_wait3A_68 = tpu.memref_slice %arg2[%dma_wait3A_66, %dma_wait3A_67] : memref<10112x128xf32, #tpu.memory_space<hbm>> -> memref<10112x128xf32, #tpu.memory_space<hbm>>
      tpu.wait_indirect_dma semaphore(%arg12 : memref<!tpu.dma_semaphore, #tpu.memory_space<semaphore_mem>>) src(%dma_wait3A_68 : memref<10112x128xf32, #tpu.memory_space<hbm>>) dst(%arg9 : memref<128x128xf32, #tpu.memory_space<vmem>>)
      "tpu.region"() ({
        %run_scoped3A = tpu.sem_alloc : memref<!tpu.dma_semaphore, #tpu.memory_space<semaphore_mem>>
        %dma_start3A_89 = arith.constant 0 : i32
        %dma_start3A_90 = tpu.memref_slice %arg8[%add3A_62, %dma_start3A_89] : memref<64x128xi32, #tpu.memory_space<vmem>> -> memref<1x128xi32, #tpu.memory_space<vmem>>
        %dma_start3A_91 = tpu.memref_squeeze %dma_start3A_90 : memref<1x128xi32, #tpu.memory_space<vmem>> -> memref<128xi32, #tpu.memory_space<vmem>>
        %dma_start3A_92 = arith.constant 0 : i32
        %dma_start3A_93 = arith.constant 0 : i32
        %dma_start3A_94 = tpu.memref_slice %arg11[%dma_start3A_92, %dma_start3A_93] : memref<10112x128xf32, #tpu.memory_space<vmem_shared>> -> memref<10112x128xf32, #tpu.memory_space<vmem_shared>>
        tpu.enqueue_indirect_dma source(%arg9 : memref<128x128xf32, #tpu.memory_space<vmem>>) target(%dma_start3A_94 : memref<10112x128xf32, #tpu.memory_space<vmem_shared>>) offsets(%dma_start3A_91 : memref<128xi32, #tpu.memory_space<vmem>>) semaphore(%run_scoped3A : memref<!tpu.dma_semaphore, #tpu.memory_space<semaphore_mem>>) {add = true}
        %dma_wait3A_95 = arith.constant 0 : i32
        %dma_wait3A_96 = tpu.memref_slice %arg8[%add3A_62, %dma_wait3A_95] : memref<64x128xi32, #tpu.memory_space<vmem>> -> memref<1x128xi32, #tpu.memory_space<vmem>>
        %dma_wait3A_97 = tpu.memref_squeeze %dma_wait3A_96 : memref<1x128xi32, #tpu.memory_space<vmem>> -> memref<128xi32, #tpu.memory_space<vmem>>
        %dma_wait3A_98 = arith.constant 0 : i32
        %dma_wait3A_99 = arith.constant 0 : i32
        %dma_wait3A_100 = tpu.memref_slice %arg11[%dma_wait3A_98, %dma_wait3A_99] : memref<10112x128xf32, #tpu.memory_space<vmem_shared>> -> memref<10112x128xf32, #tpu.memory_space<vmem_shared>>
        tpu.wait_indirect_dma semaphore(%run_scoped3A : memref<!tpu.dma_semaphore, #tpu.memory_space<semaphore_mem>>) src(%arg9 : memref<128x128xf32, #tpu.memory_space<vmem>>) dst(%dma_wait3A_100 : memref<10112x128xf32, #tpu.memory_space<vmem_shared>>)
        tpu.yield
      }) : () -> ()
      %add3A_69 = arith.constant 1 : i32
      %add3A_70 = arith.addi %while3A_58, %add3A_69 : i32
      %lt3A = arith.cmpi slt, %add3A_70, %select_n3A_43 : i32
      %convert_element_type3A = arith.extui %lt3A : i1 to i32
      %cond3A = arith.constant 0 : i32
      %cond3A_71 = arith.cmpi ne, %convert_element_type3A, %cond3A : i32
      scf.if %cond3A_71 {
        %add3A_89 = arith.constant 2 : i32
        %add3A_90 = arith.addi %add3A_62, %add3A_89 : i32
        %dma_start3A_91 = arith.constant 0 : i32
        %dma_start3A_92 = tpu.memref_slice %arg7[%add3A_90, %dma_start3A_91] : memref<64x128xi32, #tpu.memory_space<vmem>> -> memref<1x128xi32, #tpu.memory_space<vmem>>
        %dma_start3A_93 = tpu.memref_squeeze %dma_start3A_92 : memref<1x128xi32, #tpu.memory_space<vmem>> -> memref<128xi32, #tpu.memory_space<vmem>>
        %dma_start3A_94 = arith.constant 0 : i32
        %dma_start3A_95 = arith.constant 0 : i32
        %dma_start3A_96 = tpu.memref_slice %arg2[%dma_start3A_94, %dma_start3A_95] : memref<10112x128xf32, #tpu.memory_space<hbm>> -> memref<10112x128xf32, #tpu.memory_space<hbm>>
        tpu.enqueue_indirect_dma source(%dma_start3A_96 : memref<10112x128xf32, #tpu.memory_space<hbm>>) target(%arg9 : memref<128x128xf32, #tpu.memory_space<vmem>>) offsets(%dma_start3A_93 : memref<128xi32, #tpu.memory_space<vmem>>) semaphore(%arg12 : memref<!tpu.dma_semaphore, #tpu.memory_space<semaphore_mem>>)
      } else {
      }
      %mul3A_72 = arith.constant 2 : i32
      %mul3A_73 = arith.muli %while3A_58, %mul3A_72 : i32
      %add3A_74 = arith.constant 1 : i32
      %add3A_75 = arith.addi %mul3A_73, %add3A_74 : i32
      %dma_wait3A_76 = arith.constant 1 : i32
      %dma_wait3A_77 = arith.constant 0 : i32
      %dma_wait3A_78 = tpu.memref_slice %arg7[%dma_wait3A_76, %dma_wait3A_77] : memref<64x128xi32, #tpu.memory_space<vmem>> -> memref<1x128xi32, #tpu.memory_space<vmem>>
      %dma_wait3A_79 = tpu.memref_squeeze %dma_wait3A_78 : memref<1x128xi32, #tpu.memory_space<vmem>> -> memref<128xi32, #tpu.memory_space<vmem>>
      %dma_wait3A_80 = arith.constant 0 : i32
      %dma_wait3A_81 = arith.constant 0 : i32
      %dma_wait3A_82 = tpu.memref_slice %arg2[%dma_wait3A_80, %dma_wait3A_81] : memref<10112x128xf32, #tpu.memory_space<hbm>> -> memref<10112x128xf32, #tpu.memory_space<hbm>>
      tpu.wait_indirect_dma semaphore(%arg13 : memref<!tpu.dma_semaphore, #tpu.memory_space<semaphore_mem>>) src(%dma_wait3A_82 : memref<10112x128xf32, #tpu.memory_space<hbm>>) dst(%arg10 : memref<128x128xf32, #tpu.memory_space<vmem>>)
      "tpu.region"() ({
        %run_scoped3A = tpu.sem_alloc : memref<!tpu.dma_semaphore, #tpu.memory_space<semaphore_mem>>
        %dma_start3A_89 = arith.constant 0 : i32
        %dma_start3A_90 = tpu.memref_slice %arg8[%add3A_75, %dma_start3A_89] : memref<64x128xi32, #tpu.memory_space<vmem>> -> memref<1x128xi32, #tpu.memory_space<vmem>>
        %dma_start3A_91 = tpu.memref_squeeze %dma_start3A_90 : memref<1x128xi32, #tpu.memory_space<vmem>> -> memref<128xi32, #tpu.memory_space<vmem>>
        %dma_start3A_92 = arith.constant 0 : i32
        %dma_start3A_93 = arith.constant 0 : i32
        %dma_start3A_94 = tpu.memref_slice %arg11[%dma_start3A_92, %dma_start3A_93] : memref<10112x128xf32, #tpu.memory_space<vmem_shared>> -> memref<10112x128xf32, #tpu.memory_space<vmem_shared>>
        tpu.enqueue_indirect_dma source(%arg10 : memref<128x128xf32, #tpu.memory_space<vmem>>) target(%dma_start3A_94 : memref<10112x128xf32, #tpu.memory_space<vmem_shared>>) offsets(%dma_start3A_91 : memref<128xi32, #tpu.memory_space<vmem>>) semaphore(%run_scoped3A : memref<!tpu.dma_semaphore, #tpu.memory_space<semaphore_mem>>) {add = true}
        %dma_wait3A_95 = arith.constant 0 : i32
        %dma_wait3A_96 = tpu.memref_slice %arg8[%add3A_75, %dma_wait3A_95] : memref<64x128xi32, #tpu.memory_space<vmem>> -> memref<1x128xi32, #tpu.memory_space<vmem>>
        %dma_wait3A_97 = tpu.memref_squeeze %dma_wait3A_96 : memref<1x128xi32, #tpu.memory_space<vmem>> -> memref<128xi32, #tpu.memory_space<vmem>>
        %dma_wait3A_98 = arith.constant 0 : i32
        %dma_wait3A_99 = arith.constant 0 : i32
        %dma_wait3A_100 = tpu.memref_slice %arg11[%dma_wait3A_98, %dma_wait3A_99] : memref<10112x128xf32, #tpu.memory_space<vmem_shared>> -> memref<10112x128xf32, #tpu.memory_space<vmem_shared>>
        tpu.wait_indirect_dma semaphore(%run_scoped3A : memref<!tpu.dma_semaphore, #tpu.memory_space<semaphore_mem>>) src(%arg10 : memref<128x128xf32, #tpu.memory_space<vmem>>) dst(%dma_wait3A_100 : memref<10112x128xf32, #tpu.memory_space<vmem_shared>>)
        tpu.yield
      }) : () -> ()
      %add3A_83 = arith.constant 1 : i32
      %add3A_84 = arith.addi %while3A_58, %add3A_83 : i32
      %lt3A_85 = arith.cmpi slt, %add3A_84, %select_n3A_43 : i32
      %convert_element_type3A_86 = arith.extui %lt3A_85 : i1 to i32
      %cond3A_87 = arith.constant 0 : i32
      %cond3A_88 = arith.cmpi ne, %convert_element_type3A_86, %cond3A_87 : i32
      scf.if %cond3A_88 {
        %add3A_89 = arith.constant 2 : i32
        %add3A_90 = arith.addi %add3A_75, %add3A_89 : i32
        %dma_start3A_91 = arith.constant 0 : i32
        %dma_start3A_92 = tpu.memref_slice %arg7[%add3A_90, %dma_start3A_91] : memref<64x128xi32, #tpu.memory_space<vmem>> -> memref<1x128xi32, #tpu.memory_space<vmem>>
        %dma_start3A_93 = tpu.memref_squeeze %dma_start3A_92 : memref<1x128xi32, #tpu.memory_space<vmem>> -> memref<128xi32, #tpu.memory_space<vmem>>
        %dma_start3A_94 = arith.constant 0 : i32
        %dma_start3A_95 = arith.constant 0 : i32
        %dma_start3A_96 = tpu.memref_slice %arg2[%dma_start3A_94, %dma_start3A_95] : memref<10112x128xf32, #tpu.memory_space<hbm>> -> memref<10112x128xf32, #tpu.memory_space<hbm>>
        tpu.enqueue_indirect_dma source(%dma_start3A_96 : memref<10112x128xf32, #tpu.memory_space<hbm>>) target(%arg10 : memref<128x128xf32, #tpu.memory_space<vmem>>) offsets(%dma_start3A_93 : memref<128xi32, #tpu.memory_space<vmem>>) semaphore(%arg13 : memref<!tpu.dma_semaphore, #tpu.memory_space<semaphore_mem>>)
      } else {
      }
    }
    %while3A_52 = arith.constant 1 : i32
    scf.for %while3A_58 = %while3A_50 to %while3A_46 step %while3A_52  : i32 {
      %mul3A_59 = arith.constant 2 : i32
      %mul3A_60 = arith.muli %while3A_58, %mul3A_59 : i32
      %add3A_61 = arith.constant 0 : i32
      %add3A_62 = arith.addi %mul3A_60, %add3A_61 : i32
      %dma_wait3A = arith.constant 0 : i32
      %dma_wait3A_63 = arith.constant 0 : i32
      %dma_wait3A_64 = tpu.memref_slice %arg7[%dma_wait3A, %dma_wait3A_63] : memref<64x128xi32, #tpu.memory_space<vmem>> -> memref<1x128xi32, #tpu.memory_space<vmem>>
      %dma_wait3A_65 = tpu.memref_squeeze %dma_wait3A_64 : memref<1x128xi32, #tpu.memory_space<vmem>> -> memref<128xi32, #tpu.memory_space<vmem>>
      %dma_wait3A_66 = arith.constant 0 : i32
      %dma_wait3A_67 = arith.constant 0 : i32
      %dma_wait3A_68 = tpu.memref_slice %arg2[%dma_wait3A_66, %dma_wait3A_67] : memref<10112x128xf32, #tpu.memory_space<hbm>> -> memref<10112x128xf32, #tpu.memory_space<hbm>>
      tpu.wait_indirect_dma semaphore(%arg12 : memref<!tpu.dma_semaphore, #tpu.memory_space<semaphore_mem>>) src(%dma_wait3A_68 : memref<10112x128xf32, #tpu.memory_space<hbm>>) dst(%arg9 : memref<128x128xf32, #tpu.memory_space<vmem>>)
      "tpu.region"() ({
        %run_scoped3A = tpu.sem_alloc : memref<!tpu.dma_semaphore, #tpu.memory_space<semaphore_mem>>
        %dma_start3A_89 = arith.constant 0 : i32
        %dma_start3A_90 = tpu.memref_slice %arg8[%add3A_62, %dma_start3A_89] : memref<64x128xi32, #tpu.memory_space<vmem>> -> memref<1x128xi32, #tpu.memory_space<vmem>>
        %dma_start3A_91 = tpu.memref_squeeze %dma_start3A_90 : memref<1x128xi32, #tpu.memory_space<vmem>> -> memref<128xi32, #tpu.memory_space<vmem>>
        %dma_start3A_92 = arith.constant 0 : i32
        %dma_start3A_93 = arith.constant 0 : i32
        %dma_start3A_94 = tpu.memref_slice %arg11[%dma_start3A_92, %dma_start3A_93] : memref<10112x128xf32, #tpu.memory_space<vmem_shared>> -> memref<10112x128xf32, #tpu.memory_space<vmem_shared>>
        tpu.enqueue_indirect_dma source(%arg9 : memref<128x128xf32, #tpu.memory_space<vmem>>) target(%dma_start3A_94 : memref<10112x128xf32, #tpu.memory_space<vmem_shared>>) offsets(%dma_start3A_91 : memref<128xi32, #tpu.memory_space<vmem>>) semaphore(%run_scoped3A : memref<!tpu.dma_semaphore, #tpu.memory_space<semaphore_mem>>) {add = true}
        %dma_wait3A_95 = arith.constant 0 : i32
        %dma_wait3A_96 = tpu.memref_slice %arg8[%add3A_62, %dma_wait3A_95] : memref<64x128xi32, #tpu.memory_space<vmem>> -> memref<1x128xi32, #tpu.memory_space<vmem>>
        %dma_wait3A_97 = tpu.memref_squeeze %dma_wait3A_96 : memref<1x128xi32, #tpu.memory_space<vmem>> -> memref<128xi32, #tpu.memory_space<vmem>>
        %dma_wait3A_98 = arith.constant 0 : i32
        %dma_wait3A_99 = arith.constant 0 : i32
        %dma_wait3A_100 = tpu.memref_slice %arg11[%dma_wait3A_98, %dma_wait3A_99] : memref<10112x128xf32, #tpu.memory_space<vmem_shared>> -> memref<10112x128xf32, #tpu.memory_space<vmem_shared>>
        tpu.wait_indirect_dma semaphore(%run_scoped3A : memref<!tpu.dma_semaphore, #tpu.memory_space<semaphore_mem>>) src(%arg9 : memref<128x128xf32, #tpu.memory_space<vmem>>) dst(%dma_wait3A_100 : memref<10112x128xf32, #tpu.memory_space<vmem_shared>>)
        tpu.yield
      }) : () -> ()
      %add3A_69 = arith.constant 1 : i32
      %add3A_70 = arith.addi %while3A_58, %add3A_69 : i32
      %lt3A = arith.cmpi slt, %add3A_70, %select_n3A_43 : i32
      %convert_element_type3A = arith.extui %lt3A : i1 to i32
      %cond3A = arith.constant 0 : i32
      %cond3A_71 = arith.cmpi ne, %convert_element_type3A, %cond3A : i32
      scf.if %cond3A_71 {
        %add3A_89 = arith.constant 2 : i32
        %add3A_90 = arith.addi %add3A_62, %add3A_89 : i32
        %dma_start3A_91 = arith.constant 0 : i32
        %dma_start3A_92 = tpu.memref_slice %arg7[%add3A_90, %dma_start3A_91] : memref<64x128xi32, #tpu.memory_space<vmem>> -> memref<1x128xi32, #tpu.memory_space<vmem>>
        %dma_start3A_93 = tpu.memref_squeeze %dma_start3A_92 : memref<1x128xi32, #tpu.memory_space<vmem>> -> memref<128xi32, #tpu.memory_space<vmem>>
        %dma_start3A_94 = arith.constant 0 : i32
        %dma_start3A_95 = arith.constant 0 : i32
        %dma_start3A_96 = tpu.memref_slice %arg2[%dma_start3A_94, %dma_start3A_95] : memref<10112x128xf32, #tpu.memory_space<hbm>> -> memref<10112x128xf32, #tpu.memory_space<hbm>>
        tpu.enqueue_indirect_dma source(%dma_start3A_96 : memref<10112x128xf32, #tpu.memory_space<hbm>>) target(%arg9 : memref<128x128xf32, #tpu.memory_space<vmem>>) offsets(%dma_start3A_93 : memref<128xi32, #tpu.memory_space<vmem>>) semaphore(%arg12 : memref<!tpu.dma_semaphore, #tpu.memory_space<semaphore_mem>>)
      } else {
      }
      %mul3A_72 = arith.constant 2 : i32
      %mul3A_73 = arith.muli %while3A_58, %mul3A_72 : i32
      %add3A_74 = arith.constant 1 : i32
      %add3A_75 = arith.addi %mul3A_73, %add3A_74 : i32
      %dma_wait3A_76 = arith.constant 1 : i32
      %dma_wait3A_77 = arith.constant 0 : i32
      %dma_wait3A_78 = tpu.memref_slice %arg7[%dma_wait3A_76, %dma_wait3A_77] : memref<64x128xi32, #tpu.memory_space<vmem>> -> memref<1x128xi32, #tpu.memory_space<vmem>>
      %dma_wait3A_79 = tpu.memref_squeeze %dma_wait3A_78 : memref<1x128xi32, #tpu.memory_space<vmem>> -> memref<128xi32, #tpu.memory_space<vmem>>
      %dma_wait3A_80 = arith.constant 0 : i32
      %dma_wait3A_81 = arith.constant 0 : i32
      %dma_wait3A_82 = tpu.memref_slice %arg2[%dma_wait3A_80, %dma_wait3A_81] : memref<10112x128xf32, #tpu.memory_space<hbm>> -> memref<10112x128xf32, #tpu.memory_space<hbm>>
      tpu.wait_indirect_dma semaphore(%arg13 : memref<!tpu.dma_semaphore, #tpu.memory_space<semaphore_mem>>) src(%dma_wait3A_82 : memref<10112x128xf32, #tpu.memory_space<hbm>>) dst(%arg10 : memref<128x128xf32, #tpu.memory_space<vmem>>)
      "tpu.region"() ({
        %run_scoped3A = tpu.sem_alloc : memref<!tpu.dma_semaphore, #tpu.memory_space<semaphore_mem>>
        %dma_start3A_89 = arith.constant 0 : i32
        %dma_start3A_90 = tpu.memref_slice %arg8[%add3A_75, %dma_start3A_89] : memref<64x128xi32, #tpu.memory_space<vmem>> -> memref<1x128xi32, #tpu.memory_space<vmem>>
        %dma_start3A_91 = tpu.memref_squeeze %dma_start3A_90 : memref<1x128xi32, #tpu.memory_space<vmem>> -> memref<128xi32, #tpu.memory_space<vmem>>
        %dma_start3A_92 = arith.constant 0 : i32
        %dma_start3A_93 = arith.constant 0 : i32
        %dma_start3A_94 = tpu.memref_slice %arg11[%dma_start3A_92, %dma_start3A_93] : memref<10112x128xf32, #tpu.memory_space<vmem_shared>> -> memref<10112x128xf32, #tpu.memory_space<vmem_shared>>
        tpu.enqueue_indirect_dma source(%arg10 : memref<128x128xf32, #tpu.memory_space<vmem>>) target(%dma_start3A_94 : memref<10112x128xf32, #tpu.memory_space<vmem_shared>>) offsets(%dma_start3A_91 : memref<128xi32, #tpu.memory_space<vmem>>) semaphore(%run_scoped3A : memref<!tpu.dma_semaphore, #tpu.memory_space<semaphore_mem>>) {add = true}
        %dma_wait3A_95 = arith.constant 0 : i32
        %dma_wait3A_96 = tpu.memref_slice %arg8[%add3A_75, %dma_wait3A_95] : memref<64x128xi32, #tpu.memory_space<vmem>> -> memref<1x128xi32, #tpu.memory_space<vmem>>
        %dma_wait3A_97 = tpu.memref_squeeze %dma_wait3A_96 : memref<1x128xi32, #tpu.memory_space<vmem>> -> memref<128xi32, #tpu.memory_space<vmem>>
        %dma_wait3A_98 = arith.constant 0 : i32
        %dma_wait3A_99 = arith.constant 0 : i32
        %dma_wait3A_100 = tpu.memref_slice %arg11[%dma_wait3A_98, %dma_wait3A_99] : memref<10112x128xf32, #tpu.memory_space<vmem_shared>> -> memref<10112x128xf32, #tpu.memory_space<vmem_shared>>
        tpu.wait_indirect_dma semaphore(%run_scoped3A : memref<!tpu.dma_semaphore, #tpu.memory_space<semaphore_mem>>) src(%arg10 : memref<128x128xf32, #tpu.memory_space<vmem>>) dst(%dma_wait3A_100 : memref<10112x128xf32, #tpu.memory_space<vmem_shared>>)
        tpu.yield
      }) : () -> ()
      %add3A_83 = arith.constant 1 : i32
      %add3A_84 = arith.addi %while3A_58, %add3A_83 : i32
      %lt3A_85 = arith.cmpi slt, %add3A_84, %select_n3A_43 : i32
      %convert_element_type3A_86 = arith.extui %lt3A_85 : i1 to i32
      %cond3A_87 = arith.constant 0 : i32
      %cond3A_88 = arith.cmpi ne, %convert_element_type3A_86, %cond3A_87 : i32
      scf.if %cond3A_88 {
        %add3A_89 = arith.constant 2 : i32
        %add3A_90 = arith.addi %add3A_75, %add3A_89 : i32
        %dma_start3A_91 = arith.constant 0 : i32
        %dma_start3A_92 = tpu.memref_slice %arg7[%add3A_90, %dma_start3A_91] : memref<64x128xi32, #tpu.memory_space<vmem>> -> memref<1x128xi32, #tpu.memory_space<vmem>>
        %dma_start3A_93 = tpu.memref_squeeze %dma_start3A_92 : memref<1x128xi32, #tpu.memory_space<vmem>> -> memref<128xi32, #tpu.memory_space<vmem>>
        %dma_start3A_94 = arith.constant 0 : i32
        %dma_start3A_95 = arith.constant 0 : i32
        %dma_start3A_96 = tpu.memref_slice %arg2[%dma_start3A_94, %dma_start3A_95] : memref<10112x128xf32, #tpu.memory_space<hbm>> -> memref<10112x128xf32, #tpu.memory_space<hbm>>
        tpu.enqueue_indirect_dma source(%dma_start3A_96 : memref<10112x128xf32, #tpu.memory_space<hbm>>) target(%arg10 : memref<128x128xf32, #tpu.memory_space<vmem>>) offsets(%dma_start3A_93 : memref<128xi32, #tpu.memory_space<vmem>>) semaphore(%arg13 : memref<!tpu.dma_semaphore, #tpu.memory_space<semaphore_mem>>)
      } else {
      }
    }
    %barrier3A_53 = arith.constant 0 : index
    tpu.barrier barrier_id(%barrier3A_53)
    %mul3A_54 = arith.constant 632 : i32
    %mul3A_55 = arith.muli %arg1, %mul3A_54 : i32
    %mul3A_56 = arith.constant 632 : i32
    %mul3A_57 = arith.muli %arg1, %mul3A_56 : i32
    "tpu.region"() ({
      %run_scoped3A = tpu.sem_alloc : memref<!tpu.dma_semaphore, #tpu.memory_space<semaphore_mem>>
      %dma_start3A_58 = arith.constant 0 : i32
      %dma_start3A_59 = tpu.memref_slice %arg6[%arg0, %mul3A_57, %dma_start3A_58] : memref<2x10112x128xf32, #tpu.memory_space<hbm>> -> memref<1x632x128xf32, #tpu.memory_space<hbm>>
      %dma_start3A_60 = tpu.memref_squeeze %dma_start3A_59 : memref<1x632x128xf32, #tpu.memory_space<hbm>> -> memref<632x128xf32, #tpu.memory_space<hbm>>
      %dma_start3A_61 = arith.constant 0 : i32
      %dma_start3A_62 = tpu.memref_slice %arg11[%mul3A_55, %dma_start3A_61] : memref<10112x128xf32, #tpu.memory_space<vmem_shared>> -> memref<632x128xf32, #tpu.memory_space<vmem_shared>>
      tpu.enqueue_dma source(%dma_start3A_62 : memref<632x128xf32, #tpu.memory_space<vmem_shared>>) target(%dma_start3A_60 : memref<632x128xf32, #tpu.memory_space<hbm>>) target_semaphore(%run_scoped3A : memref<!tpu.dma_semaphore, #tpu.memory_space<semaphore_mem>>)
      %dma_wait3A = arith.constant 0 : i32
      %dma_wait3A_63 = tpu.memref_slice %arg6[%arg0, %mul3A_57, %dma_wait3A] : memref<2x10112x128xf32, #tpu.memory_space<hbm>> -> memref<1x632x128xf32, #tpu.memory_space<hbm>>
      %dma_wait3A_64 = tpu.memref_squeeze %dma_wait3A_63 : memref<1x632x128xf32, #tpu.memory_space<hbm>> -> memref<632x128xf32, #tpu.memory_space<hbm>>
      %dma_wait3A_65 = arith.constant 0 : i32
      %dma_wait3A_66 = tpu.memref_slice %arg11[%mul3A_55, %dma_wait3A_65] : memref<10112x128xf32, #tpu.memory_space<vmem_shared>> -> memref<632x128xf32, #tpu.memory_space<vmem_shared>>
      tpu.wait_dma2 semaphore(%run_scoped3A : memref<!tpu.dma_semaphore, #tpu.memory_space<semaphore_mem>>) src(%dma_wait3A_66 : memref<632x128xf32, #tpu.memory_space<vmem_shared>>) dst(%dma_wait3A_64 : memref<632x128xf32, #tpu.memory_space<hbm>>)
      tpu.yield
    }) : () -> ()
    return
  }
}

#map = affine_map<(d0, d1) -> (0, 0)>
#map1 = affine_map<(d0, d1) -> (0, 0, 0)>
module attributes {stable_mosaic.version = 14 : i64} {
  func.func @_sc_prop(%arg0: i32, %arg1: i32, %arg2: memref<10112x128xf32, #tpu.memory_space<hbm>>, %arg3: memref<1344x128xi32, #tpu.memory_space<hbm>>, %arg4: memref<1344x128xi32, #tpu.memory_space<hbm>>, %arg5: memref<10112x128xf32, #tpu.memory_space<hbm>>, %arg6: memref<2x10112x128xf32, #tpu.memory_space<hbm>>, %arg7: memref<64x128xi32, #tpu.memory_space<vmem>>, %arg8: memref<64x128xi32, #tpu.memory_space<vmem>>, %arg9: memref<128x128xf32, #tpu.memory_space<vmem>>, %arg10: memref<128x128xf32, #tpu.memory_space<vmem>>, %arg11: memref<10112x128xf32, #tpu.memory_space<vmem_shared>>, %arg12: memref<!tpu.dma_semaphore, #tpu.memory_space<semaphore_mem>>, %arg13: memref<!tpu.dma_semaphore, #tpu.memory_space<semaphore_mem>>) attributes {dimension_semantics = [#tpu.dimension_semantics<core_parallel>, #tpu.dimension_semantics<subcore_parallel>], iteration_bounds = array<i64: 2, 16>, scalar_prefetch = 0 : i64, scratch_operands = 7 : i64, tpu.core_type = #tpu.core_type<sc_vector_subcore>, window_params = [{transform_indices = #map}, {transform_indices = #map}, {transform_indices = #map}, {transform_indices = #map}, {transform_indices = #map1}]} {
    %eq3A = arith.constant 0 : i32
    %eq3A_0 = arith.cmpi eq, %arg0, %eq3A : i32
    %jit3A = arith.constant 64 : i32
    %jit3A_1 = arith.constant 16 : i32
    %select_n3A = arith.select %eq3A_0, %jit3A, %jit3A_1 : i32
    %eq3A_2 = arith.constant 0 : i32
    %eq3A_3 = arith.cmpi eq, %arg0, %eq3A_2 : i32
    %mul3A = arith.constant 64 : i32
    %mul3A_4 = arith.muli %arg1, %mul3A : i32
    %mul3A_5 = arith.constant 16 : i32
    %mul3A_6 = arith.muli %arg1, %mul3A_5 : i32
    %add3A = arith.constant 1024 : i32
    %add3A_7 = arith.addi %add3A, %mul3A_6 : i32
    %select_n3A_8 = arith.select %eq3A_3, %mul3A_4, %add3A_7 : i32
    "tpu.region"() ({
      %run_scoped3A = tpu.sem_alloc : memref<!tpu.dma_semaphore, #tpu.memory_space<semaphore_mem>>
      %dma_start3A_58 = arith.constant 0 : i32
      %dma_start3A_59 = tpu.memref_slice %arg3[%select_n3A_8, %dma_start3A_58] : memref<1344x128xi32, #tpu.memory_space<hbm>> -> memref<64x128xi32, #tpu.memory_space<hbm>>
      %dma_start3A_60 = arith.constant 0 : i32
      %dma_start3A_61 = tpu.memref_slice %arg3[%select_n3A_8, %dma_start3A_60] : memref<1344x128xi32, #tpu.memory_space<hbm>> -> memref<64x128xi32, #tpu.memory_space<hbm>>
      tpu.enqueue_dma source(%dma_start3A_61 : memref<64x128xi32, #tpu.memory_space<hbm>>) target(%arg7 : memref<64x128xi32, #tpu.memory_space<vmem>>) target_semaphore(%run_scoped3A : memref<!tpu.dma_semaphore, #tpu.memory_space<semaphore_mem>>)
      %dma_wait3A = arith.constant 0 : i32
      %dma_wait3A_62 = tpu.memref_slice %arg3[%select_n3A_8, %dma_wait3A] : memref<1344x128xi32, #tpu.memory_space<hbm>> -> memref<64x128xi32, #tpu.memory_space<hbm>>
      %dma_wait3A_63 = arith.constant 0 : i32
      %dma_wait3A_64 = tpu.memref_slice %arg3[%select_n3A_8, %dma_wait3A_63] : memref<1344x128xi32, #tpu.memory_space<hbm>> -> memref<64x128xi32, #tpu.memory_space<hbm>>
      tpu.wait_dma2 semaphore(%run_scoped3A : memref<!tpu.dma_semaphore, #tpu.memory_space<semaphore_mem>>) src(%dma_wait3A_64 : memref<64x128xi32, #tpu.memory_space<hbm>>) dst(%arg7 : memref<64x128xi32, #tpu.memory_space<vmem>>)
      tpu.yield
    }) : () -> ()
    "tpu.region"() ({
      %run_scoped3A = tpu.sem_alloc : memref<!tpu.dma_semaphore, #tpu.memory_space<semaphore_mem>>
      %dma_start3A_58 = arith.constant 0 : i32
      %dma_start3A_59 = tpu.memref_slice %arg4[%select_n3A_8, %dma_start3A_58] : memref<1344x128xi32, #tpu.memory_space<hbm>> -> memref<64x128xi32, #tpu.memory_space<hbm>>
      %dma_start3A_60 = arith.constant 0 : i32
      %dma_start3A_61 = tpu.memref_slice %arg4[%select_n3A_8, %dma_start3A_60] : memref<1344x128xi32, #tpu.memory_space<hbm>> -> memref<64x128xi32, #tpu.memory_space<hbm>>
      tpu.enqueue_dma source(%dma_start3A_61 : memref<64x128xi32, #tpu.memory_space<hbm>>) target(%arg8 : memref<64x128xi32, #tpu.memory_space<vmem>>) target_semaphore(%run_scoped3A : memref<!tpu.dma_semaphore, #tpu.memory_space<semaphore_mem>>)
      %dma_wait3A = arith.constant 0 : i32
      %dma_wait3A_62 = tpu.memref_slice %arg4[%select_n3A_8, %dma_wait3A] : memref<1344x128xi32, #tpu.memory_space<hbm>> -> memref<64x128xi32, #tpu.memory_space<hbm>>
      %dma_wait3A_63 = arith.constant 0 : i32
      %dma_wait3A_64 = tpu.memref_slice %arg4[%select_n3A_8, %dma_wait3A_63] : memref<1344x128xi32, #tpu.memory_space<hbm>> -> memref<64x128xi32, #tpu.memory_space<hbm>>
      tpu.wait_dma2 semaphore(%run_scoped3A : memref<!tpu.dma_semaphore, #tpu.memory_space<semaphore_mem>>) src(%dma_wait3A_64 : memref<64x128xi32, #tpu.memory_space<hbm>>) dst(%arg8 : memref<64x128xi32, #tpu.memory_space<vmem>>)
      tpu.yield
    }) : () -> ()
    %mul3A_9 = arith.constant 632 : i32
    %mul3A_10 = arith.muli %arg1, %mul3A_9 : i32
    %mul3A_11 = arith.constant 632 : i32
    %mul3A_12 = arith.muli %arg1, %mul3A_11 : i32
    "tpu.region"() ({
      %run_scoped3A = tpu.sem_alloc : memref<!tpu.dma_semaphore, #tpu.memory_space<semaphore_mem>>
      %dma_start3A_58 = arith.constant 0 : i32
      %dma_start3A_59 = tpu.memref_slice %arg11[%mul3A_12, %dma_start3A_58] : memref<10112x128xf32, #tpu.memory_space<vmem_shared>> -> memref<632x128xf32, #tpu.memory_space<vmem_shared>>
      %dma_start3A_60 = arith.constant 0 : i32
      %dma_start3A_61 = tpu.memref_slice %arg5[%mul3A_10, %dma_start3A_60] : memref<10112x128xf32, #tpu.memory_space<hbm>> -> memref<632x128xf32, #tpu.memory_space<hbm>>
      tpu.enqueue_dma source(%dma_start3A_61 : memref<632x128xf32, #tpu.memory_space<hbm>>) target(%dma_start3A_59 : memref<632x128xf32, #tpu.memory_space<vmem_shared>>) target_semaphore(%run_scoped3A : memref<!tpu.dma_semaphore, #tpu.memory_space<semaphore_mem>>)
      %dma_wait3A = arith.constant 0 : i32
      %dma_wait3A_62 = tpu.memref_slice %arg11[%mul3A_12, %dma_wait3A] : memref<10112x128xf32, #tpu.memory_space<vmem_shared>> -> memref<632x128xf32, #tpu.memory_space<vmem_shared>>
      %dma_wait3A_63 = arith.constant 0 : i32
      %dma_wait3A_64 = tpu.memref_slice %arg5[%mul3A_10, %dma_wait3A_63] : memref<10112x128xf32, #tpu.memory_space<hbm>> -> memref<632x128xf32, #tpu.memory_space<hbm>>
      tpu.wait_dma2 semaphore(%run_scoped3A : memref<!tpu.dma_semaphore, #tpu.memory_space<semaphore_mem>>) src(%dma_wait3A_64 : memref<632x128xf32, #tpu.memory_space<hbm>>) dst(%dma_wait3A_62 : memref<632x128xf32, #tpu.memory_space<vmem_shared>>)
      tpu.yield
    }) : () -> ()
    %barrier3A = arith.constant 0 : index
    tpu.barrier barrier_id(%barrier3A)
    %dma_start3A = arith.constant 0 : i32
    %dma_start3A_13 = arith.constant 0 : i32
    %dma_start3A_14 = tpu.memref_slice %arg7[%dma_start3A, %dma_start3A_13] : memref<64x128xi32, #tpu.memory_space<vmem>> -> memref<1x128xi32, #tpu.memory_space<vmem>>
    %dma_start3A_15 = tpu.memref_squeeze %dma_start3A_14 : memref<1x128xi32, #tpu.memory_space<vmem>> -> memref<128xi32, #tpu.memory_space<vmem>>
    %dma_start3A_16 = arith.constant 0 : i32
    %dma_start3A_17 = arith.constant 0 : i32
    %dma_start3A_18 = tpu.memref_slice %arg2[%dma_start3A_16, %dma_start3A_17] : memref<10112x128xf32, #tpu.memory_space<hbm>> -> memref<10112x128xf32, #tpu.memory_space<hbm>>
    tpu.enqueue_indirect_dma source(%dma_start3A_18 : memref<10112x128xf32, #tpu.memory_space<hbm>>) target(%arg9 : memref<128x128xf32, #tpu.memory_space<vmem>>) offsets(%dma_start3A_15 : memref<128xi32, #tpu.memory_space<vmem>>) semaphore(%arg12 : memref<!tpu.dma_semaphore, #tpu.memory_space<semaphore_mem>>)
    %dma_start3A_19 = arith.constant 1 : i32
    %dma_start3A_20 = arith.constant 0 : i32
    %dma_start3A_21 = tpu.memref_slice %arg7[%dma_start3A_19, %dma_start3A_20] : memref<64x128xi32, #tpu.memory_space<vmem>> -> memref<1x128xi32, #tpu.memory_space<vmem>>
    %dma_start3A_22 = tpu.memref_squeeze %dma_start3A_21 : memref<1x128xi32, #tpu.memory_space<vmem>> -> memref<128xi32, #tpu.memory_space<vmem>>
    %dma_start3A_23 = arith.constant 0 : i32
    %dma_start3A_24 = arith.constant 0 : i32
    %dma_start3A_25 = tpu.memref_slice %arg2[%dma_start3A_23, %dma_start3A_24] : memref<10112x128xf32, #tpu.memory_space<hbm>> -> memref<10112x128xf32, #tpu.memory_space<hbm>>
    tpu.enqueue_indirect_dma source(%dma_start3A_25 : memref<10112x128xf32, #tpu.memory_space<hbm>>) target(%arg10 : memref<128x128xf32, #tpu.memory_space<vmem>>) offsets(%dma_start3A_22 : memref<128xi32, #tpu.memory_space<vmem>>) semaphore(%arg13 : memref<!tpu.dma_semaphore, #tpu.memory_space<semaphore_mem>>)
    %jit3A_26 = arith.constant 2 : i32
    %div3A = arith.divsi %select_n3A, %jit3A_26 : i32
    %sign3A = arith.constant 0 : i32
    %sign3A_27 = arith.cmpi sgt, %select_n3A, %sign3A : i32
    %sign3A_28 = arith.extui %sign3A_27 : i1 to i32
    %sign3A_29 = arith.constant 0 : i32
    %sign3A_30 = arith.cmpi slt, %select_n3A, %sign3A_29 : i32
    %sign3A_31 = arith.extui %sign3A_30 : i1 to i32
    %sign3A_32 = arith.subi %sign3A_28, %sign3A_31 : i32
    %sign3A_33 = arith.constant 0 : i32
    %sign3A_34 = arith.cmpi sgt, %jit3A_26, %sign3A_33 : i32
    %sign3A_35 = arith.extui %sign3A_34 : i1 to i32
    %sign3A_36 = arith.constant 0 : i32
    %sign3A_37 = arith.cmpi slt, %jit3A_26, %sign3A_36 : i32
    %sign3A_38 = arith.extui %sign3A_37 : i1 to i32
    %sign3A_39 = arith.subi %sign3A_35, %sign3A_38 : i32
    %ne3A = arith.cmpi ne, %sign3A_32, %sign3A_39 : i32
    %rem3A = arith.remsi %select_n3A, %jit3A_26 : i32
    %ne3A_40 = arith.constant 0 : i32
    %ne3A_41 = arith.cmpi ne, %rem3A, %ne3A_40 : i32
    %and3A = arith.andi %ne3A, %ne3A_41 : i1
    %sub3A = arith.constant 1 : i32
    %sub3A_42 = arith.subi %div3A, %sub3A : i32
    %select_n3A_43 = arith.select %and3A, %sub3A_42, %div3A : i32
    %while3A = arith.constant 0 : i32
    %while3A_44 = arith.constant 0 : i32
    %while3A_45 = arith.subi %select_n3A_43, %while3A_44 : i32
    %while3A_46 = arith.addi %while3A_44, %while3A_45 : i32
    %while3A_47 = arith.constant 1 : i32
    %while3A_48 = arith.divsi %while3A_45, %while3A_47 : i32
    %while3A_49 = arith.muli %while3A_48, %while3A_47 : i32
    %while3A_50 = arith.addi %while3A_44, %while3A_49 : i32
    %while3A_51 = arith.constant 1 : i32
    scf.for %while3A_58 = %while3A_44 to %while3A_50 step %while3A_51  : i32 {
      %mul3A_59 = arith.constant 2 : i32
      %mul3A_60 = arith.muli %while3A_58, %mul3A_59 : i32
      %add3A_61 = arith.constant 0 : i32
      %add3A_62 = arith.addi %mul3A_60, %add3A_61 : i32
      %dma_wait3A = arith.constant 0 : i32
      %dma_wait3A_63 = arith.constant 0 : i32
      %dma_wait3A_64 = tpu.memref_slice %arg7[%dma_wait3A, %dma_wait3A_63] : memref<64x128xi32, #tpu.memory_space<vmem>> -> memref<1x128xi32, #tpu.memory_space<vmem>>
      %dma_wait3A_65 = tpu.memref_squeeze %dma_wait3A_64 : memref<1x128xi32, #tpu.memory_space<vmem>> -> memref<128xi32, #tpu.memory_space<vmem>>
      %dma_wait3A_66 = arith.constant 0 : i32
      %dma_wait3A_67 = arith.constant 0 : i32
      %dma_wait3A_68 = tpu.memref_slice %arg2[%dma_wait3A_66, %dma_wait3A_67] : memref<10112x128xf32, #tpu.memory_space<hbm>> -> memref<10112x128xf32, #tpu.memory_space<hbm>>
      tpu.wait_indirect_dma semaphore(%arg12 : memref<!tpu.dma_semaphore, #tpu.memory_space<semaphore_mem>>) src(%dma_wait3A_68 : memref<10112x128xf32, #tpu.memory_space<hbm>>) dst(%arg9 : memref<128x128xf32, #tpu.memory_space<vmem>>)
      "tpu.region"() ({
        %run_scoped3A = tpu.sem_alloc : memref<!tpu.dma_semaphore, #tpu.memory_space<semaphore_mem>>
        %dma_start3A_89 = arith.constant 0 : i32
        %dma_start3A_90 = tpu.memref_slice %arg8[%add3A_62, %dma_start3A_89] : memref<64x128xi32, #tpu.memory_space<vmem>> -> memref<1x128xi32, #tpu.memory_space<vmem>>
        %dma_start3A_91 = tpu.memref_squeeze %dma_start3A_90 : memref<1x128xi32, #tpu.memory_space<vmem>> -> memref<128xi32, #tpu.memory_space<vmem>>
        %dma_start3A_92 = arith.constant 0 : i32
        %dma_start3A_93 = arith.constant 0 : i32
        %dma_start3A_94 = tpu.memref_slice %arg11[%dma_start3A_92, %dma_start3A_93] : memref<10112x128xf32, #tpu.memory_space<vmem_shared>> -> memref<10112x128xf32, #tpu.memory_space<vmem_shared>>
        tpu.enqueue_indirect_dma source(%arg9 : memref<128x128xf32, #tpu.memory_space<vmem>>) target(%dma_start3A_94 : memref<10112x128xf32, #tpu.memory_space<vmem_shared>>) offsets(%dma_start3A_91 : memref<128xi32, #tpu.memory_space<vmem>>) semaphore(%run_scoped3A : memref<!tpu.dma_semaphore, #tpu.memory_space<semaphore_mem>>) {add = true}
        %dma_wait3A_95 = arith.constant 0 : i32
        %dma_wait3A_96 = tpu.memref_slice %arg8[%add3A_62, %dma_wait3A_95] : memref<64x128xi32, #tpu.memory_space<vmem>> -> memref<1x128xi32, #tpu.memory_space<vmem>>
        %dma_wait3A_97 = tpu.memref_squeeze %dma_wait3A_96 : memref<1x128xi32, #tpu.memory_space<vmem>> -> memref<128xi32, #tpu.memory_space<vmem>>
        %dma_wait3A_98 = arith.constant 0 : i32
        %dma_wait3A_99 = arith.constant 0 : i32
        %dma_wait3A_100 = tpu.memref_slice %arg11[%dma_wait3A_98, %dma_wait3A_99] : memref<10112x128xf32, #tpu.memory_space<vmem_shared>> -> memref<10112x128xf32, #tpu.memory_space<vmem_shared>>
        tpu.wait_indirect_dma semaphore(%run_scoped3A : memref<!tpu.dma_semaphore, #tpu.memory_space<semaphore_mem>>) src(%arg9 : memref<128x128xf32, #tpu.memory_space<vmem>>) dst(%dma_wait3A_100 : memref<10112x128xf32, #tpu.memory_space<vmem_shared>>)
        tpu.yield
      }) : () -> ()
      %add3A_69 = arith.constant 1 : i32
      %add3A_70 = arith.addi %while3A_58, %add3A_69 : i32
      %lt3A = arith.cmpi slt, %add3A_70, %select_n3A_43 : i32
      %convert_element_type3A = arith.extui %lt3A : i1 to i32
      %cond3A = arith.constant 0 : i32
      %cond3A_71 = arith.cmpi ne, %convert_element_type3A, %cond3A : i32
      scf.if %cond3A_71 {
        %add3A_89 = arith.constant 2 : i32
        %add3A_90 = arith.addi %add3A_62, %add3A_89 : i32
        %dma_start3A_91 = arith.constant 0 : i32
        %dma_start3A_92 = tpu.memref_slice %arg7[%add3A_90, %dma_start3A_91] : memref<64x128xi32, #tpu.memory_space<vmem>> -> memref<1x128xi32, #tpu.memory_space<vmem>>
        %dma_start3A_93 = tpu.memref_squeeze %dma_start3A_92 : memref<1x128xi32, #tpu.memory_space<vmem>> -> memref<128xi32, #tpu.memory_space<vmem>>
        %dma_start3A_94 = arith.constant 0 : i32
        %dma_start3A_95 = arith.constant 0 : i32
        %dma_start3A_96 = tpu.memref_slice %arg2[%dma_start3A_94, %dma_start3A_95] : memref<10112x128xf32, #tpu.memory_space<hbm>> -> memref<10112x128xf32, #tpu.memory_space<hbm>>
        tpu.enqueue_indirect_dma source(%dma_start3A_96 : memref<10112x128xf32, #tpu.memory_space<hbm>>) target(%arg9 : memref<128x128xf32, #tpu.memory_space<vmem>>) offsets(%dma_start3A_93 : memref<128xi32, #tpu.memory_space<vmem>>) semaphore(%arg12 : memref<!tpu.dma_semaphore, #tpu.memory_space<semaphore_mem>>)
      } else {
      }
      %mul3A_72 = arith.constant 2 : i32
      %mul3A_73 = arith.muli %while3A_58, %mul3A_72 : i32
      %add3A_74 = arith.constant 1 : i32
      %add3A_75 = arith.addi %mul3A_73, %add3A_74 : i32
      %dma_wait3A_76 = arith.constant 1 : i32
      %dma_wait3A_77 = arith.constant 0 : i32
      %dma_wait3A_78 = tpu.memref_slice %arg7[%dma_wait3A_76, %dma_wait3A_77] : memref<64x128xi32, #tpu.memory_space<vmem>> -> memref<1x128xi32, #tpu.memory_space<vmem>>
      %dma_wait3A_79 = tpu.memref_squeeze %dma_wait3A_78 : memref<1x128xi32, #tpu.memory_space<vmem>> -> memref<128xi32, #tpu.memory_space<vmem>>
      %dma_wait3A_80 = arith.constant 0 : i32
      %dma_wait3A_81 = arith.constant 0 : i32
      %dma_wait3A_82 = tpu.memref_slice %arg2[%dma_wait3A_80, %dma_wait3A_81] : memref<10112x128xf32, #tpu.memory_space<hbm>> -> memref<10112x128xf32, #tpu.memory_space<hbm>>
      tpu.wait_indirect_dma semaphore(%arg13 : memref<!tpu.dma_semaphore, #tpu.memory_space<semaphore_mem>>) src(%dma_wait3A_82 : memref<10112x128xf32, #tpu.memory_space<hbm>>) dst(%arg10 : memref<128x128xf32, #tpu.memory_space<vmem>>)
      "tpu.region"() ({
        %run_scoped3A = tpu.sem_alloc : memref<!tpu.dma_semaphore, #tpu.memory_space<semaphore_mem>>
        %dma_start3A_89 = arith.constant 0 : i32
        %dma_start3A_90 = tpu.memref_slice %arg8[%add3A_75, %dma_start3A_89] : memref<64x128xi32, #tpu.memory_space<vmem>> -> memref<1x128xi32, #tpu.memory_space<vmem>>
        %dma_start3A_91 = tpu.memref_squeeze %dma_start3A_90 : memref<1x128xi32, #tpu.memory_space<vmem>> -> memref<128xi32, #tpu.memory_space<vmem>>
        %dma_start3A_92 = arith.constant 0 : i32
        %dma_start3A_93 = arith.constant 0 : i32
        %dma_start3A_94 = tpu.memref_slice %arg11[%dma_start3A_92, %dma_start3A_93] : memref<10112x128xf32, #tpu.memory_space<vmem_shared>> -> memref<10112x128xf32, #tpu.memory_space<vmem_shared>>
        tpu.enqueue_indirect_dma source(%arg10 : memref<128x128xf32, #tpu.memory_space<vmem>>) target(%dma_start3A_94 : memref<10112x128xf32, #tpu.memory_space<vmem_shared>>) offsets(%dma_start3A_91 : memref<128xi32, #tpu.memory_space<vmem>>) semaphore(%run_scoped3A : memref<!tpu.dma_semaphore, #tpu.memory_space<semaphore_mem>>) {add = true}
        %dma_wait3A_95 = arith.constant 0 : i32
        %dma_wait3A_96 = tpu.memref_slice %arg8[%add3A_75, %dma_wait3A_95] : memref<64x128xi32, #tpu.memory_space<vmem>> -> memref<1x128xi32, #tpu.memory_space<vmem>>
        %dma_wait3A_97 = tpu.memref_squeeze %dma_wait3A_96 : memref<1x128xi32, #tpu.memory_space<vmem>> -> memref<128xi32, #tpu.memory_space<vmem>>
        %dma_wait3A_98 = arith.constant 0 : i32
        %dma_wait3A_99 = arith.constant 0 : i32
        %dma_wait3A_100 = tpu.memref_slice %arg11[%dma_wait3A_98, %dma_wait3A_99] : memref<10112x128xf32, #tpu.memory_space<vmem_shared>> -> memref<10112x128xf32, #tpu.memory_space<vmem_shared>>
        tpu.wait_indirect_dma semaphore(%run_scoped3A : memref<!tpu.dma_semaphore, #tpu.memory_space<semaphore_mem>>) src(%arg10 : memref<128x128xf32, #tpu.memory_space<vmem>>) dst(%dma_wait3A_100 : memref<10112x128xf32, #tpu.memory_space<vmem_shared>>)
        tpu.yield
      }) : () -> ()
      %add3A_83 = arith.constant 1 : i32
      %add3A_84 = arith.addi %while3A_58, %add3A_83 : i32
      %lt3A_85 = arith.cmpi slt, %add3A_84, %select_n3A_43 : i32
      %convert_element_type3A_86 = arith.extui %lt3A_85 : i1 to i32
      %cond3A_87 = arith.constant 0 : i32
      %cond3A_88 = arith.cmpi ne, %convert_element_type3A_86, %cond3A_87 : i32
      scf.if %cond3A_88 {
        %add3A_89 = arith.constant 2 : i32
        %add3A_90 = arith.addi %add3A_75, %add3A_89 : i32
        %dma_start3A_91 = arith.constant 0 : i32
        %dma_start3A_92 = tpu.memref_slice %arg7[%add3A_90, %dma_start3A_91] : memref<64x128xi32, #tpu.memory_space<vmem>> -> memref<1x128xi32, #tpu.memory_space<vmem>>
        %dma_start3A_93 = tpu.memref_squeeze %dma_start3A_92 : memref<1x128xi32, #tpu.memory_space<vmem>> -> memref<128xi32, #tpu.memory_space<vmem>>
        %dma_start3A_94 = arith.constant 0 : i32
        %dma_start3A_95 = arith.constant 0 : i32
        %dma_start3A_96 = tpu.memref_slice %arg2[%dma_start3A_94, %dma_start3A_95] : memref<10112x128xf32, #tpu.memory_space<hbm>> -> memref<10112x128xf32, #tpu.memory_space<hbm>>
        tpu.enqueue_indirect_dma source(%dma_start3A_96 : memref<10112x128xf32, #tpu.memory_space<hbm>>) target(%arg10 : memref<128x128xf32, #tpu.memory_space<vmem>>) offsets(%dma_start3A_93 : memref<128xi32, #tpu.memory_space<vmem>>) semaphore(%arg13 : memref<!tpu.dma_semaphore, #tpu.memory_space<semaphore_mem>>)
      } else {
      }
    }
    %while3A_52 = arith.constant 1 : i32
    scf.for %while3A_58 = %while3A_50 to %while3A_46 step %while3A_52  : i32 {
      %mul3A_59 = arith.constant 2 : i32
      %mul3A_60 = arith.muli %while3A_58, %mul3A_59 : i32
      %add3A_61 = arith.constant 0 : i32
      %add3A_62 = arith.addi %mul3A_60, %add3A_61 : i32
      %dma_wait3A = arith.constant 0 : i32
      %dma_wait3A_63 = arith.constant 0 : i32
      %dma_wait3A_64 = tpu.memref_slice %arg7[%dma_wait3A, %dma_wait3A_63] : memref<64x128xi32, #tpu.memory_space<vmem>> -> memref<1x128xi32, #tpu.memory_space<vmem>>
      %dma_wait3A_65 = tpu.memref_squeeze %dma_wait3A_64 : memref<1x128xi32, #tpu.memory_space<vmem>> -> memref<128xi32, #tpu.memory_space<vmem>>
      %dma_wait3A_66 = arith.constant 0 : i32
      %dma_wait3A_67 = arith.constant 0 : i32
      %dma_wait3A_68 = tpu.memref_slice %arg2[%dma_wait3A_66, %dma_wait3A_67] : memref<10112x128xf32, #tpu.memory_space<hbm>> -> memref<10112x128xf32, #tpu.memory_space<hbm>>
      tpu.wait_indirect_dma semaphore(%arg12 : memref<!tpu.dma_semaphore, #tpu.memory_space<semaphore_mem>>) src(%dma_wait3A_68 : memref<10112x128xf32, #tpu.memory_space<hbm>>) dst(%arg9 : memref<128x128xf32, #tpu.memory_space<vmem>>)
      "tpu.region"() ({
        %run_scoped3A = tpu.sem_alloc : memref<!tpu.dma_semaphore, #tpu.memory_space<semaphore_mem>>
        %dma_start3A_89 = arith.constant 0 : i32
        %dma_start3A_90 = tpu.memref_slice %arg8[%add3A_62, %dma_start3A_89] : memref<64x128xi32, #tpu.memory_space<vmem>> -> memref<1x128xi32, #tpu.memory_space<vmem>>
        %dma_start3A_91 = tpu.memref_squeeze %dma_start3A_90 : memref<1x128xi32, #tpu.memory_space<vmem>> -> memref<128xi32, #tpu.memory_space<vmem>>
        %dma_start3A_92 = arith.constant 0 : i32
        %dma_start3A_93 = arith.constant 0 : i32
        %dma_start3A_94 = tpu.memref_slice %arg11[%dma_start3A_92, %dma_start3A_93] : memref<10112x128xf32, #tpu.memory_space<vmem_shared>> -> memref<10112x128xf32, #tpu.memory_space<vmem_shared>>
        tpu.enqueue_indirect_dma source(%arg9 : memref<128x128xf32, #tpu.memory_space<vmem>>) target(%dma_start3A_94 : memref<10112x128xf32, #tpu.memory_space<vmem_shared>>) offsets(%dma_start3A_91 : memref<128xi32, #tpu.memory_space<vmem>>) semaphore(%run_scoped3A : memref<!tpu.dma_semaphore, #tpu.memory_space<semaphore_mem>>) {add = true}
        %dma_wait3A_95 = arith.constant 0 : i32
        %dma_wait3A_96 = tpu.memref_slice %arg8[%add3A_62, %dma_wait3A_95] : memref<64x128xi32, #tpu.memory_space<vmem>> -> memref<1x128xi32, #tpu.memory_space<vmem>>
        %dma_wait3A_97 = tpu.memref_squeeze %dma_wait3A_96 : memref<1x128xi32, #tpu.memory_space<vmem>> -> memref<128xi32, #tpu.memory_space<vmem>>
        %dma_wait3A_98 = arith.constant 0 : i32
        %dma_wait3A_99 = arith.constant 0 : i32
        %dma_wait3A_100 = tpu.memref_slice %arg11[%dma_wait3A_98, %dma_wait3A_99] : memref<10112x128xf32, #tpu.memory_space<vmem_shared>> -> memref<10112x128xf32, #tpu.memory_space<vmem_shared>>
        tpu.wait_indirect_dma semaphore(%run_scoped3A : memref<!tpu.dma_semaphore, #tpu.memory_space<semaphore_mem>>) src(%arg9 : memref<128x128xf32, #tpu.memory_space<vmem>>) dst(%dma_wait3A_100 : memref<10112x128xf32, #tpu.memory_space<vmem_shared>>)
        tpu.yield
      }) : () -> ()
      %add3A_69 = arith.constant 1 : i32
      %add3A_70 = arith.addi %while3A_58, %add3A_69 : i32
      %lt3A = arith.cmpi slt, %add3A_70, %select_n3A_43 : i32
      %convert_element_type3A = arith.extui %lt3A : i1 to i32
      %cond3A = arith.constant 0 : i32
      %cond3A_71 = arith.cmpi ne, %convert_element_type3A, %cond3A : i32
      scf.if %cond3A_71 {
        %add3A_89 = arith.constant 2 : i32
        %add3A_90 = arith.addi %add3A_62, %add3A_89 : i32
        %dma_start3A_91 = arith.constant 0 : i32
        %dma_start3A_92 = tpu.memref_slice %arg7[%add3A_90, %dma_start3A_91] : memref<64x128xi32, #tpu.memory_space<vmem>> -> memref<1x128xi32, #tpu.memory_space<vmem>>
        %dma_start3A_93 = tpu.memref_squeeze %dma_start3A_92 : memref<1x128xi32, #tpu.memory_space<vmem>> -> memref<128xi32, #tpu.memory_space<vmem>>
        %dma_start3A_94 = arith.constant 0 : i32
        %dma_start3A_95 = arith.constant 0 : i32
        %dma_start3A_96 = tpu.memref_slice %arg2[%dma_start3A_94, %dma_start3A_95] : memref<10112x128xf32, #tpu.memory_space<hbm>> -> memref<10112x128xf32, #tpu.memory_space<hbm>>
        tpu.enqueue_indirect_dma source(%dma_start3A_96 : memref<10112x128xf32, #tpu.memory_space<hbm>>) target(%arg9 : memref<128x128xf32, #tpu.memory_space<vmem>>) offsets(%dma_start3A_93 : memref<128xi32, #tpu.memory_space<vmem>>) semaphore(%arg12 : memref<!tpu.dma_semaphore, #tpu.memory_space<semaphore_mem>>)
      } else {
      }
      %mul3A_72 = arith.constant 2 : i32
      %mul3A_73 = arith.muli %while3A_58, %mul3A_72 : i32
      %add3A_74 = arith.constant 1 : i32
      %add3A_75 = arith.addi %mul3A_73, %add3A_74 : i32
      %dma_wait3A_76 = arith.constant 1 : i32
      %dma_wait3A_77 = arith.constant 0 : i32
      %dma_wait3A_78 = tpu.memref_slice %arg7[%dma_wait3A_76, %dma_wait3A_77] : memref<64x128xi32, #tpu.memory_space<vmem>> -> memref<1x128xi32, #tpu.memory_space<vmem>>
      %dma_wait3A_79 = tpu.memref_squeeze %dma_wait3A_78 : memref<1x128xi32, #tpu.memory_space<vmem>> -> memref<128xi32, #tpu.memory_space<vmem>>
      %dma_wait3A_80 = arith.constant 0 : i32
      %dma_wait3A_81 = arith.constant 0 : i32
      %dma_wait3A_82 = tpu.memref_slice %arg2[%dma_wait3A_80, %dma_wait3A_81] : memref<10112x128xf32, #tpu.memory_space<hbm>> -> memref<10112x128xf32, #tpu.memory_space<hbm>>
      tpu.wait_indirect_dma semaphore(%arg13 : memref<!tpu.dma_semaphore, #tpu.memory_space<semaphore_mem>>) src(%dma_wait3A_82 : memref<10112x128xf32, #tpu.memory_space<hbm>>) dst(%arg10 : memref<128x128xf32, #tpu.memory_space<vmem>>)
      "tpu.region"() ({
        %run_scoped3A = tpu.sem_alloc : memref<!tpu.dma_semaphore, #tpu.memory_space<semaphore_mem>>
        %dma_start3A_89 = arith.constant 0 : i32
        %dma_start3A_90 = tpu.memref_slice %arg8[%add3A_75, %dma_start3A_89] : memref<64x128xi32, #tpu.memory_space<vmem>> -> memref<1x128xi32, #tpu.memory_space<vmem>>
        %dma_start3A_91 = tpu.memref_squeeze %dma_start3A_90 : memref<1x128xi32, #tpu.memory_space<vmem>> -> memref<128xi32, #tpu.memory_space<vmem>>
        %dma_start3A_92 = arith.constant 0 : i32
        %dma_start3A_93 = arith.constant 0 : i32
        %dma_start3A_94 = tpu.memref_slice %arg11[%dma_start3A_92, %dma_start3A_93] : memref<10112x128xf32, #tpu.memory_space<vmem_shared>> -> memref<10112x128xf32, #tpu.memory_space<vmem_shared>>
        tpu.enqueue_indirect_dma source(%arg10 : memref<128x128xf32, #tpu.memory_space<vmem>>) target(%dma_start3A_94 : memref<10112x128xf32, #tpu.memory_space<vmem_shared>>) offsets(%dma_start3A_91 : memref<128xi32, #tpu.memory_space<vmem>>) semaphore(%run_scoped3A : memref<!tpu.dma_semaphore, #tpu.memory_space<semaphore_mem>>) {add = true}
        %dma_wait3A_95 = arith.constant 0 : i32
        %dma_wait3A_96 = tpu.memref_slice %arg8[%add3A_75, %dma_wait3A_95] : memref<64x128xi32, #tpu.memory_space<vmem>> -> memref<1x128xi32, #tpu.memory_space<vmem>>
        %dma_wait3A_97 = tpu.memref_squeeze %dma_wait3A_96 : memref<1x128xi32, #tpu.memory_space<vmem>> -> memref<128xi32, #tpu.memory_space<vmem>>
        %dma_wait3A_98 = arith.constant 0 : i32
        %dma_wait3A_99 = arith.constant 0 : i32
        %dma_wait3A_100 = tpu.memref_slice %arg11[%dma_wait3A_98, %dma_wait3A_99] : memref<10112x128xf32, #tpu.memory_space<vmem_shared>> -> memref<10112x128xf32, #tpu.memory_space<vmem_shared>>
        tpu.wait_indirect_dma semaphore(%run_scoped3A : memref<!tpu.dma_semaphore, #tpu.memory_space<semaphore_mem>>) src(%arg10 : memref<128x128xf32, #tpu.memory_space<vmem>>) dst(%dma_wait3A_100 : memref<10112x128xf32, #tpu.memory_space<vmem_shared>>)
        tpu.yield
      }) : () -> ()
      %add3A_83 = arith.constant 1 : i32
      %add3A_84 = arith.addi %while3A_58, %add3A_83 : i32
      %lt3A_85 = arith.cmpi slt, %add3A_84, %select_n3A_43 : i32
      %convert_element_type3A_86 = arith.extui %lt3A_85 : i1 to i32
      %cond3A_87 = arith.constant 0 : i32
      %cond3A_88 = arith.cmpi ne, %convert_element_type3A_86, %cond3A_87 : i32
      scf.if %cond3A_88 {
        %add3A_89 = arith.constant 2 : i32
        %add3A_90 = arith.addi %add3A_75, %add3A_89 : i32
        %dma_start3A_91 = arith.constant 0 : i32
        %dma_start3A_92 = tpu.memref_slice %arg7[%add3A_90, %dma_start3A_91] : memref<64x128xi32, #tpu.memory_space<vmem>> -> memref<1x128xi32, #tpu.memory_space<vmem>>
        %dma_start3A_93 = tpu.memref_squeeze %dma_start3A_92 : memref<1x128xi32, #tpu.memory_space<vmem>> -> memref<128xi32, #tpu.memory_space<vmem>>
        %dma_start3A_94 = arith.constant 0 : i32
        %dma_start3A_95 = arith.constant 0 : i32
        %dma_start3A_96 = tpu.memref_slice %arg2[%dma_start3A_94, %dma_start3A_95] : memref<10112x128xf32, #tpu.memory_space<hbm>> -> memref<10112x128xf32, #tpu.memory_space<hbm>>
        tpu.enqueue_indirect_dma source(%dma_start3A_96 : memref<10112x128xf32, #tpu.memory_space<hbm>>) target(%arg10 : memref<128x128xf32, #tpu.memory_space<vmem>>) offsets(%dma_start3A_93 : memref<128xi32, #tpu.memory_space<vmem>>) semaphore(%arg13 : memref<!tpu.dma_semaphore, #tpu.memory_space<semaphore_mem>>)
      } else {
      }
    }
    %barrier3A_53 = arith.constant 0 : index
    tpu.barrier barrier_id(%barrier3A_53)
    %mul3A_54 = arith.constant 632 : i32
    %mul3A_55 = arith.muli %arg1, %mul3A_54 : i32
    %mul3A_56 = arith.constant 632 : i32
    %mul3A_57 = arith.muli %arg1, %mul3A_56 : i32
    "tpu.region"() ({
      %run_scoped3A = tpu.sem_alloc : memref<!tpu.dma_semaphore, #tpu.memory_space<semaphore_mem>>
      %dma_start3A_58 = arith.constant 0 : i32
      %dma_start3A_59 = tpu.memref_slice %arg6[%arg0, %mul3A_57, %dma_start3A_58] : memref<2x10112x128xf32, #tpu.memory_space<hbm>> -> memref<1x632x128xf32, #tpu.memory_space<hbm>>
      %dma_start3A_60 = tpu.memref_squeeze %dma_start3A_59 : memref<1x632x128xf32, #tpu.memory_space<hbm>> -> memref<632x128xf32, #tpu.memory_space<hbm>>
      %dma_start3A_61 = arith.constant 0 : i32
      %dma_start3A_62 = tpu.memref_slice %arg11[%mul3A_55, %dma_start3A_61] : memref<10112x128xf32, #tpu.memory_space<vmem_shared>> -> memref<632x128xf32, #tpu.memory_space<vmem_shared>>
      tpu.enqueue_dma source(%dma_start3A_62 : memref<632x128xf32, #tpu.memory_space<vmem_shared>>) target(%dma_start3A_60 : memref<632x128xf32, #tpu.memory_space<hbm>>) target_semaphore(%run_scoped3A : memref<!tpu.dma_semaphore, #tpu.memory_space<semaphore_mem>>)
      %dma_wait3A = arith.constant 0 : i32
      %dma_wait3A_63 = tpu.memref_slice %arg6[%arg0, %mul3A_57, %dma_wait3A] : memref<2x10112x128xf32, #tpu.memory_space<hbm>> -> memref<1x632x128xf32, #tpu.memory_space<hbm>>
      %dma_wait3A_64 = tpu.memref_squeeze %dma_wait3A_63 : memref<1x632x128xf32, #tpu.memory_space<hbm>> -> memref<632x128xf32, #tpu.memory_space<hbm>>
      %dma_wait3A_65 = arith.constant 0 : i32
      %dma_wait3A_66 = tpu.memref_slice %arg11[%mul3A_55, %dma_wait3A_65] : memref<10112x128xf32, #tpu.memory_space<vmem_shared>> -> memref<632x128xf32, #tpu.memory_space<vmem_shared>>
      tpu.wait_dma2 semaphore(%run_scoped3A : memref<!tpu.dma_semaphore, #tpu.memory_space<semaphore_mem>>) src(%dma_wait3A_66 : memref<632x128xf32, #tpu.memory_space<vmem_shared>>) dst(%dma_wait3A_64 : memref<632x128xf32, #tpu.memory_space<hbm>>)
      tpu.yield
    }) : () -> ()
    return
  }
}

module attributes {stable_mosaic.version = 14 : i64} {
  func.func @_mm1_body(%arg0: i32, %arg1: memref<5056x256xf32, #tpu.memory_space<vmem>>, %arg2: memref<256x128xf32, #tpu.memory_space<vmem>>, %arg3: memref<1x5056x128xf32, #tpu.memory_space<vmem>>, %arg4: memref<1x5056x128xf32, #tpu.memory_space<vmem>>, %arg5: memref<5056x128xf32, #tpu.memory_space<vmem>>, %arg6: memref<5056x128xf32, #tpu.memory_space<vmem>>) attributes {dimension_semantics = [#tpu.dimension_semantics<arbitrary>], iteration_bounds = array<i64: 2>, scalar_prefetch = 0 : i64, scratch_operands = 0 : i64, tpu.core_type = #tpu.core_type<tc>, window_params = [{transform_indices = @transform_0, window_bounds = array<i64: 5056, 256>}, {pipeline_mode = #tpu.pipeline_mode<synchronous>, transform_indices = @transform_1, window_bounds = array<i64: 256, 128>}, {transform_indices = @transform_2, window_bounds = array<i64: 1, 5056, 128>}, {transform_indices = @transform_3, window_bounds = array<i64: 1, 5056, 128>}, {transform_indices = @transform_4, window_bounds = array<i64: 5056, 128>}, {transform_indices = @transform_5, window_bounds = array<i64: 5056, 128>}]} {
    %get3A = arith.constant 0 : index
    %get3A_0 = arith.constant 0 : index
    %get3A_1 = arith.constant 0 : index
    %get3A_2 = vector.load %arg3[%get3A, %get3A_0, %get3A_1] : memref<1x5056x128xf32, #tpu.memory_space<vmem>>, vector<1x5056x128xf32>
    %get3A_3 = vector.shape_cast %get3A_2 : vector<1x5056x128xf32> to vector<5056x128xf32>
    %slice3A = vector.extract_strided_slice %get3A_3 {offsets = [0, 0], sizes = [5056, 1], strides = [1, 1]} : vector<5056x128xf32> to vector<5056x1xf32>
    %get3A_4 = arith.constant 0 : index
    %get3A_5 = arith.constant 0 : index
    %get3A_6 = arith.constant 0 : index
    %get3A_7 = vector.load %arg4[%get3A_4, %get3A_5, %get3A_6] : memref<1x5056x128xf32, #tpu.memory_space<vmem>>, vector<1x5056x128xf32>
    %get3A_8 = vector.shape_cast %get3A_7 : vector<1x5056x128xf32> to vector<5056x128xf32>
    %slice3A_9 = vector.extract_strided_slice %get3A_8 {offsets = [0, 0], sizes = [5056, 1], strides = [1, 1]} : vector<5056x128xf32> to vector<5056x1xf32>
    %add3A = arith.addf %slice3A, %slice3A_9 : vector<5056x1xf32>
    %iota3A = tpu.iota {dimensions = array<i32: 0>} : vector<5056x1xi32>
    %mul3A = arith.constant 5056 : i32
    %mul3A_10 = arith.muli %arg0, %mul3A : i32
    %add3A_11 = vector.broadcast %mul3A_10 : i32 to vector<5056x1xi32>
    %add3A_12 = arith.addi %iota3A, %add3A_11 : vector<5056x1xi32>
    %lt3A = arith.constant 10000 : i32
    %lt3A_13 = vector.broadcast %lt3A : i32 to vector<5056x1xi32>
    %lt3A_14 = arith.cmpi slt, %add3A_12, %lt3A_13 : vector<5056x1xi32>
    %add3A_15 = arith.constant 1.000000e+00 : f32
    %add3A_16 = vector.broadcast %add3A_15 : f32 to vector<5056x1xf32>
    %add3A_17 = arith.addf %add3A_16, %add3A : vector<5056x1xf32>
    %rsqrt3A = math.rsqrt %add3A_17 : vector<5056x1xf32>
    %jit3A = arith.constant 0.000000e+00 : f32
    %broadcast_in_dim3A = vector.broadcast %jit3A : f32 to vector<5056x1xf32>
    %select_n3A = arith.select %lt3A_14, %rsqrt3A, %broadcast_in_dim3A : vector<5056x1xi1>, vector<5056x1xf32>
    %get3A_18 = arith.constant 0 : index
    %get3A_19 = arith.constant 0 : index
    %get3A_20 = vector.load %arg1[%get3A_18, %get3A_19] : memref<5056x256xf32, #tpu.memory_space<vmem>>, vector<5056x256xf32>
    %get3A_21 = arith.constant 0 : index
    %get3A_22 = arith.constant 0 : index
    %get3A_23 = vector.load %arg2[%get3A_21, %get3A_22] : memref<256x128xf32, #tpu.memory_space<vmem>>, vector<256x128xf32>
    %dot_general3A = arith.constant dense<0.000000e+00> : vector<5056x128xf32>
    %dot_general3A_24 = tpu.matmul %get3A_20, %get3A_23, %dot_general3A {dimension_numbers = #tpu.dot_dimension_numbers<[1], [0], [0], [1], [0, 0, 1, 1], [], []>, transpose_lhs_hint = false} : vector<5056x256xf32>, vector<256x128xf32>, vector<5056x128xf32> -> vector<5056x128xf32>
    %mul3A_25 = vector.broadcast %select_n3A : vector<5056x1xf32> to vector<5056x128xf32>
    %mul3A_26 = arith.mulf %mul3A_25, %dot_general3A_24 : vector<5056x128xf32>
    %swap3A = arith.constant 0 : index
    %swap3A_27 = arith.constant 0 : index
    %swap3A_28 = vector.load %arg5[%swap3A, %swap3A_27] : memref<5056x128xf32, #tpu.memory_space<vmem>>, vector<5056x128xf32>
    tpu.vector_store %arg5[%swap3A, %swap3A_27], %mul3A_26 {strides = array<i32>} : memref<5056x128xf32, #tpu.memory_space<vmem>>, vector<5056x128xf32>,
    %broadcast_in_dim3A_29 = vector.shape_cast %select_n3A : vector<5056x1xf32> to vector<5056x1xf32>
    %broadcast_in_dim3A_30 = vector.broadcast %broadcast_in_dim3A_29 : vector<5056x1xf32> to vector<5056x128xf32>
    %swap3A_31 = arith.constant 0 : index
    %swap3A_32 = arith.constant 0 : index
    %swap3A_33 = vector.load %arg6[%swap3A_31, %swap3A_32] : memref<5056x128xf32, #tpu.memory_space<vmem>>, vector<5056x128xf32>
    tpu.vector_store %arg6[%swap3A_31, %swap3A_32], %broadcast_in_dim3A_30 {strides = array<i32>} : memref<5056x128xf32, #tpu.memory_space<vmem>>, vector<5056x128xf32>,
    return
  }
  func.func @transform_0(%arg0: i32) -> (i32, i32) {
    %c0_i32 = arith.constant 0 : i32
    %c0_i32_0 = arith.constant 0 : i32
    return %arg0, %c0_i32 : i32, i32
  }
  func.func @transform_1(%arg0: i32) -> (i32, i32) {
    %c0_i32 = arith.constant 0 : i32
    %c0_i32_0 = arith.constant 0 : i32
    %c0_i32_1 = arith.constant 0 : i32
    return %c0_i32, %c0_i32_0 : i32, i32
  }
  func.func @transform_2(%arg0: i32) -> (i32, i32, i32) {
    %c0_i32 = arith.constant 0 : i32
    %c0_i32_0 = arith.constant 0 : i32
    %c0_i32_1 = arith.constant 0 : i32
    return %c0_i32, %arg0, %c0_i32_0 : i32, i32, i32
  }
  func.func @transform_3(%arg0: i32) -> (i32, i32, i32) {
    %c1_i32 = arith.constant 1 : i32
    %c0_i32 = arith.constant 0 : i32
    %c0_i32_0 = arith.constant 0 : i32
    return %c1_i32, %arg0, %c0_i32 : i32, i32, i32
  }
  func.func @transform_4(%arg0: i32) -> (i32, i32) {
    %c0_i32 = arith.constant 0 : i32
    %c0_i32_0 = arith.constant 0 : i32
    return %arg0, %c0_i32 : i32, i32
  }
  func.func @transform_5(%arg0: i32) -> (i32, i32) {
    %c0_i32 = arith.constant 0 : i32
    %c0_i32_0 = arith.constant 0 : i32
    return %arg0, %c0_i32 : i32, i32
  }
}

module attributes {stable_mosaic.version = 14 : i64} {
  func.func @_layer_body(%arg0: i32, %arg1: memref<5056x256xf32, #tpu.memory_space<vmem>>, %arg2: memref<384x128xf32, #tpu.memory_space<vmem>>, %arg3: memref<1x128xf32, #tpu.memory_space<vmem>>, %arg4: memref<1x5056x128xf32, #tpu.memory_space<vmem>>, %arg5: memref<1x5056x128xf32, #tpu.memory_space<vmem>>, %arg6: memref<5056x128xf32, #tpu.memory_space<vmem>>, %arg7: memref<5056x128xf32, #tpu.memory_space<vmem>>, %arg8: memref<5056x128xf32, #tpu.memory_space<vmem>>) attributes {dimension_semantics = [#tpu.dimension_semantics<arbitrary>], iteration_bounds = array<i64: 2>, scalar_prefetch = 0 : i64, scratch_operands = 0 : i64, tpu.core_type = #tpu.core_type<tc>, window_params = [{transform_indices = @transform_0, window_bounds = array<i64: 5056, 256>}, {pipeline_mode = #tpu.pipeline_mode<synchronous>, transform_indices = @transform_1, window_bounds = array<i64: 384, 128>}, {pipeline_mode = #tpu.pipeline_mode<synchronous>, transform_indices = @transform_2, window_bounds = array<i64: 1, 128>}, {transform_indices = @transform_3, window_bounds = array<i64: 1, 5056, 128>}, {transform_indices = @transform_4, window_bounds = array<i64: 1, 5056, 128>}, {transform_indices = @transform_5, window_bounds = array<i64: 5056, 128>}, {transform_indices = @transform_6, window_bounds = array<i64: 5056, 128>}, {transform_indices = @transform_7, window_bounds = array<i64: 5056, 128>}]} {
    %get3A = arith.constant 0 : index
    %get3A_0 = arith.constant 0 : index
    %get3A_1 = vector.load %arg7[%get3A, %get3A_0] : memref<5056x128xf32, #tpu.memory_space<vmem>>, vector<5056x128xf32>
    %get3A_2 = arith.constant 0 : index
    %get3A_3 = arith.constant 0 : index
    %get3A_4 = arith.constant 0 : index
    %get3A_5 = vector.load %arg4[%get3A_2, %get3A_3, %get3A_4] : memref<1x5056x128xf32, #tpu.memory_space<vmem>>, vector<1x5056x128xf32>
    %get3A_6 = vector.shape_cast %get3A_5 : vector<1x5056x128xf32> to vector<5056x128xf32>
    %get3A_7 = arith.constant 0 : index
    %get3A_8 = arith.constant 0 : index
    %get3A_9 = arith.constant 0 : index
    %get3A_10 = vector.load %arg5[%get3A_7, %get3A_8, %get3A_9] : memref<1x5056x128xf32, #tpu.memory_space<vmem>>, vector<1x5056x128xf32>
    %get3A_11 = vector.shape_cast %get3A_10 : vector<1x5056x128xf32> to vector<5056x128xf32>
    %add3A = arith.addf %get3A_6, %get3A_11 : vector<5056x128xf32>
    %get3A_12 = arith.constant 0 : index
    %get3A_13 = arith.constant 0 : index
    %get3A_14 = vector.load %arg6[%get3A_12, %get3A_13] : memref<5056x128xf32, #tpu.memory_space<vmem>>, vector<5056x128xf32>
    %add3A_15 = arith.addf %add3A, %get3A_14 : vector<5056x128xf32>
    %mul3A = arith.mulf %get3A_1, %add3A_15 : vector<5056x128xf32>
    %get3A_16 = arith.constant 0 : index
    %get3A_17 = arith.constant 0 : index
    %get3A_18 = vector.load %arg3[%get3A_16, %get3A_17] : memref<1x128xf32, #tpu.memory_space<vmem>>, vector<1x128xf32>
    %add3A_19 = vector.broadcast %get3A_18 : vector<1x128xf32> to vector<5056x128xf32>
    %add3A_20 = arith.addf %mul3A, %add3A_19 : vector<5056x128xf32>
    %max3A = arith.constant 0.000000e+00 : f32
    %max3A_21 = vector.broadcast %max3A : f32 to vector<5056x128xf32>
    %max3A_22 = arith.maximumf %add3A_20, %max3A_21 : vector<5056x128xf32>
    %get3A_23 = arith.constant 0 : index
    %get3A_24 = arith.constant 0 : index
    %get3A_25 = vector.load %arg1[%get3A_23, %get3A_24] : memref<5056x256xf32, #tpu.memory_space<vmem>>, vector<5056x256xf32>
    %get3A_26 = arith.constant 0 : index
    %get3A_27 = arith.constant 0 : index
    %get3A_28 = vector.load %arg2[%get3A_26, %get3A_27] : memref<384x128xf32, #tpu.memory_space<vmem>>, vector<256x128xf32>
    %dot_general3A = arith.constant dense<0.000000e+00> : vector<5056x128xf32>
    %dot_general3A_29 = tpu.matmul %get3A_25, %get3A_28, %dot_general3A {dimension_numbers = #tpu.dot_dimension_numbers<[1], [0], [0], [1], [0, 0, 1, 1], [], []>, transpose_lhs_hint = false} : vector<5056x256xf32>, vector<256x128xf32>, vector<5056x128xf32> -> vector<5056x128xf32>
    %get3A_30 = arith.constant 256 : index
    %get3A_31 = arith.constant 0 : index
    %get3A_32 = vector.load %arg2[%get3A_30, %get3A_31] : memref<384x128xf32, #tpu.memory_space<vmem>>, vector<128x128xf32>
    %dot_general3A_33 = arith.constant dense<0.000000e+00> : vector<5056x128xf32>
    %dot_general3A_34 = tpu.matmul %max3A_22, %get3A_32, %dot_general3A_33 {dimension_numbers = #tpu.dot_dimension_numbers<[1], [0], [0], [1], [0, 0, 1, 1], [], []>, transpose_lhs_hint = false} : vector<5056x128xf32>, vector<128x128xf32>, vector<5056x128xf32> -> vector<5056x128xf32>
    %add3A_35 = arith.addf %dot_general3A_29, %dot_general3A_34 : vector<5056x128xf32>
    %mul3A_36 = arith.mulf %get3A_1, %add3A_35 : vector<5056x128xf32>
    %swap3A = arith.constant 0 : index
    %swap3A_37 = arith.constant 0 : index
    %swap3A_38 = vector.load %arg8[%swap3A, %swap3A_37] : memref<5056x128xf32, #tpu.memory_space<vmem>>, vector<5056x128xf32>
    tpu.vector_store %arg8[%swap3A, %swap3A_37], %mul3A_36 {strides = array<i32>} : memref<5056x128xf32, #tpu.memory_space<vmem>>, vector<5056x128xf32>,
    return
  }
  func.func @transform_0(%arg0: i32) -> (i32, i32) {
    %c0_i32 = arith.constant 0 : i32
    %c0_i32_0 = arith.constant 0 : i32
    return %arg0, %c0_i32 : i32, i32
  }
  func.func @transform_1(%arg0: i32) -> (i32, i32) {
    %c0_i32 = arith.constant 0 : i32
    %c0_i32_0 = arith.constant 0 : i32
    %c0_i32_1 = arith.constant 0 : i32
    return %c0_i32, %c0_i32_0 : i32, i32
  }
  func.func @transform_2(%arg0: i32) -> (i32, i32) {
    %c0_i32 = arith.constant 0 : i32
    %c0_i32_0 = arith.constant 0 : i32
    %c0_i32_1 = arith.constant 0 : i32
    return %c0_i32, %c0_i32_0 : i32, i32
  }
  func.func @transform_3(%arg0: i32) -> (i32, i32, i32) {
    %c0_i32 = arith.constant 0 : i32
    %c0_i32_0 = arith.constant 0 : i32
    %c0_i32_1 = arith.constant 0 : i32
    return %c0_i32, %arg0, %c0_i32_0 : i32, i32, i32
  }
  func.func @transform_4(%arg0: i32) -> (i32, i32, i32) {
    %c1_i32 = arith.constant 1 : i32
    %c0_i32 = arith.constant 0 : i32
    %c0_i32_0 = arith.constant 0 : i32
    return %c1_i32, %arg0, %c0_i32 : i32, i32, i32
  }
  func.func @transform_5(%arg0: i32) -> (i32, i32) {
    %c0_i32 = arith.constant 0 : i32
    %c0_i32_0 = arith.constant 0 : i32
    return %arg0, %c0_i32 : i32, i32
  }
  func.func @transform_6(%arg0: i32) -> (i32, i32) {
    %c0_i32 = arith.constant 0 : i32
    %c0_i32_0 = arith.constant 0 : i32
    return %arg0, %c0_i32 : i32, i32
  }
  func.func @transform_7(%arg0: i32) -> (i32, i32) {
    %c0_i32 = arith.constant 0 : i32
    %c0_i32_0 = arith.constant 0 : i32
    return %arg0, %c0_i32 : i32, i32
  }
}

module attributes {stable_mosaic.version = 14 : i64} {
  func.func @_final_body(%arg0: i32, %arg1: memref<5056x256xf32, #tpu.memory_space<vmem>>, %arg2: memref<1x128xf32, #tpu.memory_space<vmem>>, %arg3: memref<384x128xf32, #tpu.memory_space<vmem>>, %arg4: memref<1x128xf32, #tpu.memory_space<vmem>>, %arg5: memref<384x128xf32, #tpu.memory_space<vmem>>, %arg6: memref<1x128xf32, #tpu.memory_space<vmem>>, %arg7: memref<1x5056x128xf32, #tpu.memory_space<vmem>>, %arg8: memref<1x5056x128xf32, #tpu.memory_space<vmem>>, %arg9: memref<5056x128xf32, #tpu.memory_space<vmem>>, %arg10: memref<5056x128xf32, #tpu.memory_space<vmem>>, %arg11: memref<5056x10xf32, #tpu.memory_space<vmem>>) attributes {dimension_semantics = [#tpu.dimension_semantics<arbitrary>], iteration_bounds = array<i64: 2>, scalar_prefetch = 0 : i64, scratch_operands = 0 : i64, tpu.core_type = #tpu.core_type<tc>, window_params = [{transform_indices = @transform_0, window_bounds = array<i64: 5056, 256>}, {pipeline_mode = #tpu.pipeline_mode<synchronous>, transform_indices = @transform_1, window_bounds = array<i64: 1, 128>}, {pipeline_mode = #tpu.pipeline_mode<synchronous>, transform_indices = @transform_2, window_bounds = array<i64: 384, 128>}, {pipeline_mode = #tpu.pipeline_mode<synchronous>, transform_indices = @transform_3, window_bounds = array<i64: 1, 128>}, {pipeline_mode = #tpu.pipeline_mode<synchronous>, transform_indices = @transform_4, window_bounds = array<i64: 384, 128>}, {pipeline_mode = #tpu.pipeline_mode<synchronous>, transform_indices = @transform_5, window_bounds = array<i64: 1, 128>}, {transform_indices = @transform_6, window_bounds = array<i64: 1, 5056, 128>}, {transform_indices = @transform_7, window_bounds = array<i64: 1, 5056, 128>}, {transform_indices = @transform_8, window_bounds = array<i64: 5056, 128>}, {transform_indices = @transform_9, window_bounds = array<i64: 5056, 128>}, {transform_indices = @transform_10, window_bounds = array<i64: 5056, 10>}]} {
    %get3A = arith.constant 0 : index
    %get3A_0 = arith.constant 0 : index
    %get3A_1 = vector.load %arg10[%get3A, %get3A_0] : memref<5056x128xf32, #tpu.memory_space<vmem>>, vector<5056x128xf32>
    %get3A_2 = arith.constant 0 : index
    %get3A_3 = arith.constant 0 : index
    %get3A_4 = arith.constant 0 : index
    %get3A_5 = vector.load %arg7[%get3A_2, %get3A_3, %get3A_4] : memref<1x5056x128xf32, #tpu.memory_space<vmem>>, vector<1x5056x128xf32>
    %get3A_6 = vector.shape_cast %get3A_5 : vector<1x5056x128xf32> to vector<5056x128xf32>
    %get3A_7 = arith.constant 0 : index
    %get3A_8 = arith.constant 0 : index
    %get3A_9 = arith.constant 0 : index
    %get3A_10 = vector.load %arg8[%get3A_7, %get3A_8, %get3A_9] : memref<1x5056x128xf32, #tpu.memory_space<vmem>>, vector<1x5056x128xf32>
    %get3A_11 = vector.shape_cast %get3A_10 : vector<1x5056x128xf32> to vector<5056x128xf32>
    %add3A = arith.addf %get3A_6, %get3A_11 : vector<5056x128xf32>
    %get3A_12 = arith.constant 0 : index
    %get3A_13 = arith.constant 0 : index
    %get3A_14 = vector.load %arg9[%get3A_12, %get3A_13] : memref<5056x128xf32, #tpu.memory_space<vmem>>, vector<5056x128xf32>
    %add3A_15 = arith.addf %add3A, %get3A_14 : vector<5056x128xf32>
    %mul3A = arith.mulf %get3A_1, %add3A_15 : vector<5056x128xf32>
    %get3A_16 = arith.constant 0 : index
    %get3A_17 = arith.constant 0 : index
    %get3A_18 = vector.load %arg2[%get3A_16, %get3A_17] : memref<1x128xf32, #tpu.memory_space<vmem>>, vector<1x128xf32>
    %add3A_19 = vector.broadcast %get3A_18 : vector<1x128xf32> to vector<5056x128xf32>
    %add3A_20 = arith.addf %mul3A, %add3A_19 : vector<5056x128xf32>
    %max3A = arith.constant 0.000000e+00 : f32
    %max3A_21 = vector.broadcast %max3A : f32 to vector<5056x128xf32>
    %max3A_22 = arith.maximumf %add3A_20, %max3A_21 : vector<5056x128xf32>
    %get3A_23 = arith.constant 0 : index
    %get3A_24 = arith.constant 0 : index
    %get3A_25 = vector.load %arg1[%get3A_23, %get3A_24] : memref<5056x256xf32, #tpu.memory_space<vmem>>, vector<5056x256xf32>
    %get3A_26 = arith.constant 0 : index
    %get3A_27 = arith.constant 0 : index
    %get3A_28 = vector.load %arg3[%get3A_26, %get3A_27] : memref<384x128xf32, #tpu.memory_space<vmem>>, vector<256x128xf32>
    %dot_general3A = arith.constant dense<0.000000e+00> : vector<5056x128xf32>
    %dot_general3A_29 = tpu.matmul %get3A_25, %get3A_28, %dot_general3A {dimension_numbers = #tpu.dot_dimension_numbers<[1], [0], [0], [1], [0, 0, 1, 1], [], []>, transpose_lhs_hint = false} : vector<5056x256xf32>, vector<256x128xf32>, vector<5056x128xf32> -> vector<5056x128xf32>
    %get3A_30 = arith.constant 256 : index
    %get3A_31 = arith.constant 0 : index
    %get3A_32 = vector.load %arg3[%get3A_30, %get3A_31] : memref<384x128xf32, #tpu.memory_space<vmem>>, vector<128x128xf32>
    %dot_general3A_33 = arith.constant dense<0.000000e+00> : vector<5056x128xf32>
    %dot_general3A_34 = tpu.matmul %max3A_22, %get3A_32, %dot_general3A_33 {dimension_numbers = #tpu.dot_dimension_numbers<[1], [0], [0], [1], [0, 0, 1, 1], [], []>, transpose_lhs_hint = false} : vector<5056x128xf32>, vector<128x128xf32>, vector<5056x128xf32> -> vector<5056x128xf32>
    %add3A_35 = arith.addf %dot_general3A_29, %dot_general3A_34 : vector<5056x128xf32>
    %get3A_36 = arith.constant 0 : index
    %get3A_37 = arith.constant 0 : index
    %get3A_38 = vector.load %arg4[%get3A_36, %get3A_37] : memref<1x128xf32, #tpu.memory_space<vmem>>, vector<1x128xf32>
    %add3A_39 = vector.broadcast %get3A_38 : vector<1x128xf32> to vector<5056x128xf32>
    %add3A_40 = arith.addf %add3A_35, %add3A_39 : vector<5056x128xf32>
    %max3A_41 = arith.constant 0.000000e+00 : f32
    %max3A_42 = vector.broadcast %max3A_41 : f32 to vector<5056x128xf32>
    %max3A_43 = arith.maximumf %add3A_40, %max3A_42 : vector<5056x128xf32>
    %get3A_44 = arith.constant 0 : index
    %get3A_45 = arith.constant 0 : index
    %get3A_46 = vector.load %arg1[%get3A_44, %get3A_45] : memref<5056x256xf32, #tpu.memory_space<vmem>>, vector<5056x256xf32>
    %get3A_47 = arith.constant 0 : index
    %get3A_48 = arith.constant 0 : index
    %get3A_49 = vector.load %arg5[%get3A_47, %get3A_48] : memref<384x128xf32, #tpu.memory_space<vmem>>, vector<256x128xf32>
    %dot_general3A_50 = arith.constant dense<0.000000e+00> : vector<5056x128xf32>
    %dot_general3A_51 = tpu.matmul %get3A_46, %get3A_49, %dot_general3A_50 {dimension_numbers = #tpu.dot_dimension_numbers<[1], [0], [0], [1], [0, 0, 1, 1], [], []>, transpose_lhs_hint = false} : vector<5056x256xf32>, vector<256x128xf32>, vector<5056x128xf32> -> vector<5056x128xf32>
    %get3A_52 = arith.constant 256 : index
    %get3A_53 = arith.constant 0 : index
    %get3A_54 = vector.load %arg5[%get3A_52, %get3A_53] : memref<384x128xf32, #tpu.memory_space<vmem>>, vector<128x128xf32>
    %dot_general3A_55 = arith.constant dense<0.000000e+00> : vector<5056x128xf32>
    %dot_general3A_56 = tpu.matmul %max3A_43, %get3A_54, %dot_general3A_55 {dimension_numbers = #tpu.dot_dimension_numbers<[1], [0], [0], [1], [0, 0, 1, 1], [], []>, transpose_lhs_hint = false} : vector<5056x128xf32>, vector<128x128xf32>, vector<5056x128xf32> -> vector<5056x128xf32>
    %add3A_57 = arith.addf %dot_general3A_51, %dot_general3A_56 : vector<5056x128xf32>
    %get3A_58 = arith.constant 0 : index
    %get3A_59 = arith.constant 0 : index
    %get3A_60 = vector.load %arg6[%get3A_58, %get3A_59] : memref<1x128xf32, #tpu.memory_space<vmem>>, vector<1x128xf32>
    %add3A_61 = vector.broadcast %get3A_60 : vector<1x128xf32> to vector<5056x128xf32>
    %add3A_62 = arith.addf %add3A_57, %add3A_61 : vector<5056x128xf32>
    %iota3A = tpu.iota {dimensions = array<i32: 1>} : vector<5056x128xi32>
    %lt3A = arith.constant 10 : i32
    %lt3A_63 = vector.broadcast %lt3A : i32 to vector<5056x128xi32>
    %lt3A_64 = arith.cmpi slt, %iota3A, %lt3A_63 : vector<5056x128xi32>
    %jit3A = arith.constant 0xFF800000 : f32
    %broadcast_in_dim3A = vector.broadcast %jit3A : f32 to vector<5056x128xf32>
    %select_n3A = arith.select %lt3A_64, %add3A_62, %broadcast_in_dim3A : vector<5056x128xi1>, vector<5056x128xf32>
    %reduce_max3A = arith.constant dense<0xFF800000> : vector<5056xf32>
    %reduce_max3A_65 = vector.multi_reduction <maximumf>, %select_n3A, %reduce_max3A [1] : vector<5056x128xf32> to vector<5056xf32>
    %broadcast_in_dim3A_66 = vector.shape_cast %reduce_max3A_65 : vector<5056xf32> to vector<5056x1xf32>
    %sub3A = vector.broadcast %broadcast_in_dim3A_66 : vector<5056x1xf32> to vector<5056x128xf32>
    %sub3A_67 = arith.subf %select_n3A, %sub3A : vector<5056x128xf32>
    %exp3A = math.exp %sub3A_67 : vector<5056x128xf32>
    %reduce_sum3A = arith.constant dense<0.000000e+00> : vector<5056xf32>
    %reduce_sum3A_68 = vector.multi_reduction <add>, %exp3A, %reduce_sum3A [1] : vector<5056x128xf32> to vector<5056xf32>
    %broadcast_in_dim3A_69 = vector.shape_cast %reduce_sum3A_68 : vector<5056xf32> to vector<5056x1xf32>
    %log3A = math.log %broadcast_in_dim3A_69 : vector<5056x1xf32>
    %sub3A_70 = vector.broadcast %broadcast_in_dim3A_66 : vector<5056x1xf32> to vector<5056x128xf32>
    %sub3A_71 = arith.subf %select_n3A, %sub3A_70 : vector<5056x128xf32>
    %sub3A_72 = vector.broadcast %log3A : vector<5056x1xf32> to vector<5056x128xf32>
    %sub3A_73 = arith.subf %sub3A_71, %sub3A_72 : vector<5056x128xf32>
    %slice3A = vector.extract_strided_slice %sub3A_73 {offsets = [0, 0], sizes = [5056, 10], strides = [1, 1]} : vector<5056x128xf32> to vector<5056x10xf32>
    %swap3A = arith.constant 0 : index
    %swap3A_74 = arith.constant 0 : index
    %swap3A_75 = vector.load %arg11[%swap3A, %swap3A_74] : memref<5056x10xf32, #tpu.memory_space<vmem>>, vector<5056x10xf32>
    tpu.vector_store %arg11[%swap3A, %swap3A_74], %slice3A {strides = array<i32>} : memref<5056x10xf32, #tpu.memory_space<vmem>>, vector<5056x10xf32>,
    return
  }
  func.func @transform_0(%arg0: i32) -> (i32, i32) {
    %c0_i32 = arith.constant 0 : i32
    %c0_i32_0 = arith.constant 0 : i32
    return %arg0, %c0_i32 : i32, i32
  }
  func.func @transform_1(%arg0: i32) -> (i32, i32) {
    %c0_i32 = arith.constant 0 : i32
    %c0_i32_0 = arith.constant 0 : i32
    %c0_i32_1 = arith.constant 0 : i32
    return %c0_i32, %c0_i32_0 : i32, i32
  }
  func.func @transform_2(%arg0: i32) -> (i32, i32) {
    %c0_i32 = arith.constant 0 : i32
    %c0_i32_0 = arith.constant 0 : i32
    %c0_i32_1 = arith.constant 0 : i32
    return %c0_i32, %c0_i32_0 : i32, i32
  }
  func.func @transform_3(%arg0: i32) -> (i32, i32) {
    %c0_i32 = arith.constant 0 : i32
    %c0_i32_0 = arith.constant 0 : i32
    %c0_i32_1 = arith.constant 0 : i32
    return %c0_i32, %c0_i32_0 : i32, i32
  }
  func.func @transform_4(%arg0: i32) -> (i32, i32) {
    %c0_i32 = arith.constant 0 : i32
    %c0_i32_0 = arith.constant 0 : i32
    %c0_i32_1 = arith.constant 0 : i32
    return %c0_i32, %c0_i32_0 : i32, i32
  }
  func.func @transform_5(%arg0: i32) -> (i32, i32) {
    %c0_i32 = arith.constant 0 : i32
    %c0_i32_0 = arith.constant 0 : i32
    %c0_i32_1 = arith.constant 0 : i32
    return %c0_i32, %c0_i32_0 : i32, i32
  }
  func.func @transform_6(%arg0: i32) -> (i32, i32, i32) {
    %c0_i32 = arith.constant 0 : i32
    %c0_i32_0 = arith.constant 0 : i32
    %c0_i32_1 = arith.constant 0 : i32
    return %c0_i32, %arg0, %c0_i32_0 : i32, i32, i32
  }
  func.func @transform_7(%arg0: i32) -> (i32, i32, i32) {
    %c1_i32 = arith.constant 1 : i32
    %c0_i32 = arith.constant 0 : i32
    %c0_i32_0 = arith.constant 0 : i32
    return %c1_i32, %arg0, %c0_i32 : i32, i32, i32
  }
  func.func @transform_8(%arg0: i32) -> (i32, i32) {
    %c0_i32 = arith.constant 0 : i32
    %c0_i32_0 = arith.constant 0 : i32
    return %arg0, %c0_i32 : i32, i32
  }
  func.func @transform_9(%arg0: i32) -> (i32, i32) {
    %c0_i32 = arith.constant 0 : i32
    %c0_i32_0 = arith.constant 0 : i32
    return %arg0, %c0_i32 : i32, i32
  }
  func.func @transform_10(%arg0: i32) -> (i32, i32) {
    %c0_i32 = arith.constant 0 : i32
    %c0_i32_0 = arith.constant 0 : i32
    return %arg0, %c0_i32 : i32, i32
  }
}

</mosaic_0001>

<sc_bundles>
// kernel: kernel.12.cloned.1.call-start
scs
__scs_entry_jumppad:
0x0: {  	(pc) =	sbr.rel $0x88, $3  }
0x1: {  	(tag) =	ssettag $0x0;
	lr =	simm.s32 $0x1  }
0x2: {  	[smem:$0x3F93] =	sst lr;
	_ =	strace $0xD0000000  }
0x3: {  	_ = 	snop  }
0x4: {  	_ = 	snop  }
0x5: {  	_ = 	snop  }
0x6: {  	_ = 	snop  }
0x7: {  	_ = 	snop  }
__scs_overlays_trampoline_lowered:
0x8: {  	[smem:$0x3FA2] =	sst s0  }
0x9: {  	[smem:$0x3FA3] =	sst s1  }
0xa: {  	[smem:$0x3FA4] =	sst s2  }
0xb: {  	[smem:$0x3FA5] =	sst s3  }
0xc: {  	[smem:$0x3FA6] =	sst s4  }
0xd: {  	[smem:$0x3FA7] =	sst s5  }
0xe: {  	[smem:$0x3FA8] =	sst s6  }
0xf: {  	[smem:$0x3FA9] =	sst s7  }
0x10: {  	[smem:$0x3FAA] =	sst s8  }
0x11: {  	[smem:$0x3FAB] =	sst s9;
	s0 =	simm.s32 @!p0 $0x0  }
0x12: {  	s1 =	sld [smem:$0x3F91];
	s0 =	simm.s32 @p0 $0x1  }
0x13: {  	[smem:$0x3FAC] =	sst s0;
	s0 =	simm.s32 @!p1 $0x0  }
0x14: {  	s2 =	sld [smem:$0x3F90];
	s0 =	simm.s32 @p1 $0x1  }
0x15: {  	[smem:$0x3FAD] =	sst s0;
	s0 =	simm.s32 @!p2 $0x0  }
0x16: {  	s3 =	sld [smem:$0x3FDB];
	s0 =	simm.s32 @p2 $0x1  }
0x17: {  	s4 =	simm.s32 $0x1BF5;
	[smem:$0x3FAF] =	sst s0  }
0x18: {  	s0 =	sld [smem:$0x3F92];
	_ =	swait.ge [sflag:s4], $0x0  }
0x19: {  	s7 =	sld [smem:$0x3F93]  }
0x1a: {  	s8 =	sadd.s32 $0xFFFFE003, lr  }
0x1b: {  	s9 =	sadd.s32 $0xFFFFFEF7, lr;
	s5 =	simm.s32 $0xFFFFFFFF;
	p2 =	slt.u32 s8, $0xFFFFF086  }
0x1c: {  	p1 =	slt.u32 s9, $0xF7A;
	s5 =	simm.s32 @!p2 $0x0  }
0x1d: {  	s5 =	simm.s32 @p1 $0x1;
	p0 =	seq.s32 s7, s2  }
0x1e: {  	s7 =	smul.u32 @!p0 $0xF7A, s2;
	p2 =	seq.s32 @!p0 s5, $0x0  }
0x1f: {  	s9 =	smul.u32 $0xF7A, s1;
	s8 =	simm.s32 @!p0 $0x1BF5;
	p2 =	por !p2, p0  }
0x20: {  	[sflag:s8] =	ssyncset.s32 @!p0 $0xFFFFF086;
	s6 =	sadd.s32 @!p0 s3, s7;
	s7 =	simm.s32 @!p0 $0x108  }
0x21: {  	s3 =	sadd.s32 s3, s9;
	s6 =	sadd.s32 @!p0 $0x88, s6;
	s7 =	simm.s32 @p2 $0x1082  }
0x22: {  	[simem:s7], [sflag:s8] =	dma.local @!p0 [hbm:s6], $0xF7A  }
0x23: {  	s9 =	sor.u32 $0xD0000000, s2;
	s6 =	simm.s32 $0x108;
	_ =	swait.ge @!p0 [sflag:s8], $0x0  }
0x24: {  	s3 =	sadd.s32 $0x88, s3;
	s6 =	simm.s32 @!p1 $0x1082;
	[sflag:s4] =	ssyncset.s32 $0xFFFFF086  }
0x25: {  	[simem:s6], [sflag:s4] =	dma.local [hbm:s3], $0xF7A  }
0x26: {  	[smem:$0x3F93] =	sst s1;
	(tag) =	ssettag s2;
	_ =	strace s9  }
0x27: {  	s1 =	sld [smem:$0x3FA3]  }
0x28: {  	s2 =	sld [smem:$0x3FA4]  }
0x29: {  	s4 =	sld [smem:$0x3FA6]  }
0x2a: {  	p0 =	seq.s32 s5, $0x0;
	s5 =	sld [smem:$0x3FA7]  }
0x2b: {  	s6 =	sld [smem:$0x3FA8]  }
0x2c: {  	s7 =	sld [smem:$0x3FA9]  }
0x2d: {  	s3 =	simm.s32 $0x108;
	s8 =	sld [smem:$0x3FAA]  }
0x2e: {  	s3 =	simm.s32 @!p0 $0x1082;
	s9 =	sld [smem:$0x3FAB]  }
0x2f: {  	lr =	sadd.s32 s0, s3;
	s0 =	sld [smem:$0x3FA2]  }
0x30: {  	s3 =	sld [smem:$0x3FA5]  }
0x31: {  	[smem:$0x3FAE] =	sst s10  }
0x32: {  	s10 =	sld [smem:$0x3FAC];
	_ =	sdelay $0x3  }
0x33: {  	p0 =	seq.s32 s10, $0x1;
	s10 =	sld [smem:$0x3FAE];
	_ =	sdelay $0x3  }
0x34: {  	[smem:$0x3FAE] =	sst s10  }
0x35: {  	s10 =	sld [smem:$0x3FAD];
	_ =	sdelay $0x3  }
0x36: {  	p1 =	seq.s32 s10, $0x1;
	s10 =	sld [smem:$0x3FAE];
	_ =	sdelay $0x3  }
0x37: {  	[smem:$0x3FAE] =	sst s10  }
0x38: {  	s10 =	sld [smem:$0x3FAF]  }
0x39: {  	_ = 	snop;
	(pc) =	sbr.ind lr, $3  }
0x3a: {  	_ = 	snop  }
0x3b: {  	_ = 	snop  }
0x3c: {  	p2 =	seq.s32 s10, $0x1;
	s10 =	sld [smem:$0x3FAE]  }
0x3d: {  	_ =	shalt  }
0x3e: {  	_ =	shalt  }
0x3f: {  	_ =	shalt  }
0x40: {  	_ =	shalt  }
0x41: {  	_ =	shalt  }
0x42: {  	_ =	shalt  }
0x43: {  	_ =	shalt  }
0x44: {  	_ =	shalt  }
0x45: {  	_ =	shalt  }
0x46: {  	_ =	shalt  }
0x47: {  	_ =	shalt  }
0x48: {  	_ =	shalt  }
0x49: {  	_ =	shalt  }
0x4a: {  	_ =	shalt  }
0x4b: {  	_ =	shalt  }
0x4c: {  	_ =	shalt  }
0x4d: {  	_ =	shalt  }
0x4e: {  	_ =	shalt  }
0x4f: {  	_ =	shalt  }
0x50: {  	_ =	shalt  }
0x51: {  	_ =	shalt  }
0x52: {  	_ =	shalt  }
0x53: {  	_ =	shalt  }
0x54: {  	_ =	shalt  }
0x55: {  	_ =	shalt  }
0x56: {  	_ =	shalt  }
0x57: {  	_ =	shalt  }
0x58: {  	_ =	shalt  }
0x59: {  	_ =	shalt  }
0x5a: {  	_ =	shalt  }
0x5b: {  	_ =	shalt  }
0x5c: {  	_ =	shalt  }
0x5d: {  	_ =	shalt  }
0x5e: {  	_ =	shalt  }
0x5f: {  	_ =	shalt  }
0x60: {  	_ =	shalt  }
0x61: {  	_ =	shalt  }
0x62: {  	_ =	shalt  }
0x63: {  	_ =	shalt  }
0x64: {  	_ =	shalt  }
0x65: {  	_ =	shalt  }
0x66: {  	_ =	shalt  }
0x67: {  	_ =	shalt  }
0x68: {  	_ =	shalt  }
0x69: {  	_ =	shalt  }
0x6a: {  	_ =	shalt  }
0x6b: {  	_ =	shalt  }
0x6c: {  	_ =	shalt  }
0x6d: {  	_ =	shalt  }
0x6e: {  	_ =	shalt  }
0x6f: {  	_ =	shalt  }
0x70: {  	_ =	shalt  }
0x71: {  	_ =	shalt  }
0x72: {  	_ =	shalt  }
0x73: {  	_ =	shalt  }
0x74: {  	_ =	shalt  }
0x75: {  	_ =	shalt  }
0x76: {  	_ =	shalt  }
0x77: {  	_ =	shalt  }
0x78: {  	_ =	shalt  }
0x79: {  	_ =	shalt  }
0x7a: {  	_ =	shalt  }
0x7b: {  	_ =	shalt  }
0x7c: {  	_ =	shalt  }
0x7d: {  	_ =	shalt  }
0x7e: {  	_ =	shalt  }
0x7f: {  	_ =	shalt  }
0x80: {  	_ =	shalt  }
0x81: {  	_ =	shalt  }
0x82: {  	_ =	shalt  }
0x83: {  	_ =	shalt  }
0x84: {  	_ =	shalt  }
0x85: {  	_ =	shalt  }
0x86: {  	_ =	shalt  }
0x87: {  	_ =	shalt  }
.Lfunc_end0:
.L_simem_size_0:
called_computation_lowered:
.L_overlay_start_0:
0x88: {  	s2 =	sld [smem:$0x3FD9]  }
0x89: {  	s3 =	sld [smem:$0x3FFE];
	_ =	sdelay $0x1  }
0x8a: {  	s1 =	srdreg.scid  }
0x8b: {  	s0 =	sand.u32 $0x1, s1  }
0x8c: {  	s17 =	sshll.u32 s0, $0xA;
	s2 =	sadd.s32 s3, s2  }
0x8d: {  	s2 =	sadd.s32 s2, s17  }
0x8e: {  	[smem:$0x3FBA] =	sst s2  }
0x8f: {  	_ = 	snop  }
0x90: {  	s2 =	sld [smem:$0x3FD0];
	(tm) =	ssettm $0x1  }
0x91: {  	s18 =	sld [smem:$0x3FFB];
	_ =	sdelay $0x3  }
0x92: {  	_ =	strace s18  }
0x93: {  	s3 =	sld [smem:$0x3FFC];
	_ =	sdelay $0x3  }
0x94: {  	_ =	strace s3  }
0x95: {  	s3 =	sld [smem:$0x3FFD];
	_ =	sdelay $0x3  }
0x96: {  	_ =	strace s3  }
0x97: {  	_ =	strace $0x8FFFFFFF  }
0x98: {  	s19 =	sld [smem:$0x3FDB];
	_ =	sdelay $0x1  }
0x99: {  	s4 =	simm.s32 $_scs_section_size  }
0x9a: {  	s5 =	simm.s32 $_size__tile_overlayer_lowered;
	s6 =	simm.s32 $_tile_overlayer_lowered  }
0x9b: {  	s22 =	simm.s32 $0x1BFF;
	s21 =	sshll.u32 s6, $0x1;
	s3 =	sadd.s32 s4, s19  }
0x9c: {  	s7 =	simm.s32 $0x0;
	s20 =	sshll.u32 s5, $0x1;
	s5 =	sadd.s32 s21, s3  }
0x9d: {  	[timem:s7], [sflag:s22] =	dma.local [hbm:s5], s20  }
0x9e: {  	_ =	swait.ge [sflag:s22], s20  }
0x9f: {  	s4 =	ssub.s32 $0x0, s20;
	[sflag:s22] =	ssyncset.done $0x0  }
0xa0: {  	[sflag:s22] =	ssyncadd.s32 s4;
	_ =	sdelay $0x1  }
0xa1: {  	s23 =	simm.s32 $0x1B8B  }
0xa2: {  	_ =	swait.ge [sflag:s23], $0x1  }
0xa3: {  	[sflag:s23] =	ssyncset.done $0x0  }
0xa4: {  	s25 =	simm.s32 $0x1B8E;
	s24 =	sld [smem:$0x3FFE];
	[sflag:s23] =	ssyncadd.s32 $0xFFFFFFFF  }
0xa5: {  	s26 =	simm.s32 $execute0_lowered;
	[smem:$0x3FD2] =	sst s25  }
0xa6: {  	s5 =	sshll.u32 s26, $0x1;
	_ =	strace $0x80000046;
	[dreg:$0x1] =	wrdreg $0xFFFFFFFF  }
0xa7: {  	s28 =	simm.s32 $_size_execute0_lowered;
	s3 =	sadd.s32 s3, s5;
	[dreg:$0x0] =	wrdreg $0x0  }
0xa8: {  	s5 =	sshll.u32 s28, $0x1;
	[dreg:$0x2] =	wrdreg s3  }
0xa9: {  	[dreg:$0x3] =	wrdreg s5  }
0xaa: {  	[dreg:$0x4] =	wrdreg $0xC0  }
0xab: {  	_ =	task [dreg:s7], $0x5FFFF  }
0xac: {  	[dreg:$0x1] =	wrdreg $0xFFFFFFFF  }
0xad: {  	[dreg:$0x0] =	wrdreg $0x60  }
0xae: {  	[dreg:$0x2] =	wrdreg s24  }
0xaf: {  	[dreg:$0x3] =	wrdreg s2  }
0xb0: {  	[dreg:$0x4] =	wrdreg $0x54000  }
0xb1: {  	[dreg:$0x5] =	wrdreg $0x9  }
0xb2: {  	_ =	task.clear_ibuf [dreg:s7], $0x6FFFF;
	_ =	strace $0x90000046  }
0xb3: {  	s29 =	simm.s32 $0x9;
	_ =	strace $0x80000048  }
0xb4: {  	_ =	swait.ge [sflag:s29], $0x1  }
0xb5: {  	[sflag:s29] =	ssyncadd.s32 $0xFFFFFFFF  }
0xb6: {  	_ =	strace $0x90000048  }
0xb7: {  	_ =	sfence  }
0xb8: {  	s30 =	sld [smem:$0x0];
	_ =	sdelay $0x2  }
0xb9: {  	s31 =	sshll.u32 s1, $0xD;
	s1 =	sshrl.u32 s1, $0x2  }
0xba: {  	s3 =	sand.u32 $0x4000, s31;
	s1 =	sadd.s32 s1, s30  }
0xbb: {  	s0 =	sor.u32 s3, s0;
	s1 =	sshll.u32 s1, $0x11  }
0xbc: {  	s0 =	sor.u32 s1, s0  }
0xbd: {  	s0 =	sadd.s32 $0x8F2B, s0  }
0xbe: {  	[sflag:s0] =	ssyncadd.remote.s32 $0x1  }
0xbf: {  	_ =	sfence.sel $0xFFFF  }
0xc0: {  	[dreg:$0x0] =	wrdreg $0xFFFFFFFF;
	(pc) =	sbr.abs _section_cstart, $3  }
0xc1: {  	[dreg:$0x1] =	wrdreg $0xFFFFFFFF  }
0xc2: {  	_ =	task.clear_ibuf [dreg:s7], $0x2FFFF;
	_ =	strace $0x9FFFFFFF  }
0xc3: {  	(tm) =	ssettm $0x7FFFFFFF  }
tec
execute0_lowered:
.L_overlay_start_1:
0x0: {  	(tag) =	ssettag $0x1  }
0x1: {  	s6 =	rddreg [dreg:$0x0]  }
0x2: {  	s2 =	rddreg [dreg:$0x1]  }
0x3: {  	s0 =	srdreg.scid;
	s3 =	rddreg [dreg:$0x2];
	s4 =	simm.s32 $0x0  }
0x4: {  	s13 =	simm.s32 $0x80;
	s5 =	sand.u32 $0x1, s0;
	s0 =	stileid.u32  }
0x5: {  	s14 =	simm.s32 $0x0;
	[smem:$0x7FF] =	sst s4;
	s8 =	smul.u32 $0x13C00, s0  }
0x6: {  	s1 =	sshll.u32 s5, $0x4;
	s9 =	smul.u32 $0x13C000, s5;
	s5 =	ssub.s32 $0x2, s5  }
0x7: {  	s29 =	smul.u32 $0x4F000, s0;
	s31 =	sshll.u32 s0, $0x6;
	s1 =	sor.u32 s0, s1  }
0x8: {  	s11 =	sshrl.u32 s5, $0x1;
	s7 =	smul.u32 $0x280, s1;
	s1 =	rddreg [dreg:$0x3]  }
0x9: {  	_ =	strace $0x80000047;
	s10 =	sshrl.u32 s8, $0x3;
	s8 =	sadd.s32 s8, s9  }
0xa: {  	s11 =	ssub.s32 s5, s11;
	s30 =	sshrl.u32 s29, $0x2;
	s10 =	sadd.s32 s10, s6  }
0xb: {  	s8 =	sshrl.u32 s8, $0x3;
	s12 =	sadd.s32 s30, s3;
	s9 =	smax.u32 s11, $0x1  }
0xc: {  	s11 =	simm.s32 $0x1;
	s7 =	sadd.s32 s7, s6;
	s8 =	sadd.s32 s8, s6  }
0xd: {  	s5 =	sadd.s32 $0xF200, s10;
	s6 =	sor.u32 $0x1C01, s31;
	s10 =	sshrl.u32 s12, $0x3  }
0xe: {  	s12 =	simm.s32 $0x1400;
	s7 =	sadd.s32 $0x9E00, s7;
	s8 =	sadd.s32 $0x36A00, s8  }
.LBB2_1:
0xf: {  	[spmem:s10], [sflag:s6] =	dma.local [hbm:s5], $0x2780  }
0x10: {  	_ =	swait.ge [sflag:s11], $0x2780  }
0x11: {  	[sflag:s11] =	ssyncset.done $0x0  }
0x12: {  	[sflag:s11] =	ssyncadd.s32 $0xFFFFD880  }
0x13: {  	[tilespmem:s4], [sflag:$0x1] =	stream.linear.gather [hbm4b:s7+s4], $0x1400, $0x38;
	[tilespmem:$0x19000] =	vst v63  }
0x14: {  	_ =	swait.ge [sflag:s11], $0x1400  }
0x15: {  	[sflag:s11] =	ssyncset.done $0x0  }
0x16: {  	[sflag:s11] =	ssyncadd.s32 $0xFFFFEC00  }
0x17: {  	[tilespmem:s12], [sflag:$0x1] =	stream.linear.gather [hbm4b:s2+s4], $0x4000, $0x38;
	[tilespmem:$0x19000] =	vst v63  }
0x18: {  	_ =	swait.ge [sflag:s11], $0x4000  }
0x19: {  	[sflag:s11] =	ssyncset.done $0x0  }
0x1a: {  	[sflag:s11] =	ssyncadd.s32 $0xFFFFC000  }
0x1b: {  	s15 =	simm.s32 $0x0;
	[bflag:$0x0] =	sbarrier.arrive $0xFFFF  }
0x1c: {  	[spmem:s3] =	stream.indirect.scatter.add.f32 [tilespmem:s12], [sflag:$0x1], $0x80, s15, s13, $0xb8;
	[tilespmem:$0x19000] =	vst v63  }
0x1d: {  	_ =	swait.ge [sflag:s11], $0x4000  }
0x1e: {  	s15 =	simm.s32 $0x200;
	[sflag:s11] =	ssyncset.done $0x0  }
.LBB2_2:
0x1f: {  	s16 =	sshra.s32 s15, $0x2;
	[sflag:s11] =	ssyncadd.s32 $0xFFFFC000;
	p0 =	sne.s32 s15, $0x4E00  }
0x20: {  	[spmem:s3] =	stream.indirect.scatter.add.f32 [tilespmem:s12], [sflag:$0x1], $0x80, s16, s13, $0xb8;
	[tilespmem:$0x19000] =	vst v63  }
.Ltmp0:
0x21: {  	_ = 	snop;
	(pc) =	sbr.rel @p0 .LBB2_2-.Ltmp0, $4  }
0x22: {  	_ = 	snop  }
0x23: {  	s15 =	sadd.s32 $0x200, s15  }
0x24: {  	_ =	swait.ge [sflag:s11], $0x4000  }
0x25: {  	[sflag:s11] =	ssyncset.done $0x0  }
0x26: {  	s14 =	sadd.s32 $0x1, s14  }
0x27: {  	[sflag:s11] =	ssyncadd.s32 $0xFFFFC000;
	p0 =	sne.s32 s14, s9  }
.Ltmp1:
0x28: {  	[bflag:$0x0] =	sbarrier.arrive $0xFFFF;
	(pc) =	sbr.rel @p0 .LBB2_1-.Ltmp1, $4  }
0x29: {  	[hbm:s8], [sflag:s6] =	dma.local [spmem:s10], $0x2780  }
0x2a: {  	_ =	swait.ge [sflag:s11], $0x2780  }
0x2b: {  	[sflag:s11] =	ssyncset.done $0x0  }
0x2c: {  	[sflag:s11] =	ssyncadd.s32 $0xFFFFD880  }
0x2d: {  	_ =	sfence.sel $0x180000  }
0x2e: {  	[bflag:$0x0] =	sbarrier.arrive $0xFFFF  }
0x2f: {  	p0 =	sne.s32 s0, $0x0;
	_ =	strace $0x90000047  }
0x30: {  	s0 =	sadd.s32 @!p0 $0x100000, s1;
	[bflag:$0x2] =	sbarrier.arrive $0xFFFF  }
0x31: {  	[sflag:s0] =	ssyncadd.tile.s32 @!p0 $0x1;
	_ =	shalt  }
.Lfunc_end2:
_tile_overlayer_lowered:
.L_overlay_start_2:
0x32: {  	(tag) =	ssettag $0x2  }
0x33: {  	s0 =	rddreg [dreg:$0x0];
	s2 =	stileid.u32  }
0x34: {  	s1 =	rddreg [dreg:$0x1];
	p0 =	sne.s32 s2, $0x0  }
0x35: {  	s3 =	rddreg [dreg:$0x2];
	[bflag:$0x3] =	sbarrier.arrive $0xFFFF;
	s2 =	simm.s32 @!p0 $0x1C01  }
0x36: {  	[timem:s3], [sflag:s2] =	dma.local @!p0 [hbm:s0], s1  }
0x37: {  	s0 =	simm.s32 @!p0 $0x1  }
0x38: {  	_ =	swait.ge @!p0 [sflag:s0], s1  }
0x39: {  	s1 =	ssub.s32 @!p0 $0x0, s1;
	[sflag:s0] =	ssyncset.done @!p0 $0x0  }
0x3a: {  	[sflag:s0] =	ssyncadd.s32 @!p0 s1  }
0x3b: {  	[bflag:$0x3] =	sbarrier.arrive $0xFFFF  }
0x3c: {  	_ =	shalt  }

// kernel: kernel.15.cloned.1.call-start
scs
__scs_entry_jumppad:
0x0: {  	(pc) =	sbr.rel $0x88, $3  }
0x1: {  	(tag) =	ssettag $0x0;
	lr =	simm.s32 $0x1  }
0x2: {  	[smem:$0x3F93] =	sst lr;
	_ =	strace $0xD0000000  }
0x3: {  	_ = 	snop  }
0x4: {  	_ = 	snop  }
0x5: {  	_ = 	snop  }
0x6: {  	_ = 	snop  }
0x7: {  	_ = 	snop  }
__scs_overlays_trampoline_lowered:
0x8: {  	[smem:$0x3FA2] =	sst s0  }
0x9: {  	[smem:$0x3FA3] =	sst s1  }
0xa: {  	[smem:$0x3FA4] =	sst s2  }
0xb: {  	[smem:$0x3FA5] =	sst s3  }
0xc: {  	[smem:$0x3FA6] =	sst s4  }
0xd: {  	[smem:$0x3FA7] =	sst s5  }
0xe: {  	[smem:$0x3FA8] =	sst s6  }
0xf: {  	[smem:$0x3FA9] =	sst s7  }
0x10: {  	[smem:$0x3FAA] =	sst s8  }
0x11: {  	[smem:$0x3FAB] =	sst s9;
	s0 =	simm.s32 @!p0 $0x0  }
0x12: {  	s1 =	sld [smem:$0x3F91];
	s0 =	simm.s32 @p0 $0x1  }
0x13: {  	[smem:$0x3FAC] =	sst s0;
	s0 =	simm.s32 @!p1 $0x0  }
0x14: {  	s2 =	sld [smem:$0x3F90];
	s0 =	simm.s32 @p1 $0x1  }
0x15: {  	[smem:$0x3FAD] =	sst s0;
	s0 =	simm.s32 @!p2 $0x0  }
0x16: {  	s3 =	sld [smem:$0x3FDB];
	s0 =	simm.s32 @p2 $0x1  }
0x17: {  	s4 =	simm.s32 $0x1BF5;
	[smem:$0x3FAF] =	sst s0  }
0x18: {  	s0 =	sld [smem:$0x3F92];
	_ =	swait.ge [sflag:s4], $0x0  }
0x19: {  	s7 =	sld [smem:$0x3F93]  }
0x1a: {  	s8 =	sadd.s32 $0xFFFFE003, lr  }
0x1b: {  	s9 =	sadd.s32 $0xFFFFFEF7, lr;
	s5 =	simm.s32 $0xFFFFFFFF;
	p2 =	slt.u32 s8, $0xFFFFF086  }
0x1c: {  	p1 =	slt.u32 s9, $0xF7A;
	s5 =	simm.s32 @!p2 $0x0  }
0x1d: {  	s5 =	simm.s32 @p1 $0x1;
	p0 =	seq.s32 s7, s2  }
0x1e: {  	s7 =	smul.u32 @!p0 $0xF7A, s2;
	p2 =	seq.s32 @!p0 s5, $0x0  }
0x1f: {  	s9 =	smul.u32 $0xF7A, s1;
	s8 =	simm.s32 @!p0 $0x1BF5;
	p2 =	por !p2, p0  }
0x20: {  	[sflag:s8] =	ssyncset.s32 @!p0 $0xFFFFF086;
	s6 =	sadd.s32 @!p0 s3, s7;
	s7 =	simm.s32 @!p0 $0x108  }
0x21: {  	s3 =	sadd.s32 s3, s9;
	s6 =	sadd.s32 @!p0 $0x88, s6;
	s7 =	simm.s32 @p2 $0x1082  }
0x22: {  	[simem:s7], [sflag:s8] =	dma.local @!p0 [hbm:s6], $0xF7A  }
0x23: {  	s9 =	sor.u32 $0xD0000000, s2;
	s6 =	simm.s32 $0x108;
	_ =	swait.ge @!p0 [sflag:s8], $0x0  }
0x24: {  	s3 =	sadd.s32 $0x88, s3;
	s6 =	simm.s32 @!p1 $0x1082;
	[sflag:s4] =	ssyncset.s32 $0xFFFFF086  }
0x25: {  	[simem:s6], [sflag:s4] =	dma.local [hbm:s3], $0xF7A  }
0x26: {  	[smem:$0x3F93] =	sst s1;
	(tag) =	ssettag s2;
	_ =	strace s9  }
0x27: {  	s1 =	sld [smem:$0x3FA3]  }
0x28: {  	s2 =	sld [smem:$0x3FA4]  }
0x29: {  	s4 =	sld [smem:$0x3FA6]  }
0x2a: {  	p0 =	seq.s32 s5, $0x0;
	s5 =	sld [smem:$0x3FA7]  }
0x2b: {  	s6 =	sld [smem:$0x3FA8]  }
0x2c: {  	s7 =	sld [smem:$0x3FA9]  }
0x2d: {  	s3 =	simm.s32 $0x108;
	s8 =	sld [smem:$0x3FAA]  }
0x2e: {  	s3 =	simm.s32 @!p0 $0x1082;
	s9 =	sld [smem:$0x3FAB]  }
0x2f: {  	lr =	sadd.s32 s0, s3;
	s0 =	sld [smem:$0x3FA2]  }
0x30: {  	s3 =	sld [smem:$0x3FA5]  }
0x31: {  	[smem:$0x3FAE] =	sst s10  }
0x32: {  	s10 =	sld [smem:$0x3FAC];
	_ =	sdelay $0x3  }
0x33: {  	p0 =	seq.s32 s10, $0x1;
	s10 =	sld [smem:$0x3FAE];
	_ =	sdelay $0x3  }
0x34: {  	[smem:$0x3FAE] =	sst s10  }
0x35: {  	s10 =	sld [smem:$0x3FAD];
	_ =	sdelay $0x3  }
0x36: {  	p1 =	seq.s32 s10, $0x1;
	s10 =	sld [smem:$0x3FAE];
	_ =	sdelay $0x3  }
0x37: {  	[smem:$0x3FAE] =	sst s10  }
0x38: {  	s10 =	sld [smem:$0x3FAF]  }
0x39: {  	_ = 	snop;
	(pc) =	sbr.ind lr, $3  }
0x3a: {  	_ = 	snop  }
0x3b: {  	_ = 	snop  }
0x3c: {  	p2 =	seq.s32 s10, $0x1;
	s10 =	sld [smem:$0x3FAE]  }
0x3d: {  	_ =	shalt  }
0x3e: {  	_ =	shalt  }
0x3f: {  	_ =	shalt  }
0x40: {  	_ =	shalt  }
0x41: {  	_ =	shalt  }
0x42: {  	_ =	shalt  }
0x43: {  	_ =	shalt  }
0x44: {  	_ =	shalt  }
0x45: {  	_ =	shalt  }
0x46: {  	_ =	shalt  }
0x47: {  	_ =	shalt  }
0x48: {  	_ =	shalt  }
0x49: {  	_ =	shalt  }
0x4a: {  	_ =	shalt  }
0x4b: {  	_ =	shalt  }
0x4c: {  	_ =	shalt  }
0x4d: {  	_ =	shalt  }
0x4e: {  	_ =	shalt  }
0x4f: {  	_ =	shalt  }
0x50: {  	_ =	shalt  }
0x51: {  	_ =	shalt  }
0x52: {  	_ =	shalt  }
0x53: {  	_ =	shalt  }
0x54: {  	_ =	shalt  }
0x55: {  	_ =	shalt  }
0x56: {  	_ =	shalt  }
0x57: {  	_ =	shalt  }
0x58: {  	_ =	shalt  }
0x59: {  	_ =	shalt  }
0x5a: {  	_ =	shalt  }
0x5b: {  	_ =	shalt  }
0x5c: {  	_ =	shalt  }
0x5d: {  	_ =	shalt  }
0x5e: {  	_ =	shalt  }
0x5f: {  	_ =	shalt  }
0x60: {  	_ =	shalt  }
0x61: {  	_ =	shalt  }
0x62: {  	_ =	shalt  }
0x63: {  	_ =	shalt  }
0x64: {  	_ =	shalt  }
0x65: {  	_ =	shalt  }
0x66: {  	_ =	shalt  }
0x67: {  	_ =	shalt  }
0x68: {  	_ =	shalt  }
0x69: {  	_ =	shalt  }
0x6a: {  	_ =	shalt  }
0x6b: {  	_ =	shalt  }
0x6c: {  	_ =	shalt  }
0x6d: {  	_ =	shalt  }
0x6e: {  	_ =	shalt  }
0x6f: {  	_ =	shalt  }
0x70: {  	_ =	shalt  }
0x71: {  	_ =	shalt  }
0x72: {  	_ =	shalt  }
0x73: {  	_ =	shalt  }
0x74: {  	_ =	shalt  }
0x75: {  	_ =	shalt  }
0x76: {  	_ =	shalt  }
0x77: {  	_ =	shalt  }
0x78: {  	_ =	shalt  }
0x79: {  	_ =	shalt  }
0x7a: {  	_ =	shalt  }
0x7b: {  	_ =	shalt  }
0x7c: {  	_ =	shalt  }
0x7d: {  	_ =	shalt  }
0x7e: {  	_ =	shalt  }
0x7f: {  	_ =	shalt  }
0x80: {  	_ =	shalt  }
0x81: {  	_ =	shalt  }
0x82: {  	_ =	shalt  }
0x83: {  	_ =	shalt  }
0x84: {  	_ =	shalt  }
0x85: {  	_ =	shalt  }
0x86: {  	_ =	shalt  }
0x87: {  	_ =	shalt  }
.Lfunc_end0:
.L_simem_size_0:
called_computation.1_lowered:
.L_overlay_start_0:
0x88: {  	s2 =	sld [smem:$0x3FD9]  }
0x89: {  	s3 =	sld [smem:$0x3FFE];
	_ =	sdelay $0x1  }
0x8a: {  	s1 =	srdreg.scid  }
0x8b: {  	s0 =	sand.u32 $0x1, s1  }
0x8c: {  	s16 =	sshll.u32 s0, $0xA;
	s2 =	sadd.s32 s3, s2  }
0x8d: {  	s2 =	sadd.s32 s2, s16  }
0x8e: {  	[smem:$0x3FBA] =	sst s2  }
0x8f: {  	_ = 	snop  }
0x90: {  	(tm) =	ssettm $0x1  }
0x91: {  	s17 =	sld [smem:$0x3FFB];
	_ =	sdelay $0x3  }
0x92: {  	_ =	strace s17  }
0x93: {  	s2 =	sld [smem:$0x3FFC];
	_ =	sdelay $0x3  }
0x94: {  	_ =	strace s2  }
0x95: {  	s2 =	sld [smem:$0x3FFD];
	_ =	sdelay $0x3  }
0x96: {  	_ =	strace s2  }
0x97: {  	_ =	strace $0x8FFFFFFF  }
0x98: {  	s18 =	sld [smem:$0x3FDB];
	_ =	sdelay $0x1  }
0x99: {  	s19 =	simm.s32 $_scs_section_size  }
0x9a: {  	s4 =	simm.s32 $_size__tile_overlayer_lowered;
	s5 =	simm.s32 $_tile_overlayer_lowered  }
0x9b: {  	s22 =	simm.s32 $0x1BFF;
	s21 =	sshll.u32 s5, $0x1;
	s2 =	sadd.s32 s19, s18  }
0x9c: {  	s6 =	simm.s32 $0x0;
	s20 =	sshll.u32 s4, $0x1;
	s4 =	sadd.s32 s21, s2  }
0x9d: {  	[timem:s6], [sflag:s22] =	dma.local [hbm:s4], s20  }
0x9e: {  	_ =	swait.ge [sflag:s22], s20  }
0x9f: {  	s3 =	ssub.s32 $0x0, s20;
	[sflag:s22] =	ssyncset.done $0x0  }
0xa0: {  	[sflag:s22] =	ssyncadd.s32 s3;
	_ =	sdelay $0x1  }
0xa1: {  	s23 =	simm.s32 $0x1B8B  }
0xa2: {  	_ =	swait.ge [sflag:s23], $0x1  }
0xa3: {  	[sflag:s23] =	ssyncset.done $0x0  }
0xa4: {  	s25 =	simm.s32 $0x1B8E;
	s24 =	sld [smem:$0x3FFE];
	[sflag:s23] =	ssyncadd.s32 $0xFFFFFFFF  }
0xa5: {  	s26 =	simm.s32 $execute0_lowered;
	[smem:$0x3FD2] =	sst s25  }
0xa6: {  	s4 =	sshll.u32 s26, $0x1;
	_ =	strace $0x80000049;
	[dreg:$0x1] =	wrdreg $0xFFFFFFFF  }
0xa7: {  	s28 =	simm.s32 $_size_execute0_lowered;
	s2 =	sadd.s32 s2, s4;
	[dreg:$0x0] =	wrdreg $0x0  }
0xa8: {  	s4 =	sshll.u32 s28, $0x1;
	[dreg:$0x2] =	wrdreg s2  }
0xa9: {  	[dreg:$0x3] =	wrdreg s4  }
0xaa: {  	[dreg:$0x4] =	wrdreg $0xC0  }
0xab: {  	_ =	task [dreg:s6], $0x5FFFF  }
0xac: {  	[dreg:$0x1] =	wrdreg $0xFFFFFFFF  }
0xad: {  	[dreg:$0x0] =	wrdreg $0x60  }
0xae: {  	[dreg:$0x2] =	wrdreg s24  }
0xaf: {  	[dreg:$0x3] =	wrdreg $0xC0000  }
0xb0: {  	[dreg:$0x4] =	wrdreg $0x9  }
0xb1: {  	_ =	task.clear_ibuf [dreg:s6], $0x5FFFF;
	_ =	strace $0x90000049  }
0xb2: {  	s29 =	simm.s32 $0x9;
	_ =	strace $0x8000004B  }
0xb3: {  	_ =	swait.ge [sflag:s29], $0x1  }
0xb4: {  	[sflag:s29] =	ssyncadd.s32 $0xFFFFFFFF  }
0xb5: {  	_ =	strace $0x9000004B  }
0xb6: {  	_ =	sfence  }
0xb7: {  	s30 =	sld [smem:$0x0];
	_ =	sdelay $0x2  }
0xb8: {  	s31 =	sshll.u32 s1, $0xD;
	s1 =	sshrl.u32 s1, $0x2  }
0xb9: {  	s3 =	sand.u32 $0x4000, s31;
	s1 =	sadd.s32 s1, s30  }
0xba: {  	s0 =	sor.u32 s3, s0;
	s1 =	sshll.u32 s1, $0x11  }
0xbb: {  	s0 =	sor.u32 s1, s0  }
0xbc: {  	s0 =	sadd.s32 $0x8F2B, s0  }
0xbd: {  	[sflag:s0] =	ssyncadd.remote.s32 $0x1  }
0xbe: {  	_ =	sfence.sel $0xFFFF  }
0xbf: {  	[dreg:$0x0] =	wrdreg $0xFFFFFFFF;
	(pc) =	sbr.abs _section_cstart, $3  }
0xc0: {  	[dreg:$0x1] =	wrdreg $0xFFFFFFFF  }
0xc1: {  	_ =	task.clear_ibuf [dreg:s6], $0x2FFFF;
	_ =	strace $0x9FFFFFFF  }
0xc2: {  	(tm) =	ssettm $0x7FFFFFFF  }
0xc3: {  	_ =	shalt  }
tec
execute0_lowered:
.L_overlay_start_1:
0x0: {  	(tag) =	ssettag $0x1  }
0x1: {  	s5 =	rddreg [dreg:$0x0]  }
0x2: {  	s2 =	rddreg [dreg:$0x1]  }
0x3: {  	s0 =	rddreg [dreg:$0x2];
	s4 =	srdreg.scid  }
0x4: {  	s3 =	simm.s32 $0x0;
	s1 =	stileid.u32;
	s15 =	simm.s32 $0x80  }
0x5: {  	s16 =	simm.s32 $0x4000;
	s17 =	simm.s32 $0x8000;
	s18 =	simm.s32 $0x1  }
0x6: {  	s19 =	simm.s32 $0x0;
	s6 =	sand.u32 $0x1, s4;
	[smem:$0x7FF] =	sst s3  }
0x7: {  	s26 =	sshll.u32 s1, $0x8;
	s7 =	sshll.u32 s1, $0xA;
	s9 =	smul.u32 $0x13C00, s1  }
0x8: {  	s4 =	sadd.s32 $0x36A00, s5;
	s11 =	smul.u32 $0x4F000, s1;
	s31 =	sshll.u32 s1, $0x6  }
0x9: {  	p0 =	seq.s32 s6, $0x0;
	s8 =	sor.u32 $0x4000, s26;
	_ =	strace $0x8000004A  }
0xa: {  	s28 =	smul.u32 $0x13C000, s6;
	s6 =	ssub.s32 $0x2, s6;
	s8 =	smov.u32 @p0 s7  }
0xb: {  	s10 =	sshrl.u32 s9, $0x3;
	s29 =	sshrl.u32 s6, $0x1;
	s30 =	sshrl.u32 s11, $0x2  }
0xc: {  	s11 =	simm.s32 $0x3;
	s8 =	sadd.s32 s8, s5;
	s10 =	sadd.s32 s10, s5  }
0xd: {  	s7 =	sadd.s32 s9, s28;
	s13 =	ssub.s32 s6, s29;
	s14 =	sadd.s32 s30, s2  }
0xe: {  	s7 =	sshrl.u32 s7, $0x3;
	s6 =	sadd.s32 $0x9E00, s8;
	s14 =	sshrl.u32 s14, $0x3  }
0xf: {  	s12 =	sadd.s32 s7, s5;
	s5 =	sadd.s32 $0x4A00, s8;
	s7 =	simm.s32 $0x20  }
0x10: {  	s8 =	sadd.s32 $0xF200, s10;
	s10 =	smax.u32 s13, $0x1;
	s13 =	sor.u32 $0x1C03, s31  }
0x11: {  	s7 =	simm.s32 @!p0 $0x8;
	s9 =	sadd.s32 $0xD4A00, s12;
	s12 =	simm.s32 $0x2000  }
.LBB2_1:
0x12: {  	[tilespmem:s3], [sflag:$0x3] =	stream.linear.gather [hbm4b:s5+s3], $0x2000, $0x38;
	[tilespmem:$0x1FC00] =	vst v63  }
0x13: {  	_ =	swait.ge [sflag:s11], $0x2000  }
0x14: {  	[sflag:s11] =	ssyncset.done $0x0  }
0x15: {  	[sflag:s11] =	ssyncadd.s32 $0xFFFFE000  }
0x16: {  	[tilespmem:s12], [sflag:$0x3] =	stream.linear.gather [hbm4b:s6+s3], $0x2000, $0x38;
	[tilespmem:$0x1FC00] =	vst v63  }
0x17: {  	_ =	swait.ge [sflag:s11], $0x2000  }
0x18: {  	[sflag:s11] =	ssyncset.done $0x0  }
0x19: {  	[sflag:s11] =	ssyncadd.s32 $0xFFFFE000  }
0x1a: {  	[spmem:s14], [sflag:s13] =	dma.local [hbm:s8], $0x2780  }
0x1b: {  	_ =	swait.ge [sflag:s11], $0x2780  }
0x1c: {  	[sflag:s11] =	ssyncset.done $0x0  }
0x1d: {  	[sflag:s11] =	ssyncadd.s32 $0xFFFFD880  }
0x1e: {  	[bflag:$0x0] =	sbarrier.arrive $0xFFFF  }
0x1f: {  	[tilespmem:s16], [sflag:$0x1] =	stream.indirect.gather [hbm4b:s4+s15], $0x80, s3, s15, $0xb8;
	[tilespmem:$0x1FC00] =	vst v63  }
0x20: {  	_ = 	snop  }
0x21: {  	[tilespmem:s17], [sflag:$0x2] =	stream.indirect.gather [hbm4b:s4+s15], $0x80, s15, s15, $0xb8;
	[tilespmem:$0x1FC00] =	vst v63  }
0x22: {  	_ =	swait.ge [sflag:s18], $0x4000  }
0x23: {  	[sflag:s18] =	ssyncset.done $0x0  }
0x24: {  	s20 =	simm.s32 $0x2000;
	[sflag:s18] =	ssyncadd.s32 $0xFFFFC000  }
0x25: {  	[spmem:s2] =	stream.indirect.scatter.add.f32 [tilespmem:s16], [sflag:$0x3], $0x80, s20, s15, $0xb8;
	[tilespmem:$0x1FC00] =	vst v63  }
0x26: {  	_ =	swait.ge [sflag:s11], $0x4000  }
0x27: {  	p0 =	sle.u32 s7, $0x1;
	[sflag:s11] =	ssyncset.done $0x0  }
0x28: {  	s20 =	simm.s32 @p0 $0x2;
	[sflag:s11] =	ssyncadd.s32 $0xFFFFC000  }
0x29: {  	_ =	swait.ge @p0 [sflag:s20], $0x4000  }
0x2a: {  	s21 =	simm.s32 $0x2080;
	s22 =	simm.s32 @p0 $0x3;
	[sflag:s20] =	ssyncset.done @p0 $0x0  }
0x2b: {  	s23 =	simm.s32 @p0 $0x8000;
	[sflag:s20] =	ssyncadd.s32 @p0 $0xFFFFC000;
	s20 =	simm.s32 @p0 $0x80  }
0x2c: {  	[spmem:s2] =	stream.indirect.scatter.add.f32 @p0 [tilespmem:s23], [sflag:$0x3], $0x80, s21, s20, $0xb8;
	[tilespmem:$0x1FC00] =	vst v63  }
0x2d: {  	_ =	swait.ge @p0 [sflag:s22], $0x4000  }
0x2e: {  	s24 =	simm.s32 @!p0 $0x80;
	s20 =	simm.s32 @!p0 $0x4000;
	[sflag:s22] =	ssyncset.done @p0 $0x0  }
0x2f: {  	s23 =	simm.s32 @!p0 $0x2;
	[sflag:s22] =	ssyncadd.s32 @p0 $0xFFFFC000;
	s22 =	simm.s32 @!p0 $0x100  }
0x30: {  	[tilespmem:s20], [sflag:$0x1] =	stream.indirect.gather @!p0 [hbm4b:s4+s24], $0x80, s22, s24, $0xb8;
	[tilespmem:$0x1FC00] =	vst v63  }
0x31: {  	_ =	swait.ge @!p0 [sflag:s23], $0x4000  }
0x32: {  	p1 =	sne.s32 s7, $0x1;
	s25 =	simm.s32 @!p0 $0x8000;
	[sflag:s23] =	ssyncset.done @!p0 $0x0  }
.Ltmp0:
0x33: {  	s22 =	simm.s32 @!p0 $0x3;
	[sflag:s23] =	ssyncadd.s32 @!p0 $0xFFFFC000;
	(pc) =	sbr.rel @!p1 .LBB2_3-.Ltmp0, $4  }
0x34: {  	[spmem:s2] =	stream.indirect.scatter.add.f32 @!p0 [tilespmem:s25], [sflag:$0x3], $0x80, s21, s24, $0xb8;
	[tilespmem:$0x1FC00] =	vst v63  }
0x35: {  	_ =	swait.ge @!p0 [sflag:s22], $0x4000  }
0x36: {  	s20 =	simm.s32 $0x1;
	s23 =	simm.s32 $0x2180;
	[sflag:s22] =	ssyncset.done @!p0 $0x0  }
0x37: {  	s21 =	simm.s32 $0x180;
	[sflag:s22] =	ssyncadd.s32 @!p0 $0xFFFFC000;
	s22 =	simm.s32 $0x280  }
.LBB2_2:
0x38: {  	[tilespmem:s25], [sflag:$0x2] =	stream.indirect.gather @!p0 [hbm4b:s4+s24], $0x80, s21, s24, $0xb8;
	[tilespmem:$0x1FC00] =	vst v63  }
0x39: {  	s20 =	sadd.s32 $0x1, s20;
	s21 =	smov.u32 s22;
	_ =	swait.ge [sflag:s18], $0x4000  }
0x3a: {  	p1 =	sne.s32 s7, s20;
	[sflag:s18] =	ssyncset.done $0x0  }
0x3b: {  	s24 =	sadd.s32 $0xFFFFFF80, s23;
	[sflag:s18] =	ssyncadd.s32 $0xFFFFC000  }
0x3c: {  	[spmem:s2] =	stream.indirect.scatter.add.f32 [tilespmem:s16], [sflag:$0x3], $0x80, s24, s15, $0xb8;
	[tilespmem:$0x1FC00] =	vst v63  }
0x3d: {  	_ =	swait.ge [sflag:s11], $0x4000  }
0x3e: {  	p0 =	sge.u32 s20, s7;
	[sflag:s11] =	ssyncset.done $0x0  }
0x3f: {  	s24 =	simm.s32 @p0 $0x2;
	[sflag:s11] =	ssyncadd.s32 $0xFFFFC000  }
0x40: {  	_ =	swait.ge @p0 [sflag:s24], $0x4000  }
0x41: {  	s25 =	simm.s32 @p0 $0x3;
	[sflag:s24] =	ssyncset.done @p0 $0x0  }
0x42: {  	s26 =	simm.s32 @p0 $0x8000;
	[sflag:s24] =	ssyncadd.s32 @p0 $0xFFFFC000;
	s24 =	simm.s32 @p0 $0x80  }
0x43: {  	[spmem:s2] =	stream.indirect.scatter.add.f32 @p0 [tilespmem:s26], [sflag:$0x3], $0x80, s23, s24, $0xb8;
	[tilespmem:$0x1FC00] =	vst v63  }
0x44: {  	_ =	swait.ge @p0 [sflag:s25], $0x4000  }
0x45: {  	s28 =	simm.s32 @!p0 $0x2;
	s26 =	simm.s32 @!p0 $0x4000;
	[sflag:s25] =	ssyncset.done @p0 $0x0  }
0x46: {  	s24 =	simm.s32 @!p0 $0x80;
	[sflag:s25] =	ssyncadd.s32 @p0 $0xFFFFC000;
	s25 =	sadd.s32 @!p0 $0xFFFFFF80, s22  }
0x47: {  	[tilespmem:s26], [sflag:$0x1] =	stream.indirect.gather @!p0 [hbm4b:s4+s24], $0x80, s25, s24, $0xb8;
	[tilespmem:$0x1FC00] =	vst v63  }
0x48: {  	_ =	swait.ge @!p0 [sflag:s28], $0x4000  }
0x49: {  	s26 =	simm.s32 @!p0 $0x3;
	[sflag:s28] =	ssyncset.done @!p0 $0x0  }
.Ltmp1:
0x4a: {  	s25 =	simm.s32 @!p0 $0x8000;
	[sflag:s28] =	ssyncadd.s32 @!p0 $0xFFFFC000;
	(pc) =	sbr.rel @p1 .LBB2_2-.Ltmp1, $4  }
0x4b: {  	[spmem:s2] =	stream.indirect.scatter.add.f32 @!p0 [tilespmem:s25], [sflag:$0x3], $0x80, s23, s24, $0xb8;
	[tilespmem:$0x1FC00] =	vst v63  }
0x4c: {  	_ =	swait.ge @!p0 [sflag:s26], $0x4000  }
0x4d: {  	[sflag:s26] =	ssyncset.done @!p0 $0x0  }
0x4e: {  	s22 =	sadd.s32 $0x100, s22;
	s23 =	sadd.s32 $0x100, s23;
	[sflag:s26] =	ssyncadd.s32 @!p0 $0xFFFFC000  }
.LBB2_3:
0x4f: {  	[tilespmem:s25], [sflag:$0x2] =	stream.indirect.gather @!p0 [hbm4b:s4+s24], $0x80, s21, s24, $0xb8;
	[tilespmem:$0x1FC00] =	vst v63  }
0x50: {  	s19 =	sadd.s32 $0x1, s19  }
0x51: {  	p0 =	sne.s32 s19, s10  }
.Ltmp2:
0x52: {  	[bflag:$0x0] =	sbarrier.arrive $0xFFFF;
	(pc) =	sbr.rel @p0 .LBB2_1-.Ltmp2, $4  }
0x53: {  	[hbm:s9], [sflag:s13] =	dma.local [spmem:s14], $0x2780  }
0x54: {  	_ =	swait.ge [sflag:s11], $0x2780  }
0x55: {  	[sflag:s11] =	ssyncset.done $0x0  }
0x56: {  	[sflag:s11] =	ssyncadd.s32 $0xFFFFD880  }
0x57: {  	_ =	sfence.sel $0x180000  }
0x58: {  	[bflag:$0x0] =	sbarrier.arrive $0xFFFF  }
0x59: {  	p0 =	sne.s32 s1, $0x0;
	_ =	strace $0x9000004A  }
0x5a: {  	s0 =	sadd.s32 @!p0 $0x100000, s0;
	[bflag:$0x2] =	sbarrier.arrive $0xFFFF  }
0x5b: {  	[sflag:s0] =	ssyncadd.tile.s32 @!p0 $0x1;
	_ =	shalt  }
.Lfunc_end2:
_tile_overlayer_lowered:
.L_overlay_start_2:
0x5c: {  	(tag) =	ssettag $0x2  }
0x5d: {  	s0 =	rddreg [dreg:$0x0];
	s2 =	stileid.u32  }
0x5e: {  	s1 =	rddreg [dreg:$0x1];
	p0 =	sne.s32 s2, $0x0  }
0x5f: {  	s3 =	rddreg [dreg:$0x2];
	[bflag:$0x3] =	sbarrier.arrive $0xFFFF;
	s2 =	simm.s32 @!p0 $0x1C03  }
0x60: {  	[timem:s3], [sflag:s2] =	dma.local @!p0 [hbm:s0], s1  }
0x61: {  	s0 =	simm.s32 @!p0 $0x3  }
0x62: {  	_ =	swait.ge @!p0 [sflag:s0], s1  }
0x63: {  	s1 =	ssub.s32 @!p0 $0x0, s1;
	[sflag:s0] =	ssyncset.done @!p0 $0x0  }
0x64: {  	[sflag:s0] =	ssyncadd.s32 @!p0 s1  }
0x65: {  	[bflag:$0x3] =	sbarrier.arrive $0xFFFF  }
0x66: {  	_ =	shalt  }

// kernel: kernel.18.cloned.1.call-start
scs
__scs_entry_jumppad:
0x0: {  	(pc) =	sbr.rel $0x88, $3  }
0x1: {  	(tag) =	ssettag $0x0;
	lr =	simm.s32 $0x1  }
0x2: {  	[smem:$0x3F93] =	sst lr;
	_ =	strace $0xD0000000  }
0x3: {  	_ = 	snop  }
0x4: {  	_ = 	snop  }
0x5: {  	_ = 	snop  }
0x6: {  	_ = 	snop  }
0x7: {  	_ = 	snop  }
__scs_overlays_trampoline_lowered:
0x8: {  	[smem:$0x3FA2] =	sst s0  }
0x9: {  	[smem:$0x3FA3] =	sst s1  }
0xa: {  	[smem:$0x3FA4] =	sst s2  }
0xb: {  	[smem:$0x3FA5] =	sst s3  }
0xc: {  	[smem:$0x3FA6] =	sst s4  }
0xd: {  	[smem:$0x3FA7] =	sst s5  }
0xe: {  	[smem:$0x3FA8] =	sst s6  }
0xf: {  	[smem:$0x3FA9] =	sst s7  }
0x10: {  	[smem:$0x3FAA] =	sst s8  }
0x11: {  	[smem:$0x3FAB] =	sst s9;
	s0 =	simm.s32 @!p0 $0x0  }
0x12: {  	s1 =	sld [smem:$0x3F91];
	s0 =	simm.s32 @p0 $0x1  }
0x13: {  	[smem:$0x3FAC] =	sst s0;
	s0 =	simm.s32 @!p1 $0x0  }
0x14: {  	s2 =	sld [smem:$0x3F90];
	s0 =	simm.s32 @p1 $0x1  }
0x15: {  	[smem:$0x3FAD] =	sst s0;
	s0 =	simm.s32 @!p2 $0x0  }
0x16: {  	s3 =	sld [smem:$0x3FDB];
	s0 =	simm.s32 @p2 $0x1  }
0x17: {  	s4 =	simm.s32 $0x1BF5;
	[smem:$0x3FAF] =	sst s0  }
0x18: {  	s0 =	sld [smem:$0x3F92];
	_ =	swait.ge [sflag:s4], $0x0  }
0x19: {  	s7 =	sld [smem:$0x3F93]  }
0x1a: {  	s8 =	sadd.s32 $0xFFFFE003, lr  }
0x1b: {  	s9 =	sadd.s32 $0xFFFFFEF7, lr;
	s5 =	simm.s32 $0xFFFFFFFF;
	p2 =	slt.u32 s8, $0xFFFFF086  }
0x1c: {  	p1 =	slt.u32 s9, $0xF7A;
	s5 =	simm.s32 @!p2 $0x0  }
0x1d: {  	s5 =	simm.s32 @p1 $0x1;
	p0 =	seq.s32 s7, s2  }
0x1e: {  	s7 =	smul.u32 @!p0 $0xF7A, s2;
	p2 =	seq.s32 @!p0 s5, $0x0  }
0x1f: {  	s9 =	smul.u32 $0xF7A, s1;
	s8 =	simm.s32 @!p0 $0x1BF5;
	p2 =	por !p2, p0  }
0x20: {  	[sflag:s8] =	ssyncset.s32 @!p0 $0xFFFFF086;
	s6 =	sadd.s32 @!p0 s3, s7;
	s7 =	simm.s32 @!p0 $0x108  }
0x21: {  	s3 =	sadd.s32 s3, s9;
	s6 =	sadd.s32 @!p0 $0x88, s6;
	s7 =	simm.s32 @p2 $0x1082  }
0x22: {  	[simem:s7], [sflag:s8] =	dma.local @!p0 [hbm:s6], $0xF7A  }
0x23: {  	s9 =	sor.u32 $0xD0000000, s2;
	s6 =	simm.s32 $0x108;
	_ =	swait.ge @!p0 [sflag:s8], $0x0  }
0x24: {  	s3 =	sadd.s32 $0x88, s3;
	s6 =	simm.s32 @!p1 $0x1082;
	[sflag:s4] =	ssyncset.s32 $0xFFFFF086  }
0x25: {  	[simem:s6], [sflag:s4] =	dma.local [hbm:s3], $0xF7A  }
0x26: {  	[smem:$0x3F93] =	sst s1;
	(tag) =	ssettag s2;
	_ =	strace s9  }
0x27: {  	s1 =	sld [smem:$0x3FA3]  }
0x28: {  	s2 =	sld [smem:$0x3FA4]  }
0x29: {  	s4 =	sld [smem:$0x3FA6]  }
0x2a: {  	p0 =	seq.s32 s5, $0x0;
	s5 =	sld [smem:$0x3FA7]  }
0x2b: {  	s6 =	sld [smem:$0x3FA8]  }
0x2c: {  	s7 =	sld [smem:$0x3FA9]  }
0x2d: {  	s3 =	simm.s32 $0x108;
	s8 =	sld [smem:$0x3FAA]  }
0x2e: {  	s3 =	simm.s32 @!p0 $0x1082;
	s9 =	sld [smem:$0x3FAB]  }
0x2f: {  	lr =	sadd.s32 s0, s3;
	s0 =	sld [smem:$0x3FA2]  }
0x30: {  	s3 =	sld [smem:$0x3FA5]  }
0x31: {  	[smem:$0x3FAE] =	sst s10  }
0x32: {  	s10 =	sld [smem:$0x3FAC];
	_ =	sdelay $0x3  }
0x33: {  	p0 =	seq.s32 s10, $0x1;
	s10 =	sld [smem:$0x3FAE];
	_ =	sdelay $0x3  }
0x34: {  	[smem:$0x3FAE] =	sst s10  }
0x35: {  	s10 =	sld [smem:$0x3FAD];
	_ =	sdelay $0x3  }
0x36: {  	p1 =	seq.s32 s10, $0x1;
	s10 =	sld [smem:$0x3FAE];
	_ =	sdelay $0x3  }
0x37: {  	[smem:$0x3FAE] =	sst s10  }
0x38: {  	s10 =	sld [smem:$0x3FAF]  }
0x39: {  	_ = 	snop;
	(pc) =	sbr.ind lr, $3  }
0x3a: {  	_ = 	snop  }
0x3b: {  	_ = 	snop  }
0x3c: {  	p2 =	seq.s32 s10, $0x1;
	s10 =	sld [smem:$0x3FAE]  }
0x3d: {  	_ =	shalt  }
0x3e: {  	_ =	shalt  }
0x3f: {  	_ =	shalt  }
0x40: {  	_ =	shalt  }
0x41: {  	_ =	shalt  }
0x42: {  	_ =	shalt  }
0x43: {  	_ =	shalt  }
0x44: {  	_ =	shalt  }
0x45: {  	_ =	shalt  }
0x46: {  	_ =	shalt  }
0x47: {  	_ =	shalt  }
0x48: {  	_ =	shalt  }
0x49: {  	_ =	shalt  }
0x4a: {  	_ =	shalt  }
0x4b: {  	_ =	shalt  }
0x4c: {  	_ =	shalt  }
0x4d: {  	_ =	shalt  }
0x4e: {  	_ =	shalt  }
0x4f: {  	_ =	shalt  }
0x50: {  	_ =	shalt  }
0x51: {  	_ =	shalt  }
0x52: {  	_ =	shalt  }
0x53: {  	_ =	shalt  }
0x54: {  	_ =	shalt  }
0x55: {  	_ =	shalt  }
0x56: {  	_ =	shalt  }
0x57: {  	_ =	shalt  }
0x58: {  	_ =	shalt  }
0x59: {  	_ =	shalt  }
0x5a: {  	_ =	shalt  }
0x5b: {  	_ =	shalt  }
0x5c: {  	_ =	shalt  }
0x5d: {  	_ =	shalt  }
0x5e: {  	_ =	shalt  }
0x5f: {  	_ =	shalt  }
0x60: {  	_ =	shalt  }
0x61: {  	_ =	shalt  }
0x62: {  	_ =	shalt  }
0x63: {  	_ =	shalt  }
0x64: {  	_ =	shalt  }
0x65: {  	_ =	shalt  }
0x66: {  	_ =	shalt  }
0x67: {  	_ =	shalt  }
0x68: {  	_ =	shalt  }
0x69: {  	_ =	shalt  }
0x6a: {  	_ =	shalt  }
0x6b: {  	_ =	shalt  }
0x6c: {  	_ =	shalt  }
0x6d: {  	_ =	shalt  }
0x6e: {  	_ =	shalt  }
0x6f: {  	_ =	shalt  }
0x70: {  	_ =	shalt  }
0x71: {  	_ =	shalt  }
0x72: {  	_ =	shalt  }
0x73: {  	_ =	shalt  }
0x74: {  	_ =	shalt  }
0x75: {  	_ =	shalt  }
0x76: {  	_ =	shalt  }
0x77: {  	_ =	shalt  }
0x78: {  	_ =	shalt  }
0x79: {  	_ =	shalt  }
0x7a: {  	_ =	shalt  }
0x7b: {  	_ =	shalt  }
0x7c: {  	_ =	shalt  }
0x7d: {  	_ =	shalt  }
0x7e: {  	_ =	shalt  }
0x7f: {  	_ =	shalt  }
0x80: {  	_ =	shalt  }
0x81: {  	_ =	shalt  }
0x82: {  	_ =	shalt  }
0x83: {  	_ =	shalt  }
0x84: {  	_ =	shalt  }
0x85: {  	_ =	shalt  }
0x86: {  	_ =	shalt  }
0x87: {  	_ =	shalt  }
.Lfunc_end0:
.L_simem_size_0:
called_computation.2_lowered:
.L_overlay_start_0:
0x88: {  	s2 =	sld [smem:$0x3FD9]  }
0x89: {  	s3 =	sld [smem:$0x3FFE];
	_ =	sdelay $0x1  }
0x8a: {  	s1 =	srdreg.scid  }
0x8b: {  	s0 =	sand.u32 $0x1, s1  }
0x8c: {  	s16 =	sshll.u32 s0, $0xA;
	s2 =	sadd.s32 s3, s2  }
0x8d: {  	s2 =	sadd.s32 s2, s16  }
0x8e: {  	[smem:$0x3FBA] =	sst s2  }
0x8f: {  	_ = 	snop  }
0x90: {  	(tm) =	ssettm $0x1  }
0x91: {  	s17 =	sld [smem:$0x3FFB];
	_ =	sdelay $0x3  }
0x92: {  	_ =	strace s17  }
0x93: {  	s2 =	sld [smem:$0x3FFC];
	_ =	sdelay $0x3  }
0x94: {  	_ =	strace s2  }
0x95: {  	s2 =	sld [smem:$0x3FFD];
	_ =	sdelay $0x3  }
0x96: {  	_ =	strace s2  }
0x97: {  	_ =	strace $0x8FFFFFFF  }
0x98: {  	s18 =	sld [smem:$0x3FDB];
	_ =	sdelay $0x1  }
0x99: {  	s19 =	simm.s32 $_scs_section_size  }
0x9a: {  	s4 =	simm.s32 $_size__tile_overlayer_lowered;
	s5 =	simm.s32 $_tile_overlayer_lowered  }
0x9b: {  	s22 =	simm.s32 $0x1BFF;
	s21 =	sshll.u32 s5, $0x1;
	s2 =	sadd.s32 s19, s18  }
0x9c: {  	s6 =	simm.s32 $0x0;
	s20 =	sshll.u32 s4, $0x1;
	s4 =	sadd.s32 s21, s2  }
0x9d: {  	[timem:s6], [sflag:s22] =	dma.local [hbm:s4], s20  }
0x9e: {  	_ =	swait.ge [sflag:s22], s20  }
0x9f: {  	s3 =	ssub.s32 $0x0, s20;
	[sflag:s22] =	ssyncset.done $0x0  }
0xa0: {  	[sflag:s22] =	ssyncadd.s32 s3;
	_ =	sdelay $0x1  }
0xa1: {  	s23 =	simm.s32 $0x1B8B  }
0xa2: {  	_ =	swait.ge [sflag:s23], $0x1  }
0xa3: {  	[sflag:s23] =	ssyncset.done $0x0  }
0xa4: {  	s25 =	simm.s32 $0x1B8E;
	s24 =	sld [smem:$0x3FFE];
	[sflag:s23] =	ssyncadd.s32 $0xFFFFFFFF  }
0xa5: {  	s26 =	simm.s32 $execute0_lowered;
	[smem:$0x3FD2] =	sst s25  }
0xa6: {  	s4 =	sshll.u32 s26, $0x1;
	_ =	strace $0x8000004C;
	[dreg:$0x1] =	wrdreg $0xFFFFFFFF  }
0xa7: {  	s28 =	simm.s32 $_size_execute0_lowered;
	s2 =	sadd.s32 s2, s4;
	[dreg:$0x0] =	wrdreg $0x0  }
0xa8: {  	s4 =	sshll.u32 s28, $0x1;
	[dreg:$0x2] =	wrdreg s2  }
0xa9: {  	[dreg:$0x3] =	wrdreg s4  }
0xaa: {  	[dreg:$0x4] =	wrdreg $0xC0  }
0xab: {  	_ =	task [dreg:s6], $0x5FFFF  }
0xac: {  	[dreg:$0x1] =	wrdreg $0xFFFFFFFF  }
0xad: {  	[dreg:$0x0] =	wrdreg $0x60  }
0xae: {  	[dreg:$0x2] =	wrdreg s24  }
0xaf: {  	[dreg:$0x3] =	wrdreg $0xC0000  }
0xb0: {  	[dreg:$0x4] =	wrdreg $0x9  }
0xb1: {  	_ =	task.clear_ibuf [dreg:s6], $0x5FFFF;
	_ =	strace $0x9000004C  }
0xb2: {  	s29 =	simm.s32 $0x9;
	_ =	strace $0x8000004E  }
0xb3: {  	_ =	swait.ge [sflag:s29], $0x1  }
0xb4: {  	[sflag:s29] =	ssyncadd.s32 $0xFFFFFFFF  }
0xb5: {  	_ =	strace $0x9000004E  }
0xb6: {  	_ =	sfence  }
0xb7: {  	s30 =	sld [smem:$0x0];
	_ =	sdelay $0x2  }
0xb8: {  	s31 =	sshll.u32 s1, $0xD;
	s1 =	sshrl.u32 s1, $0x2  }
0xb9: {  	s3 =	sand.u32 $0x4000, s31;
	s1 =	sadd.s32 s1, s30  }
0xba: {  	s0 =	sor.u32 s3, s0;
	s1 =	sshll.u32 s1, $0x11  }
0xbb: {  	s0 =	sor.u32 s1, s0  }
0xbc: {  	s0 =	sadd.s32 $0x8F2B, s0  }
0xbd: {  	[sflag:s0] =	ssyncadd.remote.s32 $0x1  }
0xbe: {  	_ =	sfence.sel $0xFFFF  }
0xbf: {  	[dreg:$0x0] =	wrdreg $0xFFFFFFFF;
	(pc) =	sbr.abs _section_cstart, $3  }
0xc0: {  	[dreg:$0x1] =	wrdreg $0xFFFFFFFF  }
0xc1: {  	_ =	task.clear_ibuf [dreg:s6], $0x2FFFF;
	_ =	strace $0x9FFFFFFF  }
0xc2: {  	(tm) =	ssettm $0x7FFFFFFF  }
0xc3: {  	_ =	shalt  }
tec
execute0_lowered:
.L_overlay_start_1:
0x0: {  	(tag) =	ssettag $0x1  }
0x1: {  	s5 =	rddreg [dreg:$0x0]  }
0x2: {  	s2 =	rddreg [dreg:$0x1]  }
0x3: {  	s0 =	rddreg [dreg:$0x2];
	s4 =	srdreg.scid  }
0x4: {  	s3 =	simm.s32 $0x0;
	s1 =	stileid.u32;
	s15 =	simm.s32 $0x80  }
0x5: {  	s16 =	simm.s32 $0x4000;
	s17 =	simm.s32 $0x8000;
	s18 =	simm.s32 $0x1  }
0x6: {  	s19 =	simm.s32 $0x0;
	s6 =	sand.u32 $0x1, s4;
	[smem:$0x7FF] =	sst s3  }
0x7: {  	s26 =	sshll.u32 s1, $0x8;
	s7 =	sshll.u32 s1, $0xA;
	s9 =	smul.u32 $0x13C00, s1  }
0x8: {  	s4 =	sadd.s32 $0x36A00, s5;
	s11 =	smul.u32 $0x4F000, s1;
	s31 =	sshll.u32 s1, $0x6  }
0x9: {  	p0 =	seq.s32 s6, $0x0;
	s8 =	sor.u32 $0x4000, s26;
	_ =	strace $0x8000004D  }
0xa: {  	s28 =	smul.u32 $0x13C000, s6;
	s6 =	ssub.s32 $0x2, s6;
	s8 =	smov.u32 @p0 s7  }
0xb: {  	s10 =	sshrl.u32 s9, $0x3;
	s29 =	sshrl.u32 s6, $0x1;
	s30 =	sshrl.u32 s11, $0x2  }
0xc: {  	s11 =	simm.s32 $0x3;
	s8 =	sadd.s32 s8, s5;
	s10 =	sadd.s32 s10, s5  }
0xd: {  	s7 =	sadd.s32 s9, s28;
	s13 =	ssub.s32 s6, s29;
	s14 =	sadd.s32 s30, s2  }
0xe: {  	s7 =	sshrl.u32 s7, $0x3;
	s6 =	sadd.s32 $0x9E00, s8;
	s14 =	sshrl.u32 s14, $0x3  }
0xf: {  	s12 =	sadd.s32 s7, s5;
	s5 =	sadd.s32 $0x4A00, s8;
	s7 =	simm.s32 $0x20  }
0x10: {  	s8 =	sadd.s32 $0xF200, s10;
	s10 =	smax.u32 s13, $0x1;
	s13 =	sor.u32 $0x1C03, s31  }
0x11: {  	s7 =	simm.s32 @!p0 $0x8;
	s9 =	sadd.s32 $0xD4A00, s12;
	s12 =	simm.s32 $0x2000  }
.LBB2_1:
0x12: {  	[tilespmem:s3], [sflag:$0x3] =	stream.linear.gather [hbm4b:s5+s3], $0x2000, $0x38;
	[tilespmem:$0x1FC00] =	vst v63  }
0x13: {  	_ =	swait.ge [sflag:s11], $0x2000  }
0x14: {  	[sflag:s11] =	ssyncset.done $0x0  }
0x15: {  	[sflag:s11] =	ssyncadd.s32 $0xFFFFE000  }
0x16: {  	[tilespmem:s12], [sflag:$0x3] =	stream.linear.gather [hbm4b:s6+s3], $0x2000, $0x38;
	[tilespmem:$0x1FC00] =	vst v63  }
0x17: {  	_ =	swait.ge [sflag:s11], $0x2000  }
0x18: {  	[sflag:s11] =	ssyncset.done $0x0  }
0x19: {  	[sflag:s11] =	ssyncadd.s32 $0xFFFFE000  }
0x1a: {  	[spmem:s14], [sflag:s13] =	dma.local [hbm:s8], $0x2780  }
0x1b: {  	_ =	swait.ge [sflag:s11], $0x2780  }
0x1c: {  	[sflag:s11] =	ssyncset.done $0x0  }
0x1d: {  	[sflag:s11] =	ssyncadd.s32 $0xFFFFD880  }
0x1e: {  	[bflag:$0x0] =	sbarrier.arrive $0xFFFF  }
0x1f: {  	[tilespmem:s16], [sflag:$0x1] =	stream.indirect.gather [hbm4b:s4+s15], $0x80, s3, s15, $0xb8;
	[tilespmem:$0x1FC00] =	vst v63  }
0x20: {  	_ = 	snop  }
0x21: {  	[tilespmem:s17], [sflag:$0x2] =	stream.indirect.gather [hbm4b:s4+s15], $0x80, s15, s15, $0xb8;
	[tilespmem:$0x1FC00] =	vst v63  }
0x22: {  	_ =	swait.ge [sflag:s18], $0x4000  }
0x23: {  	[sflag:s18] =	ssyncset.done $0x0  }
0x24: {  	s20 =	simm.s32 $0x2000;
	[sflag:s18] =	ssyncadd.s32 $0xFFFFC000  }
0x25: {  	[spmem:s2] =	stream.indirect.scatter.add.f32 [tilespmem:s16], [sflag:$0x3], $0x80, s20, s15, $0xb8;
	[tilespmem:$0x1FC00] =	vst v63  }
0x26: {  	_ =	swait.ge [sflag:s11], $0x4000  }
0x27: {  	p0 =	sle.u32 s7, $0x1;
	[sflag:s11] =	ssyncset.done $0x0  }
0x28: {  	s20 =	simm.s32 @p0 $0x2;
	[sflag:s11] =	ssyncadd.s32 $0xFFFFC000  }
0x29: {  	_ =	swait.ge @p0 [sflag:s20], $0x4000  }
0x2a: {  	s21 =	simm.s32 $0x2080;
	s22 =	simm.s32 @p0 $0x3;
	[sflag:s20] =	ssyncset.done @p0 $0x0  }
0x2b: {  	s23 =	simm.s32 @p0 $0x8000;
	[sflag:s20] =	ssyncadd.s32 @p0 $0xFFFFC000;
	s20 =	simm.s32 @p0 $0x80  }
0x2c: {  	[spmem:s2] =	stream.indirect.scatter.add.f32 @p0 [tilespmem:s23], [sflag:$0x3], $0x80, s21, s20, $0xb8;
	[tilespmem:$0x1FC00] =	vst v63  }
0x2d: {  	_ =	swait.ge @p0 [sflag:s22], $0x4000  }
0x2e: {  	s24 =	simm.s32 @!p0 $0x80;
	s20 =	simm.s32 @!p0 $0x4000;
	[sflag:s22] =	ssyncset.done @p0 $0x0  }
0x2f: {  	s23 =	simm.s32 @!p0 $0x2;
	[sflag:s22] =	ssyncadd.s32 @p0 $0xFFFFC000;
	s22 =	simm.s32 @!p0 $0x100  }
0x30: {  	[tilespmem:s20], [sflag:$0x1] =	stream.indirect.gather @!p0 [hbm4b:s4+s24], $0x80, s22, s24, $0xb8;
	[tilespmem:$0x1FC00] =	vst v63  }
0x31: {  	_ =	swait.ge @!p0 [sflag:s23], $0x4000  }
0x32: {  	p1 =	sne.s32 s7, $0x1;
	s25 =	simm.s32 @!p0 $0x8000;
	[sflag:s23] =	ssyncset.done @!p0 $0x0  }
.Ltmp0:
0x33: {  	s22 =	simm.s32 @!p0 $0x3;
	[sflag:s23] =	ssyncadd.s32 @!p0 $0xFFFFC000;
	(pc) =	sbr.rel @!p1 .LBB2_3-.Ltmp0, $4  }
0x34: {  	[spmem:s2] =	stream.indirect.scatter.add.f32 @!p0 [tilespmem:s25], [sflag:$0x3], $0x80, s21, s24, $0xb8;
	[tilespmem:$0x1FC00] =	vst v63  }
0x35: {  	_ =	swait.ge @!p0 [sflag:s22], $0x4000  }
0x36: {  	s20 =	simm.s32 $0x1;
	s23 =	simm.s32 $0x2180;
	[sflag:s22] =	ssyncset.done @!p0 $0x0  }
0x37: {  	s21 =	simm.s32 $0x180;
	[sflag:s22] =	ssyncadd.s32 @!p0 $0xFFFFC000;
	s22 =	simm.s32 $0x280  }
.LBB2_2:
0x38: {  	[tilespmem:s25], [sflag:$0x2] =	stream.indirect.gather @!p0 [hbm4b:s4+s24], $0x80, s21, s24, $0xb8;
	[tilespmem:$0x1FC00] =	vst v63  }
0x39: {  	s20 =	sadd.s32 $0x1, s20;
	s21 =	smov.u32 s22;
	_ =	swait.ge [sflag:s18], $0x4000  }
0x3a: {  	p1 =	sne.s32 s7, s20;
	[sflag:s18] =	ssyncset.done $0x0  }
0x3b: {  	s24 =	sadd.s32 $0xFFFFFF80, s23;
	[sflag:s18] =	ssyncadd.s32 $0xFFFFC000  }
0x3c: {  	[spmem:s2] =	stream.indirect.scatter.add.f32 [tilespmem:s16], [sflag:$0x3], $0x80, s24, s15, $0xb8;
	[tilespmem:$0x1FC00] =	vst v63  }
0x3d: {  	_ =	swait.ge [sflag:s11], $0x4000  }
0x3e: {  	p0 =	sge.u32 s20, s7;
	[sflag:s11] =	ssyncset.done $0x0  }
0x3f: {  	s24 =	simm.s32 @p0 $0x2;
	[sflag:s11] =	ssyncadd.s32 $0xFFFFC000  }
0x40: {  	_ =	swait.ge @p0 [sflag:s24], $0x4000  }
0x41: {  	s25 =	simm.s32 @p0 $0x3;
	[sflag:s24] =	ssyncset.done @p0 $0x0  }
0x42: {  	s26 =	simm.s32 @p0 $0x8000;
	[sflag:s24] =	ssyncadd.s32 @p0 $0xFFFFC000;
	s24 =	simm.s32 @p0 $0x80  }
0x43: {  	[spmem:s2] =	stream.indirect.scatter.add.f32 @p0 [tilespmem:s26], [sflag:$0x3], $0x80, s23, s24, $0xb8;
	[tilespmem:$0x1FC00] =	vst v63  }
0x44: {  	_ =	swait.ge @p0 [sflag:s25], $0x4000  }
0x45: {  	s28 =	simm.s32 @!p0 $0x2;
	s26 =	simm.s32 @!p0 $0x4000;
	[sflag:s25] =	ssyncset.done @p0 $0x0  }
0x46: {  	s24 =	simm.s32 @!p0 $0x80;
	[sflag:s25] =	ssyncadd.s32 @p0 $0xFFFFC000;
	s25 =	sadd.s32 @!p0 $0xFFFFFF80, s22  }
0x47: {  	[tilespmem:s26], [sflag:$0x1] =	stream.indirect.gather @!p0 [hbm4b:s4+s24], $0x80, s25, s24, $0xb8;
	[tilespmem:$0x1FC00] =	vst v63  }
0x48: {  	_ =	swait.ge @!p0 [sflag:s28], $0x4000  }
0x49: {  	s26 =	simm.s32 @!p0 $0x3;
	[sflag:s28] =	ssyncset.done @!p0 $0x0  }
.Ltmp1:
0x4a: {  	s25 =	simm.s32 @!p0 $0x8000;
	[sflag:s28] =	ssyncadd.s32 @!p0 $0xFFFFC000;
	(pc) =	sbr.rel @p1 .LBB2_2-.Ltmp1, $4  }
0x4b: {  	[spmem:s2] =	stream.indirect.scatter.add.f32 @!p0 [tilespmem:s25], [sflag:$0x3], $0x80, s23, s24, $0xb8;
	[tilespmem:$0x1FC00] =	vst v63  }
0x4c: {  	_ =	swait.ge @!p0 [sflag:s26], $0x4000  }
0x4d: {  	[sflag:s26] =	ssyncset.done @!p0 $0x0  }
0x4e: {  	s22 =	sadd.s32 $0x100, s22;
	s23 =	sadd.s32 $0x100, s23;
	[sflag:s26] =	ssyncadd.s32 @!p0 $0xFFFFC000  }
.LBB2_3:
0x4f: {  	[tilespmem:s25], [sflag:$0x2] =	stream.indirect.gather @!p0 [hbm4b:s4+s24], $0x80, s21, s24, $0xb8;
	[tilespmem:$0x1FC00] =	vst v63  }
0x50: {  	s19 =	sadd.s32 $0x1, s19  }
0x51: {  	p0 =	sne.s32 s19, s10  }
.Ltmp2:
0x52: {  	[bflag:$0x0] =	sbarrier.arrive $0xFFFF;
	(pc) =	sbr.rel @p0 .LBB2_1-.Ltmp2, $4  }
0x53: {  	[hbm:s9], [sflag:s13] =	dma.local [spmem:s14], $0x2780  }
0x54: {  	_ =	swait.ge [sflag:s11], $0x2780  }
0x55: {  	[sflag:s11] =	ssyncset.done $0x0  }
0x56: {  	[sflag:s11] =	ssyncadd.s32 $0xFFFFD880  }
0x57: {  	_ =	sfence.sel $0x180000  }
0x58: {  	[bflag:$0x0] =	sbarrier.arrive $0xFFFF  }
0x59: {  	p0 =	sne.s32 s1, $0x0;
	_ =	strace $0x9000004D  }
0x5a: {  	s0 =	sadd.s32 @!p0 $0x100000, s0;
	[bflag:$0x2] =	sbarrier.arrive $0xFFFF  }
0x5b: {  	[sflag:s0] =	ssyncadd.tile.s32 @!p0 $0x1;
	_ =	shalt  }
.Lfunc_end2:
_tile_overlayer_lowered:
.L_overlay_start_2:
0x5c: {  	(tag) =	ssettag $0x2  }
0x5d: {  	s0 =	rddreg [dreg:$0x0];
	s2 =	stileid.u32  }
0x5e: {  	s1 =	rddreg [dreg:$0x1];
	p0 =	sne.s32 s2, $0x0  }
0x5f: {  	s3 =	rddreg [dreg:$0x2];
	[bflag:$0x3] =	sbarrier.arrive $0xFFFF;
	s2 =	simm.s32 @!p0 $0x1C03  }
0x60: {  	[timem:s3], [sflag:s2] =	dma.local @!p0 [hbm:s0], s1  }
0x61: {  	s0 =	simm.s32 @!p0 $0x3  }
0x62: {  	_ =	swait.ge @!p0 [sflag:s0], s1  }
0x63: {  	s1 =	ssub.s32 @!p0 $0x0, s1;
	[sflag:s0] =	ssyncset.done @!p0 $0x0  }
0x64: {  	[sflag:s0] =	ssyncadd.s32 @!p0 s1  }
0x65: {  	[bflag:$0x3] =	sbarrier.arrive $0xFFFF  }
0x66: {  	_ =	shalt  }

// kernel: kernel.21.cloned.1.call-start
scs
__scs_entry_jumppad:
0x0: {  	(pc) =	sbr.rel $0x88, $3  }
0x1: {  	(tag) =	ssettag $0x0;
	lr =	simm.s32 $0x1  }
0x2: {  	[smem:$0x3F93] =	sst lr;
	_ =	strace $0xD0000000  }
0x3: {  	_ = 	snop  }
0x4: {  	_ = 	snop  }
0x5: {  	_ = 	snop  }
0x6: {  	_ = 	snop  }
0x7: {  	_ = 	snop  }
__scs_overlays_trampoline_lowered:
0x8: {  	[smem:$0x3FA2] =	sst s0  }
0x9: {  	[smem:$0x3FA3] =	sst s1  }
0xa: {  	[smem:$0x3FA4] =	sst s2  }
0xb: {  	[smem:$0x3FA5] =	sst s3  }
0xc: {  	[smem:$0x3FA6] =	sst s4  }
0xd: {  	[smem:$0x3FA7] =	sst s5  }
0xe: {  	[smem:$0x3FA8] =	sst s6  }
0xf: {  	[smem:$0x3FA9] =	sst s7  }
0x10: {  	[smem:$0x3FAA] =	sst s8  }
0x11: {  	[smem:$0x3FAB] =	sst s9;
	s0 =	simm.s32 @!p0 $0x0  }
0x12: {  	s1 =	sld [smem:$0x3F91];
	s0 =	simm.s32 @p0 $0x1  }
0x13: {  	[smem:$0x3FAC] =	sst s0;
	s0 =	simm.s32 @!p1 $0x0  }
0x14: {  	s2 =	sld [smem:$0x3F90];
	s0 =	simm.s32 @p1 $0x1  }
0x15: {  	[smem:$0x3FAD] =	sst s0;
	s0 =	simm.s32 @!p2 $0x0  }
0x16: {  	s3 =	sld [smem:$0x3FDB];
	s0 =	simm.s32 @p2 $0x1  }
0x17: {  	s4 =	simm.s32 $0x1BF5;
	[smem:$0x3FAF] =	sst s0  }
0x18: {  	s0 =	sld [smem:$0x3F92];
	_ =	swait.ge [sflag:s4], $0x0  }
0x19: {  	s7 =	sld [smem:$0x3F93]  }
0x1a: {  	s8 =	sadd.s32 $0xFFFFE003, lr  }
0x1b: {  	s9 =	sadd.s32 $0xFFFFFEF7, lr;
	s5 =	simm.s32 $0xFFFFFFFF;
	p2 =	slt.u32 s8, $0xFFFFF086  }
0x1c: {  	p1 =	slt.u32 s9, $0xF7A;
	s5 =	simm.s32 @!p2 $0x0  }
0x1d: {  	s5 =	simm.s32 @p1 $0x1;
	p0 =	seq.s32 s7, s2  }
0x1e: {  	s7 =	smul.u32 @!p0 $0xF7A, s2;
	p2 =	seq.s32 @!p0 s5, $0x0  }
0x1f: {  	s9 =	smul.u32 $0xF7A, s1;
	s8 =	simm.s32 @!p0 $0x1BF5;
	p2 =	por !p2, p0  }
0x20: {  	[sflag:s8] =	ssyncset.s32 @!p0 $0xFFFFF086;
	s6 =	sadd.s32 @!p0 s3, s7;
	s7 =	simm.s32 @!p0 $0x108  }
0x21: {  	s3 =	sadd.s32 s3, s9;
	s6 =	sadd.s32 @!p0 $0x88, s6;
	s7 =	simm.s32 @p2 $0x1082  }
0x22: {  	[simem:s7], [sflag:s8] =	dma.local @!p0 [hbm:s6], $0xF7A  }
0x23: {  	s9 =	sor.u32 $0xD0000000, s2;
	s6 =	simm.s32 $0x108;
	_ =	swait.ge @!p0 [sflag:s8], $0x0  }
0x24: {  	s3 =	sadd.s32 $0x88, s3;
	s6 =	simm.s32 @!p1 $0x1082;
	[sflag:s4] =	ssyncset.s32 $0xFFFFF086  }
0x25: {  	[simem:s6], [sflag:s4] =	dma.local [hbm:s3], $0xF7A  }
0x26: {  	[smem:$0x3F93] =	sst s1;
	(tag) =	ssettag s2;
	_ =	strace s9  }
0x27: {  	s1 =	sld [smem:$0x3FA3]  }
0x28: {  	s2 =	sld [smem:$0x3FA4]  }
0x29: {  	s4 =	sld [smem:$0x3FA6]  }
0x2a: {  	p0 =	seq.s32 s5, $0x0;
	s5 =	sld [smem:$0x3FA7]  }
0x2b: {  	s6 =	sld [smem:$0x3FA8]  }
0x2c: {  	s7 =	sld [smem:$0x3FA9]  }
0x2d: {  	s3 =	simm.s32 $0x108;
	s8 =	sld [smem:$0x3FAA]  }
0x2e: {  	s3 =	simm.s32 @!p0 $0x1082;
	s9 =	sld [smem:$0x3FAB]  }
0x2f: {  	lr =	sadd.s32 s0, s3;
	s0 =	sld [smem:$0x3FA2]  }
0x30: {  	s3 =	sld [smem:$0x3FA5]  }
0x31: {  	[smem:$0x3FAE] =	sst s10  }
0x32: {  	s10 =	sld [smem:$0x3FAC];
	_ =	sdelay $0x3  }
0x33: {  	p0 =	seq.s32 s10, $0x1;
	s10 =	sld [smem:$0x3FAE];
	_ =	sdelay $0x3  }
0x34: {  	[smem:$0x3FAE] =	sst s10  }
0x35: {  	s10 =	sld [smem:$0x3FAD];
	_ =	sdelay $0x3  }
0x36: {  	p1 =	seq.s32 s10, $0x1;
	s10 =	sld [smem:$0x3FAE];
	_ =	sdelay $0x3  }
0x37: {  	[smem:$0x3FAE] =	sst s10  }
0x38: {  	s10 =	sld [smem:$0x3FAF]  }
0x39: {  	_ = 	snop;
	(pc) =	sbr.ind lr, $3  }
0x3a: {  	_ = 	snop  }
0x3b: {  	_ = 	snop  }
0x3c: {  	p2 =	seq.s32 s10, $0x1;
	s10 =	sld [smem:$0x3FAE]  }
0x3d: {  	_ =	shalt  }
0x3e: {  	_ =	shalt  }
0x3f: {  	_ =	shalt  }
0x40: {  	_ =	shalt  }
0x41: {  	_ =	shalt  }
0x42: {  	_ =	shalt  }
0x43: {  	_ =	shalt  }
0x44: {  	_ =	shalt  }
0x45: {  	_ =	shalt  }
0x46: {  	_ =	shalt  }
0x47: {  	_ =	shalt  }
0x48: {  	_ =	shalt  }
0x49: {  	_ =	shalt  }
0x4a: {  	_ =	shalt  }
0x4b: {  	_ =	shalt  }
0x4c: {  	_ =	shalt  }
0x4d: {  	_ =	shalt  }
0x4e: {  	_ =	shalt  }
0x4f: {  	_ =	shalt  }
0x50: {  	_ =	shalt  }
0x51: {  	_ =	shalt  }
0x52: {  	_ =	shalt  }
0x53: {  	_ =	shalt  }
0x54: {  	_ =	shalt  }
0x55: {  	_ =	shalt  }
0x56: {  	_ =	shalt  }
0x57: {  	_ =	shalt  }
0x58: {  	_ =	shalt  }
0x59: {  	_ =	shalt  }
0x5a: {  	_ =	shalt  }
0x5b: {  	_ =	shalt  }
0x5c: {  	_ =	shalt  }
0x5d: {  	_ =	shalt  }
0x5e: {  	_ =	shalt  }
0x5f: {  	_ =	shalt  }
0x60: {  	_ =	shalt  }
0x61: {  	_ =	shalt  }
0x62: {  	_ =	shalt  }
0x63: {  	_ =	shalt  }
0x64: {  	_ =	shalt  }
0x65: {  	_ =	shalt  }
0x66: {  	_ =	shalt  }
0x67: {  	_ =	shalt  }
0x68: {  	_ =	shalt  }
0x69: {  	_ =	shalt  }
0x6a: {  	_ =	shalt  }
0x6b: {  	_ =	shalt  }
0x6c: {  	_ =	shalt  }
0x6d: {  	_ =	shalt  }
0x6e: {  	_ =	shalt  }
0x6f: {  	_ =	shalt  }
0x70: {  	_ =	shalt  }
0x71: {  	_ =	shalt  }
0x72: {  	_ =	shalt  }
0x73: {  	_ =	shalt  }
0x74: {  	_ =	shalt  }
0x75: {  	_ =	shalt  }
0x76: {  	_ =	shalt  }
0x77: {  	_ =	shalt  }
0x78: {  	_ =	shalt  }
0x79: {  	_ =	shalt  }
0x7a: {  	_ =	shalt  }
0x7b: {  	_ =	shalt  }
0x7c: {  	_ =	shalt  }
0x7d: {  	_ =	shalt  }
0x7e: {  	_ =	shalt  }
0x7f: {  	_ =	shalt  }
0x80: {  	_ =	shalt  }
0x81: {  	_ =	shalt  }
0x82: {  	_ =	shalt  }
0x83: {  	_ =	shalt  }
0x84: {  	_ =	shalt  }
0x85: {  	_ =	shalt  }
0x86: {  	_ =	shalt  }
0x87: {  	_ =	shalt  }
.Lfunc_end0:
.L_simem_size_0:
called_computation.3_lowered:
.L_overlay_start_0:
0x88: {  	s2 =	sld [smem:$0x3FD9]  }
0x89: {  	s3 =	sld [smem:$0x3FFE];
	_ =	sdelay $0x1  }
0x8a: {  	s1 =	srdreg.scid  }
0x8b: {  	s0 =	sand.u32 $0x1, s1  }
0x8c: {  	s16 =	sshll.u32 s0, $0xA;
	s2 =	sadd.s32 s3, s2  }
0x8d: {  	s2 =	sadd.s32 s2, s16  }
0x8e: {  	[smem:$0x3FBA] =	sst s2  }
0x8f: {  	_ = 	snop  }
0x90: {  	(tm) =	ssettm $0x1  }
0x91: {  	s17 =	sld [smem:$0x3FFB];
	_ =	sdelay $0x3  }
0x92: {  	_ =	strace s17  }
0x93: {  	s2 =	sld [smem:$0x3FFC];
	_ =	sdelay $0x3  }
0x94: {  	_ =	strace s2  }
0x95: {  	s2 =	sld [smem:$0x3FFD];
	_ =	sdelay $0x3  }
0x96: {  	_ =	strace s2  }
0x97: {  	_ =	strace $0x8FFFFFFF  }
0x98: {  	s18 =	sld [smem:$0x3FDB];
	_ =	sdelay $0x1  }
0x99: {  	s19 =	simm.s32 $_scs_section_size  }
0x9a: {  	s4 =	simm.s32 $_size__tile_overlayer_lowered;
	s5 =	simm.s32 $_tile_overlayer_lowered  }
0x9b: {  	s22 =	simm.s32 $0x1BFF;
	s21 =	sshll.u32 s5, $0x1;
	s2 =	sadd.s32 s19, s18  }
0x9c: {  	s6 =	simm.s32 $0x0;
	s20 =	sshll.u32 s4, $0x1;
	s4 =	sadd.s32 s21, s2  }
0x9d: {  	[timem:s6], [sflag:s22] =	dma.local [hbm:s4], s20  }
0x9e: {  	_ =	swait.ge [sflag:s22], s20  }
0x9f: {  	s3 =	ssub.s32 $0x0, s20;
	[sflag:s22] =	ssyncset.done $0x0  }
0xa0: {  	[sflag:s22] =	ssyncadd.s32 s3;
	_ =	sdelay $0x1  }
0xa1: {  	s23 =	simm.s32 $0x1B8B  }
0xa2: {  	_ =	swait.ge [sflag:s23], $0x1  }
0xa3: {  	[sflag:s23] =	ssyncset.done $0x0  }
0xa4: {  	s25 =	simm.s32 $0x1B8E;
	s24 =	sld [smem:$0x3FFE];
	[sflag:s23] =	ssyncadd.s32 $0xFFFFFFFF  }
0xa5: {  	s26 =	simm.s32 $execute0_lowered;
	[smem:$0x3FD2] =	sst s25  }
0xa6: {  	s4 =	sshll.u32 s26, $0x1;
	_ =	strace $0x8000004F;
	[dreg:$0x1] =	wrdreg $0xFFFFFFFF  }
0xa7: {  	s28 =	simm.s32 $_size_execute0_lowered;
	s2 =	sadd.s32 s2, s4;
	[dreg:$0x0] =	wrdreg $0x0  }
0xa8: {  	s4 =	sshll.u32 s28, $0x1;
	[dreg:$0x2] =	wrdreg s2  }
0xa9: {  	[dreg:$0x3] =	wrdreg s4  }
0xaa: {  	[dreg:$0x4] =	wrdreg $0xC0  }
0xab: {  	_ =	task [dreg:s6], $0x5FFFF  }
0xac: {  	[dreg:$0x1] =	wrdreg $0xFFFFFFFF  }
0xad: {  	[dreg:$0x0] =	wrdreg $0x60  }
0xae: {  	[dreg:$0x2] =	wrdreg s24  }
0xaf: {  	[dreg:$0x3] =	wrdreg $0xC0000  }
0xb0: {  	[dreg:$0x4] =	wrdreg $0x9  }
0xb1: {  	_ =	task.clear_ibuf [dreg:s6], $0x5FFFF;
	_ =	strace $0x9000004F  }
0xb2: {  	s29 =	simm.s32 $0x9;
	_ =	strace $0x80000051  }
0xb3: {  	_ =	swait.ge [sflag:s29], $0x1  }
0xb4: {  	[sflag:s29] =	ssyncadd.s32 $0xFFFFFFFF  }
0xb5: {  	_ =	strace $0x90000051  }
0xb6: {  	_ =	sfence  }
0xb7: {  	s30 =	sld [smem:$0x0];
	_ =	sdelay $0x2  }
0xb8: {  	s31 =	sshll.u32 s1, $0xD;
	s1 =	sshrl.u32 s1, $0x2  }
0xb9: {  	s3 =	sand.u32 $0x4000, s31;
	s1 =	sadd.s32 s1, s30  }
0xba: {  	s0 =	sor.u32 s3, s0;
	s1 =	sshll.u32 s1, $0x11  }
0xbb: {  	s0 =	sor.u32 s1, s0  }
0xbc: {  	s0 =	sadd.s32 $0x8F2B, s0  }
0xbd: {  	[sflag:s0] =	ssyncadd.remote.s32 $0x1  }
0xbe: {  	_ =	sfence.sel $0xFFFF  }
0xbf: {  	[dreg:$0x0] =	wrdreg $0xFFFFFFFF;
	(pc) =	sbr.abs _section_cstart, $3  }
0xc0: {  	[dreg:$0x1] =	wrdreg $0xFFFFFFFF  }
0xc1: {  	_ =	task.clear_ibuf [dreg:s6], $0x2FFFF;
	_ =	strace $0x9FFFFFFF  }
0xc2: {  	(tm) =	ssettm $0x7FFFFFFF  }
0xc3: {  	_ =	shalt  }
tec
execute0_lowered:
.L_overlay_start_1:
0x0: {  	(tag) =	ssettag $0x1  }
0x1: {  	s5 =	rddreg [dreg:$0x0]  }
0x2: {  	s2 =	rddreg [dreg:$0x1]  }
0x3: {  	s0 =	rddreg [dreg:$0x2];
	s4 =	srdreg.scid  }
0x4: {  	s3 =	simm.s32 $0x0;
	s1 =	stileid.u32;
	s15 =	simm.s32 $0x80  }
0x5: {  	s16 =	simm.s32 $0x4000;
	s17 =	simm.s32 $0x8000;
	s18 =	simm.s32 $0x1  }
0x6: {  	s19 =	simm.s32 $0x0;
	s6 =	sand.u32 $0x1, s4;
	[smem:$0x7FF] =	sst s3  }
0x7: {  	s26 =	sshll.u32 s1, $0x8;
	s7 =	sshll.u32 s1, $0xA;
	s9 =	smul.u32 $0x13C00, s1  }
0x8: {  	s4 =	sadd.s32 $0x36A00, s5;
	s11 =	smul.u32 $0x4F000, s1;
	s31 =	sshll.u32 s1, $0x6  }
0x9: {  	p0 =	seq.s32 s6, $0x0;
	s8 =	sor.u32 $0x4000, s26;
	_ =	strace $0x80000050  }
0xa: {  	s28 =	smul.u32 $0x13C000, s6;
	s6 =	ssub.s32 $0x2, s6;
	s8 =	smov.u32 @p0 s7  }
0xb: {  	s10 =	sshrl.u32 s9, $0x3;
	s29 =	sshrl.u32 s6, $0x1;
	s30 =	sshrl.u32 s11, $0x2  }
0xc: {  	s11 =	simm.s32 $0x3;
	s8 =	sadd.s32 s8, s5;
	s10 =	sadd.s32 s10, s5  }
0xd: {  	s7 =	sadd.s32 s9, s28;
	s13 =	ssub.s32 s6, s29;
	s14 =	sadd.s32 s30, s2  }
0xe: {  	s7 =	sshrl.u32 s7, $0x3;
	s6 =	sadd.s32 $0x9E00, s8;
	s14 =	sshrl.u32 s14, $0x3  }
0xf: {  	s12 =	sadd.s32 s7, s5;
	s5 =	sadd.s32 $0x4A00, s8;
	s7 =	simm.s32 $0x20  }
0x10: {  	s8 =	sadd.s32 $0xF200, s10;
	s10 =	smax.u32 s13, $0x1;
	s13 =	sor.u32 $0x1C03, s31  }
0x11: {  	s7 =	simm.s32 @!p0 $0x8;
	s9 =	sadd.s32 $0xD4A00, s12;
	s12 =	simm.s32 $0x2000  }
.LBB2_1:
0x12: {  	[tilespmem:s3], [sflag:$0x3] =	stream.linear.gather [hbm4b:s5+s3], $0x2000, $0x38;
	[tilespmem:$0x1FC00] =	vst v63  }
0x13: {  	_ =	swait.ge [sflag:s11], $0x2000  }
0x14: {  	[sflag:s11] =	ssyncset.done $0x0  }
0x15: {  	[sflag:s11] =	ssyncadd.s32 $0xFFFFE000  }
0x16: {  	[tilespmem:s12], [sflag:$0x3] =	stream.linear.gather [hbm4b:s6+s3], $0x2000, $0x38;
	[tilespmem:$0x1FC00] =	vst v63  }
0x17: {  	_ =	swait.ge [sflag:s11], $0x2000  }
0x18: {  	[sflag:s11] =	ssyncset.done $0x0  }
0x19: {  	[sflag:s11] =	ssyncadd.s32 $0xFFFFE000  }
0x1a: {  	[spmem:s14], [sflag:s13] =	dma.local [hbm:s8], $0x2780  }
0x1b: {  	_ =	swait.ge [sflag:s11], $0x2780  }
0x1c: {  	[sflag:s11] =	ssyncset.done $0x0  }
0x1d: {  	[sflag:s11] =	ssyncadd.s32 $0xFFFFD880  }
0x1e: {  	[bflag:$0x0] =	sbarrier.arrive $0xFFFF  }
0x1f: {  	[tilespmem:s16], [sflag:$0x1] =	stream.indirect.gather [hbm4b:s4+s15], $0x80, s3, s15, $0xb8;
	[tilespmem:$0x1FC00] =	vst v63  }
0x20: {  	_ = 	snop  }
0x21: {  	[tilespmem:s17], [sflag:$0x2] =	stream.indirect.gather [hbm4b:s4+s15], $0x80, s15, s15, $0xb8;
	[tilespmem:$0x1FC00] =	vst v63  }
0x22: {  	_ =	swait.ge [sflag:s18], $0x4000  }
0x23: {  	[sflag:s18] =	ssyncset.done $0x0  }
0x24: {  	s20 =	simm.s32 $0x2000;
	[sflag:s18] =	ssyncadd.s32 $0xFFFFC000  }
0x25: {  	[spmem:s2] =	stream.indirect.scatter.add.f32 [tilespmem:s16], [sflag:$0x3], $0x80, s20, s15, $0xb8;
	[tilespmem:$0x1FC00] =	vst v63  }
0x26: {  	_ =	swait.ge [sflag:s11], $0x4000  }
0x27: {  	p0 =	sle.u32 s7, $0x1;
	[sflag:s11] =	ssyncset.done $0x0  }
0x28: {  	s20 =	simm.s32 @p0 $0x2;
	[sflag:s11] =	ssyncadd.s32 $0xFFFFC000  }
0x29: {  	_ =	swait.ge @p0 [sflag:s20], $0x4000  }
0x2a: {  	s21 =	simm.s32 $0x2080;
	s22 =	simm.s32 @p0 $0x3;
	[sflag:s20] =	ssyncset.done @p0 $0x0  }
0x2b: {  	s23 =	simm.s32 @p0 $0x8000;
	[sflag:s20] =	ssyncadd.s32 @p0 $0xFFFFC000;
	s20 =	simm.s32 @p0 $0x80  }
0x2c: {  	[spmem:s2] =	stream.indirect.scatter.add.f32 @p0 [tilespmem:s23], [sflag:$0x3], $0x80, s21, s20, $0xb8;
	[tilespmem:$0x1FC00] =	vst v63  }
0x2d: {  	_ =	swait.ge @p0 [sflag:s22], $0x4000  }
0x2e: {  	s24 =	simm.s32 @!p0 $0x80;
	s20 =	simm.s32 @!p0 $0x4000;
	[sflag:s22] =	ssyncset.done @p0 $0x0  }
0x2f: {  	s23 =	simm.s32 @!p0 $0x2;
	[sflag:s22] =	ssyncadd.s32 @p0 $0xFFFFC000;
	s22 =	simm.s32 @!p0 $0x100  }
0x30: {  	[tilespmem:s20], [sflag:$0x1] =	stream.indirect.gather @!p0 [hbm4b:s4+s24], $0x80, s22, s24, $0xb8;
	[tilespmem:$0x1FC00] =	vst v63  }
0x31: {  	_ =	swait.ge @!p0 [sflag:s23], $0x4000  }
0x32: {  	p1 =	sne.s32 s7, $0x1;
	s25 =	simm.s32 @!p0 $0x8000;
	[sflag:s23] =	ssyncset.done @!p0 $0x0  }
.Ltmp0:
0x33: {  	s22 =	simm.s32 @!p0 $0x3;
	[sflag:s23] =	ssyncadd.s32 @!p0 $0xFFFFC000;
	(pc) =	sbr.rel @!p1 .LBB2_3-.Ltmp0, $4  }
0x34: {  	[spmem:s2] =	stream.indirect.scatter.add.f32 @!p0 [tilespmem:s25], [sflag:$0x3], $0x80, s21, s24, $0xb8;
	[tilespmem:$0x1FC00] =	vst v63  }
0x35: {  	_ =	swait.ge @!p0 [sflag:s22], $0x4000  }
0x36: {  	s20 =	simm.s32 $0x1;
	s23 =	simm.s32 $0x2180;
	[sflag:s22] =	ssyncset.done @!p0 $0x0  }
0x37: {  	s21 =	simm.s32 $0x180;
	[sflag:s22] =	ssyncadd.s32 @!p0 $0xFFFFC000;
	s22 =	simm.s32 $0x280  }
.LBB2_2:
0x38: {  	[tilespmem:s25], [sflag:$0x2] =	stream.indirect.gather @!p0 [hbm4b:s4+s24], $0x80, s21, s24, $0xb8;
	[tilespmem:$0x1FC00] =	vst v63  }
0x39: {  	s20 =	sadd.s32 $0x1, s20;
	s21 =	smov.u32 s22;
	_ =	swait.ge [sflag:s18], $0x4000  }
0x3a: {  	p1 =	sne.s32 s7, s20;
	[sflag:s18] =	ssyncset.done $0x0  }
0x3b: {  	s24 =	sadd.s32 $0xFFFFFF80, s23;
	[sflag:s18] =	ssyncadd.s32 $0xFFFFC000  }
0x3c: {  	[spmem:s2] =	stream.indirect.scatter.add.f32 [tilespmem:s16], [sflag:$0x3], $0x80, s24, s15, $0xb8;
	[tilespmem:$0x1FC00] =	vst v63  }
0x3d: {  	_ =	swait.ge [sflag:s11], $0x4000  }
0x3e: {  	p0 =	sge.u32 s20, s7;
	[sflag:s11] =	ssyncset.done $0x0  }
0x3f: {  	s24 =	simm.s32 @p0 $0x2;
	[sflag:s11] =	ssyncadd.s32 $0xFFFFC000  }
0x40: {  	_ =	swait.ge @p0 [sflag:s24], $0x4000  }
0x41: {  	s25 =	simm.s32 @p0 $0x3;
	[sflag:s24] =	ssyncset.done @p0 $0x0  }
0x42: {  	s26 =	simm.s32 @p0 $0x8000;
	[sflag:s24] =	ssyncadd.s32 @p0 $0xFFFFC000;
	s24 =	simm.s32 @p0 $0x80  }
0x43: {  	[spmem:s2] =	stream.indirect.scatter.add.f32 @p0 [tilespmem:s26], [sflag:$0x3], $0x80, s23, s24, $0xb8;
	[tilespmem:$0x1FC00] =	vst v63  }
0x44: {  	_ =	swait.ge @p0 [sflag:s25], $0x4000  }
0x45: {  	s28 =	simm.s32 @!p0 $0x2;
	s26 =	simm.s32 @!p0 $0x4000;
	[sflag:s25] =	ssyncset.done @p0 $0x0  }
0x46: {  	s24 =	simm.s32 @!p0 $0x80;
	[sflag:s25] =	ssyncadd.s32 @p0 $0xFFFFC000;
	s25 =	sadd.s32 @!p0 $0xFFFFFF80, s22  }
0x47: {  	[tilespmem:s26], [sflag:$0x1] =	stream.indirect.gather @!p0 [hbm4b:s4+s24], $0x80, s25, s24, $0xb8;
	[tilespmem:$0x1FC00] =	vst v63  }
0x48: {  	_ =	swait.ge @!p0 [sflag:s28], $0x4000  }
0x49: {  	s26 =	simm.s32 @!p0 $0x3;
	[sflag:s28] =	ssyncset.done @!p0 $0x0  }
.Ltmp1:
0x4a: {  	s25 =	simm.s32 @!p0 $0x8000;
	[sflag:s28] =	ssyncadd.s32 @!p0 $0xFFFFC000;
	(pc) =	sbr.rel @p1 .LBB2_2-.Ltmp1, $4  }
0x4b: {  	[spmem:s2] =	stream.indirect.scatter.add.f32 @!p0 [tilespmem:s25], [sflag:$0x3], $0x80, s23, s24, $0xb8;
	[tilespmem:$0x1FC00] =	vst v63  }
0x4c: {  	_ =	swait.ge @!p0 [sflag:s26], $0x4000  }
0x4d: {  	[sflag:s26] =	ssyncset.done @!p0 $0x0  }
0x4e: {  	s22 =	sadd.s32 $0x100, s22;
	s23 =	sadd.s32 $0x100, s23;
	[sflag:s26] =	ssyncadd.s32 @!p0 $0xFFFFC000  }
.LBB2_3:
0x4f: {  	[tilespmem:s25], [sflag:$0x2] =	stream.indirect.gather @!p0 [hbm4b:s4+s24], $0x80, s21, s24, $0xb8;
	[tilespmem:$0x1FC00] =	vst v63  }
0x50: {  	s19 =	sadd.s32 $0x1, s19  }
0x51: {  	p0 =	sne.s32 s19, s10  }
.Ltmp2:
0x52: {  	[bflag:$0x0] =	sbarrier.arrive $0xFFFF;
	(pc) =	sbr.rel @p0 .LBB2_1-.Ltmp2, $4  }
0x53: {  	[hbm:s9], [sflag:s13] =	dma.local [spmem:s14], $0x2780  }
0x54: {  	_ =	swait.ge [sflag:s11], $0x2780  }
0x55: {  	[sflag:s11] =	ssyncset.done $0x0  }
0x56: {  	[sflag:s11] =	ssyncadd.s32 $0xFFFFD880  }
0x57: {  	_ =	sfence.sel $0x180000  }
0x58: {  	[bflag:$0x0] =	sbarrier.arrive $0xFFFF  }
0x59: {  	p0 =	sne.s32 s1, $0x0;
	_ =	strace $0x90000050  }
0x5a: {  	s0 =	sadd.s32 @!p0 $0x100000, s0;
	[bflag:$0x2] =	sbarrier.arrive $0xFFFF  }
0x5b: {  	[sflag:s0] =	ssyncadd.tile.s32 @!p0 $0x1;
	_ =	shalt  }
.Lfunc_end2:
_tile_overlayer_lowered:
.L_overlay_start_2:
0x5c: {  	(tag) =	ssettag $0x2  }
0x5d: {  	s0 =	rddreg [dreg:$0x0];
	s2 =	stileid.u32  }
0x5e: {  	s1 =	rddreg [dreg:$0x1];
	p0 =	sne.s32 s2, $0x0  }
0x5f: {  	s3 =	rddreg [dreg:$0x2];
	[bflag:$0x3] =	sbarrier.arrive $0xFFFF;
	s2 =	simm.s32 @!p0 $0x1C03  }
0x60: {  	[timem:s3], [sflag:s2] =	dma.local @!p0 [hbm:s0], s1  }
0x61: {  	s0 =	simm.s32 @!p0 $0x3  }
0x62: {  	_ =	swait.ge @!p0 [sflag:s0], s1  }
0x63: {  	s1 =	ssub.s32 @!p0 $0x0, s1;
	[sflag:s0] =	ssyncset.done @!p0 $0x0  }
0x64: {  	[sflag:s0] =	ssyncadd.s32 @!p0 s1  }
0x65: {  	[bflag:$0x3] =	sbarrier.arrive $0xFFFF  }
0x66: {  	_ =	shalt  }

// kernel: kernel.24.cloned.1.call-start
scs
__scs_entry_jumppad:
0x0: {  	(pc) =	sbr.rel $0x88, $3  }
0x1: {  	(tag) =	ssettag $0x0;
	lr =	simm.s32 $0x1  }
0x2: {  	[smem:$0x3F93] =	sst lr;
	_ =	strace $0xD0000000  }
0x3: {  	_ = 	snop  }
0x4: {  	_ = 	snop  }
0x5: {  	_ = 	snop  }
0x6: {  	_ = 	snop  }
0x7: {  	_ = 	snop  }
__scs_overlays_trampoline_lowered:
0x8: {  	[smem:$0x3FA2] =	sst s0  }
0x9: {  	[smem:$0x3FA3] =	sst s1  }
0xa: {  	[smem:$0x3FA4] =	sst s2  }
0xb: {  	[smem:$0x3FA5] =	sst s3  }
0xc: {  	[smem:$0x3FA6] =	sst s4  }
0xd: {  	[smem:$0x3FA7] =	sst s5  }
0xe: {  	[smem:$0x3FA8] =	sst s6  }
0xf: {  	[smem:$0x3FA9] =	sst s7  }
0x10: {  	[smem:$0x3FAA] =	sst s8  }
0x11: {  	[smem:$0x3FAB] =	sst s9;
	s0 =	simm.s32 @!p0 $0x0  }
0x12: {  	s1 =	sld [smem:$0x3F91];
	s0 =	simm.s32 @p0 $0x1  }
0x13: {  	[smem:$0x3FAC] =	sst s0;
	s0 =	simm.s32 @!p1 $0x0  }
0x14: {  	s2 =	sld [smem:$0x3F90];
	s0 =	simm.s32 @p1 $0x1  }
0x15: {  	[smem:$0x3FAD] =	sst s0;
	s0 =	simm.s32 @!p2 $0x0  }
0x16: {  	s3 =	sld [smem:$0x3FDB];
	s0 =	simm.s32 @p2 $0x1  }
0x17: {  	s4 =	simm.s32 $0x1BF5;
	[smem:$0x3FAF] =	sst s0  }
0x18: {  	s0 =	sld [smem:$0x3F92];
	_ =	swait.ge [sflag:s4], $0x0  }
0x19: {  	s7 =	sld [smem:$0x3F93]  }
0x1a: {  	s8 =	sadd.s32 $0xFFFFE003, lr  }
0x1b: {  	s9 =	sadd.s32 $0xFFFFFEF7, lr;
	s5 =	simm.s32 $0xFFFFFFFF;
	p2 =	slt.u32 s8, $0xFFFFF086  }
0x1c: {  	p1 =	slt.u32 s9, $0xF7A;
	s5 =	simm.s32 @!p2 $0x0  }
0x1d: {  	s5 =	simm.s32 @p1 $0x1;
	p0 =	seq.s32 s7, s2  }
0x1e: {  	s7 =	smul.u32 @!p0 $0xF7A, s2;
	p2 =	seq.s32 @!p0 s5, $0x0  }
0x1f: {  	s9 =	smul.u32 $0xF7A, s1;
	s8 =	simm.s32 @!p0 $0x1BF5;
	p2 =	por !p2, p0  }
0x20: {  	[sflag:s8] =	ssyncset.s32 @!p0 $0xFFFFF086;
	s6 =	sadd.s32 @!p0 s3, s7;
	s7 =	simm.s32 @!p0 $0x108  }
0x21: {  	s3 =	sadd.s32 s3, s9;
	s6 =	sadd.s32 @!p0 $0x88, s6;
	s7 =	simm.s32 @p2 $0x1082  }
0x22: {  	[simem:s7], [sflag:s8] =	dma.local @!p0 [hbm:s6], $0xF7A  }
0x23: {  	s9 =	sor.u32 $0xD0000000, s2;
	s6 =	simm.s32 $0x108;
	_ =	swait.ge @!p0 [sflag:s8], $0x0  }
0x24: {  	s3 =	sadd.s32 $0x88, s3;
	s6 =	simm.s32 @!p1 $0x1082;
	[sflag:s4] =	ssyncset.s32 $0xFFFFF086  }
0x25: {  	[simem:s6], [sflag:s4] =	dma.local [hbm:s3], $0xF7A  }
0x26: {  	[smem:$0x3F93] =	sst s1;
	(tag) =	ssettag s2;
	_ =	strace s9  }
0x27: {  	s1 =	sld [smem:$0x3FA3]  }
0x28: {  	s2 =	sld [smem:$0x3FA4]  }
0x29: {  	s4 =	sld [smem:$0x3FA6]  }
0x2a: {  	p0 =	seq.s32 s5, $0x0;
	s5 =	sld [smem:$0x3FA7]  }
0x2b: {  	s6 =	sld [smem:$0x3FA8]  }
0x2c: {  	s7 =	sld [smem:$0x3FA9]  }
0x2d: {  	s3 =	simm.s32 $0x108;
	s8 =	sld [smem:$0x3FAA]  }
0x2e: {  	s3 =	simm.s32 @!p0 $0x1082;
	s9 =	sld [smem:$0x3FAB]  }
0x2f: {  	lr =	sadd.s32 s0, s3;
	s0 =	sld [smem:$0x3FA2]  }
0x30: {  	s3 =	sld [smem:$0x3FA5]  }
0x31: {  	[smem:$0x3FAE] =	sst s10  }
0x32: {  	s10 =	sld [smem:$0x3FAC];
	_ =	sdelay $0x3  }
0x33: {  	p0 =	seq.s32 s10, $0x1;
	s10 =	sld [smem:$0x3FAE];
	_ =	sdelay $0x3  }
0x34: {  	[smem:$0x3FAE] =	sst s10  }
0x35: {  	s10 =	sld [smem:$0x3FAD];
	_ =	sdelay $0x3  }
0x36: {  	p1 =	seq.s32 s10, $0x1;
	s10 =	sld [smem:$0x3FAE];
	_ =	sdelay $0x3  }
0x37: {  	[smem:$0x3FAE] =	sst s10  }
0x38: {  	s10 =	sld [smem:$0x3FAF]  }
0x39: {  	_ = 	snop;
	(pc) =	sbr.ind lr, $3  }
0x3a: {  	_ = 	snop  }
0x3b: {  	_ = 	snop  }
0x3c: {  	p2 =	seq.s32 s10, $0x1;
	s10 =	sld [smem:$0x3FAE]  }
0x3d: {  	_ =	shalt  }
0x3e: {  	_ =	shalt  }
0x3f: {  	_ =	shalt  }
0x40: {  	_ =	shalt  }
0x41: {  	_ =	shalt  }
0x42: {  	_ =	shalt  }
0x43: {  	_ =	shalt  }
0x44: {  	_ =	shalt  }
0x45: {  	_ =	shalt  }
0x46: {  	_ =	shalt  }
0x47: {  	_ =	shalt  }
0x48: {  	_ =	shalt  }
0x49: {  	_ =	shalt  }
0x4a: {  	_ =	shalt  }
0x4b: {  	_ =	shalt  }
0x4c: {  	_ =	shalt  }
0x4d: {  	_ =	shalt  }
0x4e: {  	_ =	shalt  }
0x4f: {  	_ =	shalt  }
0x50: {  	_ =	shalt  }
0x51: {  	_ =	shalt  }
0x52: {  	_ =	shalt  }
0x53: {  	_ =	shalt  }
0x54: {  	_ =	shalt  }
0x55: {  	_ =	shalt  }
0x56: {  	_ =	shalt  }
0x57: {  	_ =	shalt  }
0x58: {  	_ =	shalt  }
0x59: {  	_ =	shalt  }
0x5a: {  	_ =	shalt  }
0x5b: {  	_ =	shalt  }
0x5c: {  	_ =	shalt  }
0x5d: {  	_ =	shalt  }
0x5e: {  	_ =	shalt  }
0x5f: {  	_ =	shalt  }
0x60: {  	_ =	shalt  }
0x61: {  	_ =	shalt  }
0x62: {  	_ =	shalt  }
0x63: {  	_ =	shalt  }
0x64: {  	_ =	shalt  }
0x65: {  	_ =	shalt  }
0x66: {  	_ =	shalt  }
0x67: {  	_ =	shalt  }
0x68: {  	_ =	shalt  }
0x69: {  	_ =	shalt  }
0x6a: {  	_ =	shalt  }
0x6b: {  	_ =	shalt  }
0x6c: {  	_ =	shalt  }
0x6d: {  	_ =	shalt  }
0x6e: {  	_ =	shalt  }
0x6f: {  	_ =	shalt  }
0x70: {  	_ =	shalt  }
0x71: {  	_ =	shalt  }
0x72: {  	_ =	shalt  }
0x73: {  	_ =	shalt  }
0x74: {  	_ =	shalt  }
0x75: {  	_ =	shalt  }
0x76: {  	_ =	shalt  }
0x77: {  	_ =	shalt  }
0x78: {  	_ =	shalt  }
0x79: {  	_ =	shalt  }
0x7a: {  	_ =	shalt  }
0x7b: {  	_ =	shalt  }
0x7c: {  	_ =	shalt  }
0x7d: {  	_ =	shalt  }
0x7e: {  	_ =	shalt  }
0x7f: {  	_ =	shalt  }
0x80: {  	_ =	shalt  }
0x81: {  	_ =	shalt  }
0x82: {  	_ =	shalt  }
0x83: {  	_ =	shalt  }
0x84: {  	_ =	shalt  }
0x85: {  	_ =	shalt  }
0x86: {  	_ =	shalt  }
0x87: {  	_ =	shalt  }
.Lfunc_end0:
.L_simem_size_0:
called_computation.4_lowered:
.L_overlay_start_0:
0x88: {  	s2 =	sld [smem:$0x3FD9]  }
0x89: {  	s3 =	sld [smem:$0x3FFE];
	_ =	sdelay $0x1  }
0x8a: {  	s1 =	srdreg.scid  }
0x8b: {  	s0 =	sand.u32 $0x1, s1  }
0x8c: {  	s16 =	sshll.u32 s0, $0xA;
	s2 =	sadd.s32 s3, s2  }
0x8d: {  	s2 =	sadd.s32 s2, s16  }
0x8e: {  	[smem:$0x3FBA] =	sst s2  }
0x8f: {  	_ = 	snop  }
0x90: {  	(tm) =	ssettm $0x1  }
0x91: {  	s17 =	sld [smem:$0x3FFB];
	_ =	sdelay $0x3  }
0x92: {  	_ =	strace s17  }
0x93: {  	s2 =	sld [smem:$0x3FFC];
	_ =	sdelay $0x3  }
0x94: {  	_ =	strace s2  }
0x95: {  	s2 =	sld [smem:$0x3FFD];
	_ =	sdelay $0x3  }
0x96: {  	_ =	strace s2  }
0x97: {  	_ =	strace $0x8FFFFFFF  }
0x98: {  	s18 =	sld [smem:$0x3FDB];
	_ =	sdelay $0x1  }
0x99: {  	s19 =	simm.s32 $_scs_section_size  }
0x9a: {  	s4 =	simm.s32 $_size__tile_overlayer_lowered;
	s5 =	simm.s32 $_tile_overlayer_lowered  }
0x9b: {  	s22 =	simm.s32 $0x1BFF;
	s21 =	sshll.u32 s5, $0x1;
	s2 =	sadd.s32 s19, s18  }
0x9c: {  	s6 =	simm.s32 $0x0;
	s20 =	sshll.u32 s4, $0x1;
	s4 =	sadd.s32 s21, s2  }
0x9d: {  	[timem:s6], [sflag:s22] =	dma.local [hbm:s4], s20  }
0x9e: {  	_ =	swait.ge [sflag:s22], s20  }
0x9f: {  	s3 =	ssub.s32 $0x0, s20;
	[sflag:s22] =	ssyncset.done $0x0  }
0xa0: {  	[sflag:s22] =	ssyncadd.s32 s3;
	_ =	sdelay $0x1  }
0xa1: {  	s23 =	simm.s32 $0x1B8B  }
0xa2: {  	_ =	swait.ge [sflag:s23], $0x1  }
0xa3: {  	[sflag:s23] =	ssyncset.done $0x0  }
0xa4: {  	s25 =	simm.s32 $0x1B8E;
	s24 =	sld [smem:$0x3FFE];
	[sflag:s23] =	ssyncadd.s32 $0xFFFFFFFF  }
0xa5: {  	s26 =	simm.s32 $execute0_lowered;
	[smem:$0x3FD2] =	sst s25  }
0xa6: {  	s4 =	sshll.u32 s26, $0x1;
	_ =	strace $0x80000052;
	[dreg:$0x1] =	wrdreg $0xFFFFFFFF  }
0xa7: {  	s28 =	simm.s32 $_size_execute0_lowered;
	s2 =	sadd.s32 s2, s4;
	[dreg:$0x0] =	wrdreg $0x0  }
0xa8: {  	s4 =	sshll.u32 s28, $0x1;
	[dreg:$0x2] =	wrdreg s2  }
0xa9: {  	[dreg:$0x3] =	wrdreg s4  }
0xaa: {  	[dreg:$0x4] =	wrdreg $0xC0  }
0xab: {  	_ =	task [dreg:s6], $0x5FFFF  }
0xac: {  	[dreg:$0x1] =	wrdreg $0xFFFFFFFF  }
0xad: {  	[dreg:$0x0] =	wrdreg $0x60  }
0xae: {  	[dreg:$0x2] =	wrdreg s24  }
0xaf: {  	[dreg:$0x3] =	wrdreg $0xC0000  }
0xb0: {  	[dreg:$0x4] =	wrdreg $0x9  }
0xb1: {  	_ =	task.clear_ibuf [dreg:s6], $0x5FFFF;
	_ =	strace $0x90000052  }
0xb2: {  	s29 =	simm.s32 $0x9;
	_ =	strace $0x80000054  }
0xb3: {  	_ =	swait.ge [sflag:s29], $0x1  }
0xb4: {  	[sflag:s29] =	ssyncadd.s32 $0xFFFFFFFF  }
0xb5: {  	_ =	strace $0x90000054  }
0xb6: {  	_ =	sfence  }
0xb7: {  	s30 =	sld [smem:$0x0];
	_ =	sdelay $0x2  }
0xb8: {  	s31 =	sshll.u32 s1, $0xD;
	s1 =	sshrl.u32 s1, $0x2  }
0xb9: {  	s3 =	sand.u32 $0x4000, s31;
	s1 =	sadd.s32 s1, s30  }
0xba: {  	s0 =	sor.u32 s3, s0;
	s1 =	sshll.u32 s1, $0x11  }
0xbb: {  	s0 =	sor.u32 s1, s0  }
0xbc: {  	s0 =	sadd.s32 $0x8F2B, s0  }
0xbd: {  	[sflag:s0] =	ssyncadd.remote.s32 $0x1  }
0xbe: {  	_ =	sfence.sel $0xFFFF  }
0xbf: {  	[dreg:$0x0] =	wrdreg $0xFFFFFFFF;
	(pc) =	sbr.abs _section_cstart, $3  }
0xc0: {  	[dreg:$0x1] =	wrdreg $0xFFFFFFFF  }
0xc1: {  	_ =	task.clear_ibuf [dreg:s6], $0x2FFFF;
	_ =	strace $0x9FFFFFFF  }
0xc2: {  	(tm) =	ssettm $0x7FFFFFFF  }
0xc3: {  	_ =	shalt  }
tec
execute0_lowered:
.L_overlay_start_1:
0x0: {  	(tag) =	ssettag $0x1  }
0x1: {  	s5 =	rddreg [dreg:$0x0]  }
0x2: {  	s2 =	rddreg [dreg:$0x1]  }
0x3: {  	s0 =	rddreg [dreg:$0x2];
	s4 =	srdreg.scid  }
0x4: {  	s3 =	simm.s32 $0x0;
	s1 =	stileid.u32;
	s15 =	simm.s32 $0x80  }
0x5: {  	s16 =	simm.s32 $0x4000;
	s17 =	simm.s32 $0x8000;
	s18 =	simm.s32 $0x1  }
0x6: {  	s19 =	simm.s32 $0x0;
	s6 =	sand.u32 $0x1, s4;
	[smem:$0x7FF] =	sst s3  }
0x7: {  	s26 =	sshll.u32 s1, $0x8;
	s7 =	sshll.u32 s1, $0xA;
	s9 =	smul.u32 $0x13C00, s1  }
0x8: {  	s4 =	sadd.s32 $0x36A00, s5;
	s11 =	smul.u32 $0x4F000, s1;
	s31 =	sshll.u32 s1, $0x6  }
0x9: {  	p0 =	seq.s32 s6, $0x0;
	s8 =	sor.u32 $0x4000, s26;
	_ =	strace $0x80000053  }
0xa: {  	s28 =	smul.u32 $0x13C000, s6;
	s6 =	ssub.s32 $0x2, s6;
	s8 =	smov.u32 @p0 s7  }
0xb: {  	s10 =	sshrl.u32 s9, $0x3;
	s29 =	sshrl.u32 s6, $0x1;
	s30 =	sshrl.u32 s11, $0x2  }
0xc: {  	s11 =	simm.s32 $0x3;
	s8 =	sadd.s32 s8, s5;
	s10 =	sadd.s32 s10, s5  }
0xd: {  	s7 =	sadd.s32 s9, s28;
	s13 =	ssub.s32 s6, s29;
	s14 =	sadd.s32 s30, s2  }
0xe: {  	s7 =	sshrl.u32 s7, $0x3;
	s6 =	sadd.s32 $0x9E00, s8;
	s14 =	sshrl.u32 s14, $0x3  }
0xf: {  	s12 =	sadd.s32 s7, s5;
	s5 =	sadd.s32 $0x4A00, s8;
	s7 =	simm.s32 $0x20  }
0x10: {  	s8 =	sadd.s32 $0xF200, s10;
	s10 =	smax.u32 s13, $0x1;
	s13 =	sor.u32 $0x1C03, s31  }
0x11: {  	s7 =	simm.s32 @!p0 $0x8;
	s9 =	sadd.s32 $0xD4A00, s12;
	s12 =	simm.s32 $0x2000  }
.LBB2_1:
0x12: {  	[tilespmem:s3], [sflag:$0x3] =	stream.linear.gather [hbm4b:s5+s3], $0x2000, $0x38;
	[tilespmem:$0x1FC00] =	vst v63  }
0x13: {  	_ =	swait.ge [sflag:s11], $0x2000  }
0x14: {  	[sflag:s11] =	ssyncset.done $0x0  }
0x15: {  	[sflag:s11] =	ssyncadd.s32 $0xFFFFE000  }
0x16: {  	[tilespmem:s12], [sflag:$0x3] =	stream.linear.gather [hbm4b:s6+s3], $0x2000, $0x38;
	[tilespmem:$0x1FC00] =	vst v63  }
0x17: {  	_ =	swait.ge [sflag:s11], $0x2000  }
0x18: {  	[sflag:s11] =	ssyncset.done $0x0  }
0x19: {  	[sflag:s11] =	ssyncadd.s32 $0xFFFFE000  }
0x1a: {  	[spmem:s14], [sflag:s13] =	dma.local [hbm:s8], $0x2780  }
0x1b: {  	_ =	swait.ge [sflag:s11], $0x2780  }
0x1c: {  	[sflag:s11] =	ssyncset.done $0x0  }
0x1d: {  	[sflag:s11] =	ssyncadd.s32 $0xFFFFD880  }
0x1e: {  	[bflag:$0x0] =	sbarrier.arrive $0xFFFF  }
0x1f: {  	[tilespmem:s16], [sflag:$0x1] =	stream.indirect.gather [hbm4b:s4+s15], $0x80, s3, s15, $0xb8;
	[tilespmem:$0x1FC00] =	vst v63  }
0x20: {  	_ = 	snop  }
0x21: {  	[tilespmem:s17], [sflag:$0x2] =	stream.indirect.gather [hbm4b:s4+s15], $0x80, s15, s15, $0xb8;
	[tilespmem:$0x1FC00] =	vst v63  }
0x22: {  	_ =	swait.ge [sflag:s18], $0x4000  }
0x23: {  	[sflag:s18] =	ssyncset.done $0x0  }
0x24: {  	s20 =	simm.s32 $0x2000;
	[sflag:s18] =	ssyncadd.s32 $0xFFFFC000  }
0x25: {  	[spmem:s2] =	stream.indirect.scatter.add.f32 [tilespmem:s16], [sflag:$0x3], $0x80, s20, s15, $0xb8;
	[tilespmem:$0x1FC00] =	vst v63  }
0x26: {  	_ =	swait.ge [sflag:s11], $0x4000  }
0x27: {  	p0 =	sle.u32 s7, $0x1;
	[sflag:s11] =	ssyncset.done $0x0  }
0x28: {  	s20 =	simm.s32 @p0 $0x2;
	[sflag:s11] =	ssyncadd.s32 $0xFFFFC000  }
0x29: {  	_ =	swait.ge @p0 [sflag:s20], $0x4000  }
0x2a: {  	s21 =	simm.s32 $0x2080;
	s22 =	simm.s32 @p0 $0x3;
	[sflag:s20] =	ssyncset.done @p0 $0x0  }
0x2b: {  	s23 =	simm.s32 @p0 $0x8000;
	[sflag:s20] =	ssyncadd.s32 @p0 $0xFFFFC000;
	s20 =	simm.s32 @p0 $0x80  }
0x2c: {  	[spmem:s2] =	stream.indirect.scatter.add.f32 @p0 [tilespmem:s23], [sflag:$0x3], $0x80, s21, s20, $0xb8;
	[tilespmem:$0x1FC00] =	vst v63  }
0x2d: {  	_ =	swait.ge @p0 [sflag:s22], $0x4000  }
0x2e: {  	s24 =	simm.s32 @!p0 $0x80;
	s20 =	simm.s32 @!p0 $0x4000;
	[sflag:s22] =	ssyncset.done @p0 $0x0  }
0x2f: {  	s23 =	simm.s32 @!p0 $0x2;
	[sflag:s22] =	ssyncadd.s32 @p0 $0xFFFFC000;
	s22 =	simm.s32 @!p0 $0x100  }
0x30: {  	[tilespmem:s20], [sflag:$0x1] =	stream.indirect.gather @!p0 [hbm4b:s4+s24], $0x80, s22, s24, $0xb8;
	[tilespmem:$0x1FC00] =	vst v63  }
0x31: {  	_ =	swait.ge @!p0 [sflag:s23], $0x4000  }
0x32: {  	p1 =	sne.s32 s7, $0x1;
	s25 =	simm.s32 @!p0 $0x8000;
	[sflag:s23] =	ssyncset.done @!p0 $0x0  }
.Ltmp0:
0x33: {  	s22 =	simm.s32 @!p0 $0x3;
	[sflag:s23] =	ssyncadd.s32 @!p0 $0xFFFFC000;
	(pc) =	sbr.rel @!p1 .LBB2_3-.Ltmp0, $4  }
0x34: {  	[spmem:s2] =	stream.indirect.scatter.add.f32 @!p0 [tilespmem:s25], [sflag:$0x3], $0x80, s21, s24, $0xb8;
	[tilespmem:$0x1FC00] =	vst v63  }
0x35: {  	_ =	swait.ge @!p0 [sflag:s22], $0x4000  }
0x36: {  	s20 =	simm.s32 $0x1;
	s23 =	simm.s32 $0x2180;
	[sflag:s22] =	ssyncset.done @!p0 $0x0  }
0x37: {  	s21 =	simm.s32 $0x180;
	[sflag:s22] =	ssyncadd.s32 @!p0 $0xFFFFC000;
	s22 =	simm.s32 $0x280  }
.LBB2_2:
0x38: {  	[tilespmem:s25], [sflag:$0x2] =	stream.indirect.gather @!p0 [hbm4b:s4+s24], $0x80, s21, s24, $0xb8;
	[tilespmem:$0x1FC00] =	vst v63  }
0x39: {  	s20 =	sadd.s32 $0x1, s20;
	s21 =	smov.u32 s22;
	_ =	swait.ge [sflag:s18], $0x4000  }
0x3a: {  	p1 =	sne.s32 s7, s20;
	[sflag:s18] =	ssyncset.done $0x0  }
0x3b: {  	s24 =	sadd.s32 $0xFFFFFF80, s23;
	[sflag:s18] =	ssyncadd.s32 $0xFFFFC000  }
0x3c: {  	[spmem:s2] =	stream.indirect.scatter.add.f32 [tilespmem:s16], [sflag:$0x3], $0x80, s24, s15, $0xb8;
	[tilespmem:$0x1FC00] =	vst v63  }
0x3d: {  	_ =	swait.ge [sflag:s11], $0x4000  }
0x3e: {  	p0 =	sge.u32 s20, s7;
	[sflag:s11] =	ssyncset.done $0x0  }
0x3f: {  	s24 =	simm.s32 @p0 $0x2;
	[sflag:s11] =	ssyncadd.s32 $0xFFFFC000  }
0x40: {  	_ =	swait.ge @p0 [sflag:s24], $0x4000  }
0x41: {  	s25 =	simm.s32 @p0 $0x3;
	[sflag:s24] =	ssyncset.done @p0 $0x0  }
0x42: {  	s26 =	simm.s32 @p0 $0x8000;
	[sflag:s24] =	ssyncadd.s32 @p0 $0xFFFFC000;
	s24 =	simm.s32 @p0 $0x80  }
0x43: {  	[spmem:s2] =	stream.indirect.scatter.add.f32 @p0 [tilespmem:s26], [sflag:$0x3], $0x80, s23, s24, $0xb8;
	[tilespmem:$0x1FC00] =	vst v63  }
0x44: {  	_ =	swait.ge @p0 [sflag:s25], $0x4000  }
0x45: {  	s28 =	simm.s32 @!p0 $0x2;
	s26 =	simm.s32 @!p0 $0x4000;
	[sflag:s25] =	ssyncset.done @p0 $0x0  }
0x46: {  	s24 =	simm.s32 @!p0 $0x80;
	[sflag:s25] =	ssyncadd.s32 @p0 $0xFFFFC000;
	s25 =	sadd.s32 @!p0 $0xFFFFFF80, s22  }
0x47: {  	[tilespmem:s26], [sflag:$0x1] =	stream.indirect.gather @!p0 [hbm4b:s4+s24], $0x80, s25, s24, $0xb8;
	[tilespmem:$0x1FC00] =	vst v63  }
0x48: {  	_ =	swait.ge @!p0 [sflag:s28], $0x4000  }
0x49: {  	s26 =	simm.s32 @!p0 $0x3;
	[sflag:s28] =	ssyncset.done @!p0 $0x0  }
.Ltmp1:
0x4a: {  	s25 =	simm.s32 @!p0 $0x8000;
	[sflag:s28] =	ssyncadd.s32 @!p0 $0xFFFFC000;
	(pc) =	sbr.rel @p1 .LBB2_2-.Ltmp1, $4  }
0x4b: {  	[spmem:s2] =	stream.indirect.scatter.add.f32 @!p0 [tilespmem:s25], [sflag:$0x3], $0x80, s23, s24, $0xb8;
	[tilespmem:$0x1FC00] =	vst v63  }
0x4c: {  	_ =	swait.ge @!p0 [sflag:s26], $0x4000  }
0x4d: {  	[sflag:s26] =	ssyncset.done @!p0 $0x0  }
0x4e: {  	s22 =	sadd.s32 $0x100, s22;
	s23 =	sadd.s32 $0x100, s23;
	[sflag:s26] =	ssyncadd.s32 @!p0 $0xFFFFC000  }
.LBB2_3:
0x4f: {  	[tilespmem:s25], [sflag:$0x2] =	stream.indirect.gather @!p0 [hbm4b:s4+s24], $0x80, s21, s24, $0xb8;
	[tilespmem:$0x1FC00] =	vst v63  }
0x50: {  	s19 =	sadd.s32 $0x1, s19  }
0x51: {  	p0 =	sne.s32 s19, s10  }
.Ltmp2:
0x52: {  	[bflag:$0x0] =	sbarrier.arrive $0xFFFF;
	(pc) =	sbr.rel @p0 .LBB2_1-.Ltmp2, $4  }
0x53: {  	[hbm:s9], [sflag:s13] =	dma.local [spmem:s14], $0x2780  }
0x54: {  	_ =	swait.ge [sflag:s11], $0x2780  }
0x55: {  	[sflag:s11] =	ssyncset.done $0x0  }
0x56: {  	[sflag:s11] =	ssyncadd.s32 $0xFFFFD880  }
0x57: {  	_ =	sfence.sel $0x180000  }
0x58: {  	[bflag:$0x0] =	sbarrier.arrive $0xFFFF  }
0x59: {  	p0 =	sne.s32 s1, $0x0;
	_ =	strace $0x90000053  }
0x5a: {  	s0 =	sadd.s32 @!p0 $0x100000, s0;
	[bflag:$0x2] =	sbarrier.arrive $0xFFFF  }
0x5b: {  	[sflag:s0] =	ssyncadd.tile.s32 @!p0 $0x1;
	_ =	shalt  }
.Lfunc_end2:
_tile_overlayer_lowered:
.L_overlay_start_2:
0x5c: {  	(tag) =	ssettag $0x2  }
0x5d: {  	s0 =	rddreg [dreg:$0x0];
	s2 =	stileid.u32  }
0x5e: {  	s1 =	rddreg [dreg:$0x1];
	p0 =	sne.s32 s2, $0x0  }
0x5f: {  	s3 =	rddreg [dreg:$0x2];
	[bflag:$0x3] =	sbarrier.arrive $0xFFFF;
	s2 =	simm.s32 @!p0 $0x1C03  }
0x60: {  	[timem:s3], [sflag:s2] =	dma.local @!p0 [hbm:s0], s1  }
0x61: {  	s0 =	simm.s32 @!p0 $0x3  }
0x62: {  	_ =	swait.ge @!p0 [sflag:s0], s1  }
0x63: {  	s1 =	ssub.s32 @!p0 $0x0, s1;
	[sflag:s0] =	ssyncset.done @!p0 $0x0  }
0x64: {  	[sflag:s0] =	ssyncadd.s32 @!p0 s1  }
0x65: {  	[bflag:$0x3] =	sbarrier.arrive $0xFFFF  }
0x66: {  	_ =	shalt  }

</sc_bundles>
